<compile_context>
chip_gen: v7x
topology: tpu7x:2x2x1
jax: 0.10.2.dev20260603
libtpu: 0.0.44.dev20260713+nightly
codegen_flags: <defaults>
</compile_context>

<pallas_src>
import functools

import jax
import jax.numpy as jnp
from jax import lax
from jax.experimental import pallas as pl
from jax.experimental.pallas import tpu as pltpu
from jax.experimental.pallas import tpu_sc as plsc

NUM_CORES = 2
NUM_SUBCORES = 16
NUM_WORKERS = NUM_CORES * NUM_SUBCORES
NBUF = 10
SLACK = 3
HALVES = 2


def _make_emb_kernel(batch: int, seq: int, vocab: int, d: int):
  per_w = batch // NUM_WORKERS
  half = per_w // HALVES
  n_steps = seq * HALVES
  assert (n_steps - NBUF) % NBUF == 0 and n_steps > NBUF + SLACK
  n_groups = (n_steps - NBUF) // NBUF
  mesh = plsc.VectorSubcoreMesh(core_axis_name="c", subcore_axis_name="s")

  @functools.partial(
      pl.kernel,
      mesh=mesh,
      out_type=jax.ShapeDtypeStruct((seq, batch, d), jnp.float32),
      scratch_types=[
          pltpu.VMEM((seq, per_w), jnp.int32),
          pltpu.VMEM((NBUF, half, d), jnp.float32),
      ] + [pltpu.SemaphoreType.DMA] * (2 * NBUF),
  )
  def emb(idx_hbm, tab_hbm, out_hbm, idx_v, rows_v, *sems):
    gsems, ssems = sems[:NBUF], sems[NBUF:]
    wid = lax.axis_index("s") * NUM_CORES + lax.axis_index("c")
    base = wid * per_w
    pltpu.sync_copy(idx_hbm.at[wid], idx_v)

    def gather_start(step, b):
      l, h = step // HALVES, step % HALVES
      pltpu.async_copy(
          tab_hbm.at[idx_v.at[l, pl.ds(h * half, half)]], rows_v.at[b],
          gsems[b])

    def gather_wait(step, b):
      l, h = step // HALVES, step % HALVES
      pltpu.make_async_copy(
          tab_hbm.at[idx_v.at[l, pl.ds(h * half, half)]], rows_v.at[b],
          gsems[b]).wait()

    def store_start(step, b):
      l, h = step // HALVES, step % HALVES
      pltpu.async_copy(
          rows_v.at[b], out_hbm.at[l, pl.ds(base + h * half, half)], ssems[b])

    def store_wait(step, b):
      l, h = step // HALVES, step % HALVES
      pltpu.make_async_copy(
          rows_v.at[b], out_hbm.at[l, pl.ds(base + h * half, half)],
          ssems[b]).wait()

    for b in range(NBUF):
      gather_start(b, b)
    for s in range(SLACK):
      gather_wait(s, s)
      store_start(s, s)

    def group(g):
      for i in range(NBUF):
        s = SLACK + g * NBUF + i
        b = (SLACK + i) % NBUF
        br = i
        store_wait(s - SLACK, br)
        gather_start(s - SLACK + NBUF, br)
        gather_wait(s, b)
        store_start(s, b)

    pl.loop(0, n_groups)(group)

    for s in range(n_steps - NBUF + SLACK, n_steps):
      store_wait(s - SLACK, (s - SLACK) % NBUF)
      gather_wait(s, s % NBUF)
      store_start(s, s % NBUF)
    for s in range(n_steps - SLACK, n_steps):
      store_wait(s, s % NBUF)

  return emb


def kernel(word_indices, embedding_table):
  batch, seq = word_indices.shape
  vocab, d = embedding_table.shape
  per_w = batch // NUM_WORKERS
  idx3 = word_indices.astype(jnp.int32).reshape(
      NUM_WORKERS, per_w, seq).transpose(0, 2, 1)
  emb = _make_emb_kernel(batch, seq, vocab, d)
  out_t = emb(idx3, embedding_table)
  return jnp.transpose(out_t, (1, 0, 2))

# --- scband reference (transcript-rebuilt; emitter-appended) ---
"""Pipeline reference for scband-text-embedding-3736621548089 (READ-ONLY COPY).

The authoritative reference and input builder live on the scoring server;
editing this copy changes nothing except your own understanding.
"""

import jax, jax.numpy as jnp
import numpy as np

VOCAB_SIZE = 100000
EMBED_DIM = 128
BATCH = 4096
SEQ_LEN = 50

def setup_inputs(seed: int = 0) -> dict:
    key = jax.random.key(seed)
    k_idx, k_tab = jax.random.split(key)
    word_indices = jax.random.randint(k_idx, (BATCH, SEQ_LEN), 0, VOCAB_SIZE, dtype=jnp.int64 if jax.config.jax_enable_x64 else jnp.int32)
    embedding_table = jax.random.normal(k_tab, (VOCAB_SIZE, EMBED_DIM), dtype=jnp.float32)
    return {"word_indices": word_indices, "embedding_table": embedding_table}

def reference(word_indices, embedding_table):
    # out = self.embedding(word_indices)
    out = jnp.take(embedding_table, word_indices, axis=0)  # [B, L, D]
    # return out.squeeze(1)  -- torch squeeze(1) only removes dim 1 if it equals 1
    if out.shape[1] == 1:
        out = jnp.squeeze(out, axis=1)
    return out

if __name__ == "__main__":
    import jax
    _d = setup_inputs()
    print(jax.jit(kernel)(*tuple(_d.values())))

</pallas_src>

<mosaic_0001>
#map = affine_map<(d0, d1) -> (0, 0, 0)>
#map1 = affine_map<(d0, d1) -> (0, 0)>
module attributes {stable_mosaic.version = 14 : i64} {
  func.func @emb(%arg0: i32, %arg1: i32, %arg2: memref<32x50x128xi32, #tpu.memory_space<hbm>>, %arg3: memref<100000x128xf32, #tpu.memory_space<hbm>>, %arg4: memref<50x4096x128xf32, #tpu.memory_space<hbm>>, %arg5: memref<50x128xi32, #tpu.memory_space<vmem>>, %arg6: memref<10x64x128xf32, #tpu.memory_space<vmem>>, %arg7: memref<!tpu.dma_semaphore, #tpu.memory_space<semaphore_mem>>, %arg8: memref<!tpu.dma_semaphore, #tpu.memory_space<semaphore_mem>>, %arg9: memref<!tpu.dma_semaphore, #tpu.memory_space<semaphore_mem>>, %arg10: memref<!tpu.dma_semaphore, #tpu.memory_space<semaphore_mem>>, %arg11: memref<!tpu.dma_semaphore, #tpu.memory_space<semaphore_mem>>, %arg12: memref<!tpu.dma_semaphore, #tpu.memory_space<semaphore_mem>>, %arg13: memref<!tpu.dma_semaphore, #tpu.memory_space<semaphore_mem>>, %arg14: memref<!tpu.dma_semaphore, #tpu.memory_space<semaphore_mem>>, %arg15: memref<!tpu.dma_semaphore, #tpu.memory_space<semaphore_mem>>, %arg16: memref<!tpu.dma_semaphore, #tpu.memory_space<semaphore_mem>>, %arg17: memref<!tpu.dma_semaphore, #tpu.memory_space<semaphore_mem>>, %arg18: memref<!tpu.dma_semaphore, #tpu.memory_space<semaphore_mem>>, %arg19: memref<!tpu.dma_semaphore, #tpu.memory_space<semaphore_mem>>, %arg20: memref<!tpu.dma_semaphore, #tpu.memory_space<semaphore_mem>>, %arg21: memref<!tpu.dma_semaphore, #tpu.memory_space<semaphore_mem>>, %arg22: memref<!tpu.dma_semaphore, #tpu.memory_space<semaphore_mem>>, %arg23: memref<!tpu.dma_semaphore, #tpu.memory_space<semaphore_mem>>, %arg24: memref<!tpu.dma_semaphore, #tpu.memory_space<semaphore_mem>>, %arg25: memref<!tpu.dma_semaphore, #tpu.memory_space<semaphore_mem>>, %arg26: memref<!tpu.dma_semaphore, #tpu.memory_space<semaphore_mem>>) attributes {dimension_semantics = [#tpu.dimension_semantics<core_parallel>, #tpu.dimension_semantics<subcore_parallel>], iteration_bounds = array<i64: 2, 16>, scalar_prefetch = 0 : i64, scratch_operands = 22 : i64, tpu.core_type = #tpu.core_type<sc_vector_subcore>, window_params = [{transform_indices = #map}, {transform_indices = #map1}, {transform_indices = #map}]} {
    %mul3A = arith.constant 2 : i32
    %mul3A_0 = arith.muli %arg1, %mul3A : i32
    %add3A = arith.addi %mul3A_0, %arg0 : i32
    %mul3A_1 = arith.constant 128 : i32
    %mul3A_2 = arith.muli %add3A, %mul3A_1 : i32
    "tpu.region"() ({
      %run_scoped3A = tpu.sem_alloc : memref<!tpu.dma_semaphore, #tpu.memory_space<semaphore_mem>>
      %dma_start3A_605 = arith.constant 0 : i32
      %dma_start3A_606 = arith.constant 0 : i32
      %dma_start3A_607 = tpu.memref_slice %arg2[%add3A, %dma_start3A_605, %dma_start3A_606] : memref<32x50x128xi32, #tpu.memory_space<hbm>> -> memref<1x50x128xi32, #tpu.memory_space<hbm>>
      %dma_start3A_608 = tpu.memref_squeeze %dma_start3A_607 : memref<1x50x128xi32, #tpu.memory_space<hbm>> -> memref<50x128xi32, #tpu.memory_space<hbm>>
      %dma_start3A_609 = arith.constant 0 : i32
      %dma_start3A_610 = arith.constant 0 : i32
      %dma_start3A_611 = tpu.memref_slice %arg2[%add3A, %dma_start3A_609, %dma_start3A_610] : memref<32x50x128xi32, #tpu.memory_space<hbm>> -> memref<1x50x128xi32, #tpu.memory_space<hbm>>
      %dma_start3A_612 = tpu.memref_squeeze %dma_start3A_611 : memref<1x50x128xi32, #tpu.memory_space<hbm>> -> memref<50x128xi32, #tpu.memory_space<hbm>>
      tpu.enqueue_dma source(%dma_start3A_612 : memref<50x128xi32, #tpu.memory_space<hbm>>) target(%arg5 : memref<50x128xi32, #tpu.memory_space<vmem>>) target_semaphore(%run_scoped3A : memref<!tpu.dma_semaphore, #tpu.memory_space<semaphore_mem>>)
      %dma_wait3A_613 = arith.constant 0 : i32
      %dma_wait3A_614 = arith.constant 0 : i32
      %dma_wait3A_615 = tpu.memref_slice %arg2[%add3A, %dma_wait3A_613, %dma_wait3A_614] : memref<32x50x128xi32, #tpu.memory_space<hbm>> -> memref<1x50x128xi32, #tpu.memory_space<hbm>>
      %dma_wait3A_616 = tpu.memref_squeeze %dma_wait3A_615 : memref<1x50x128xi32, #tpu.memory_space<hbm>> -> memref<50x128xi32, #tpu.memory_space<hbm>>
      %dma_wait3A_617 = arith.constant 0 : i32
      %dma_wait3A_618 = arith.constant 0 : i32
      %dma_wait3A_619 = tpu.memref_slice %arg2[%add3A, %dma_wait3A_617, %dma_wait3A_618] : memref<32x50x128xi32, #tpu.memory_space<hbm>> -> memref<1x50x128xi32, #tpu.memory_space<hbm>>
      %dma_wait3A_620 = tpu.memref_squeeze %dma_wait3A_619 : memref<1x50x128xi32, #tpu.memory_space<hbm>> -> memref<50x128xi32, #tpu.memory_space<hbm>>
      tpu.wait_dma2 semaphore(%run_scoped3A : memref<!tpu.dma_semaphore, #tpu.memory_space<semaphore_mem>>) src(%dma_wait3A_620 : memref<50x128xi32, #tpu.memory_space<hbm>>) dst(%arg5 : memref<50x128xi32, #tpu.memory_space<vmem>>)
      tpu.yield
    }) : () -> ()
    %dma_start3A = arith.constant 0 : i32
    %dma_start3A_3 = arith.constant 0 : i32
    %dma_start3A_4 = arith.constant 0 : i32
    %dma_start3A_5 = arith.constant 0 : i32
    %dma_start3A_6 = tpu.memref_slice %arg6[%dma_start3A_3, %dma_start3A_4, %dma_start3A_5] : memref<10x64x128xf32, #tpu.memory_space<vmem>> -> memref<1x64x128xf32, #tpu.memory_space<vmem>>
    %dma_start3A_7 = tpu.memref_squeeze %dma_start3A_6 : memref<1x64x128xf32, #tpu.memory_space<vmem>> -> memref<64x128xf32, #tpu.memory_space<vmem>>
    %dma_start3A_8 = arith.constant 0 : i32
    %dma_start3A_9 = tpu.memref_slice %arg5[%dma_start3A, %dma_start3A_8] : memref<50x128xi32, #tpu.memory_space<vmem>> -> memref<1x64xi32, #tpu.memory_space<vmem>>
    %dma_start3A_10 = tpu.memref_squeeze %dma_start3A_9 : memref<1x64xi32, #tpu.memory_space<vmem>> -> memref<64xi32, #tpu.memory_space<vmem>>
    %dma_start3A_11 = arith.constant 0 : i32
    %dma_start3A_12 = arith.constant 0 : i32
    %dma_start3A_13 = tpu.memref_slice %arg3[%dma_start3A_11, %dma_start3A_12] : memref<100000x128xf32, #tpu.memory_space<hbm>> -> memref<100000x128xf32, #tpu.memory_space<hbm>>
    tpu.enqueue_indirect_dma source(%dma_start3A_13 : memref<100000x128xf32, #tpu.memory_space<hbm>>) target(%dma_start3A_7 : memref<64x128xf32, #tpu.memory_space<vmem>>) offsets(%dma_start3A_10 : memref<64xi32, #tpu.memory_space<vmem>>) semaphore(%arg7 : memref<!tpu.dma_semaphore, #tpu.memory_space<semaphore_mem>>)
    %dma_start3A_14 = arith.constant 0 : i32
    %dma_start3A_15 = arith.constant 1 : i32
    %dma_start3A_16 = arith.constant 0 : i32
    %dma_start3A_17 = arith.constant 0 : i32
    %dma_start3A_18 = tpu.memref_slice %arg6[%dma_start3A_15, %dma_start3A_16, %dma_start3A_17] : memref<10x64x128xf32, #tpu.memory_space<vmem>> -> memref<1x64x128xf32, #tpu.memory_space<vmem>>
    %dma_start3A_19 = tpu.memref_squeeze %dma_start3A_18 : memref<1x64x128xf32, #tpu.memory_space<vmem>> -> memref<64x128xf32, #tpu.memory_space<vmem>>
    %dma_start3A_20 = arith.constant 64 : i32
    %dma_start3A_21 = tpu.memref_slice %arg5[%dma_start3A_14, %dma_start3A_20] : memref<50x128xi32, #tpu.memory_space<vmem>> -> memref<1x64xi32, #tpu.memory_space<vmem>>
    %dma_start3A_22 = tpu.memref_squeeze %dma_start3A_21 : memref<1x64xi32, #tpu.memory_space<vmem>> -> memref<64xi32, #tpu.memory_space<vmem>>
    %dma_start3A_23 = arith.constant 0 : i32
    %dma_start3A_24 = arith.constant 0 : i32
    %dma_start3A_25 = tpu.memref_slice %arg3[%dma_start3A_23, %dma_start3A_24] : memref<100000x128xf32, #tpu.memory_space<hbm>> -> memref<100000x128xf32, #tpu.memory_space<hbm>>
    tpu.enqueue_indirect_dma source(%dma_start3A_25 : memref<100000x128xf32, #tpu.memory_space<hbm>>) target(%dma_start3A_19 : memref<64x128xf32, #tpu.memory_space<vmem>>) offsets(%dma_start3A_22 : memref<64xi32, #tpu.memory_space<vmem>>) semaphore(%arg8 : memref<!tpu.dma_semaphore, #tpu.memory_space<semaphore_mem>>)
    %dma_start3A_26 = arith.constant 1 : i32
    %dma_start3A_27 = arith.constant 2 : i32
    %dma_start3A_28 = arith.constant 0 : i32
    %dma_start3A_29 = arith.constant 0 : i32
    %dma_start3A_30 = tpu.memref_slice %arg6[%dma_start3A_27, %dma_start3A_28, %dma_start3A_29] : memref<10x64x128xf32, #tpu.memory_space<vmem>> -> memref<1x64x128xf32, #tpu.memory_space<vmem>>
    %dma_start3A_31 = tpu.memref_squeeze %dma_start3A_30 : memref<1x64x128xf32, #tpu.memory_space<vmem>> -> memref<64x128xf32, #tpu.memory_space<vmem>>
    %dma_start3A_32 = arith.constant 0 : i32
    %dma_start3A_33 = tpu.memref_slice %arg5[%dma_start3A_26, %dma_start3A_32] : memref<50x128xi32, #tpu.memory_space<vmem>> -> memref<1x64xi32, #tpu.memory_space<vmem>>
    %dma_start3A_34 = tpu.memref_squeeze %dma_start3A_33 : memref<1x64xi32, #tpu.memory_space<vmem>> -> memref<64xi32, #tpu.memory_space<vmem>>
    %dma_start3A_35 = arith.constant 0 : i32
    %dma_start3A_36 = arith.constant 0 : i32
    %dma_start3A_37 = tpu.memref_slice %arg3[%dma_start3A_35, %dma_start3A_36] : memref<100000x128xf32, #tpu.memory_space<hbm>> -> memref<100000x128xf32, #tpu.memory_space<hbm>>
    tpu.enqueue_indirect_dma source(%dma_start3A_37 : memref<100000x128xf32, #tpu.memory_space<hbm>>) target(%dma_start3A_31 : memref<64x128xf32, #tpu.memory_space<vmem>>) offsets(%dma_start3A_34 : memref<64xi32, #tpu.memory_space<vmem>>) semaphore(%arg9 : memref<!tpu.dma_semaphore, #tpu.memory_space<semaphore_mem>>)
    %dma_start3A_38 = arith.constant 1 : i32
    %dma_start3A_39 = arith.constant 3 : i32
    %dma_start3A_40 = arith.constant 0 : i32
    %dma_start3A_41 = arith.constant 0 : i32
    %dma_start3A_42 = tpu.memref_slice %arg6[%dma_start3A_39, %dma_start3A_40, %dma_start3A_41] : memref<10x64x128xf32, #tpu.memory_space<vmem>> -> memref<1x64x128xf32, #tpu.memory_space<vmem>>
    %dma_start3A_43 = tpu.memref_squeeze %dma_start3A_42 : memref<1x64x128xf32, #tpu.memory_space<vmem>> -> memref<64x128xf32, #tpu.memory_space<vmem>>
    %dma_start3A_44 = arith.constant 64 : i32
    %dma_start3A_45 = tpu.memref_slice %arg5[%dma_start3A_38, %dma_start3A_44] : memref<50x128xi32, #tpu.memory_space<vmem>> -> memref<1x64xi32, #tpu.memory_space<vmem>>
    %dma_start3A_46 = tpu.memref_squeeze %dma_start3A_45 : memref<1x64xi32, #tpu.memory_space<vmem>> -> memref<64xi32, #tpu.memory_space<vmem>>
    %dma_start3A_47 = arith.constant 0 : i32
    %dma_start3A_48 = arith.constant 0 : i32
    %dma_start3A_49 = tpu.memref_slice %arg3[%dma_start3A_47, %dma_start3A_48] : memref<100000x128xf32, #tpu.memory_space<hbm>> -> memref<100000x128xf32, #tpu.memory_space<hbm>>
    tpu.enqueue_indirect_dma source(%dma_start3A_49 : memref<100000x128xf32, #tpu.memory_space<hbm>>) target(%dma_start3A_43 : memref<64x128xf32, #tpu.memory_space<vmem>>) offsets(%dma_start3A_46 : memref<64xi32, #tpu.memory_space<vmem>>) semaphore(%arg10 : memref<!tpu.dma_semaphore, #tpu.memory_space<semaphore_mem>>)
    %dma_start3A_50 = arith.constant 2 : i32
    %dma_start3A_51 = arith.constant 4 : i32
    %dma_start3A_52 = arith.constant 0 : i32
    %dma_start3A_53 = arith.constant 0 : i32
    %dma_start3A_54 = tpu.memref_slice %arg6[%dma_start3A_51, %dma_start3A_52, %dma_start3A_53] : memref<10x64x128xf32, #tpu.memory_space<vmem>> -> memref<1x64x128xf32, #tpu.memory_space<vmem>>
    %dma_start3A_55 = tpu.memref_squeeze %dma_start3A_54 : memref<1x64x128xf32, #tpu.memory_space<vmem>> -> memref<64x128xf32, #tpu.memory_space<vmem>>
    %dma_start3A_56 = arith.constant 0 : i32
    %dma_start3A_57 = tpu.memref_slice %arg5[%dma_start3A_50, %dma_start3A_56] : memref<50x128xi32, #tpu.memory_space<vmem>> -> memref<1x64xi32, #tpu.memory_space<vmem>>
    %dma_start3A_58 = tpu.memref_squeeze %dma_start3A_57 : memref<1x64xi32, #tpu.memory_space<vmem>> -> memref<64xi32, #tpu.memory_space<vmem>>
    %dma_start3A_59 = arith.constant 0 : i32
    %dma_start3A_60 = arith.constant 0 : i32
    %dma_start3A_61 = tpu.memref_slice %arg3[%dma_start3A_59, %dma_start3A_60] : memref<100000x128xf32, #tpu.memory_space<hbm>> -> memref<100000x128xf32, #tpu.memory_space<hbm>>
    tpu.enqueue_indirect_dma source(%dma_start3A_61 : memref<100000x128xf32, #tpu.memory_space<hbm>>) target(%dma_start3A_55 : memref<64x128xf32, #tpu.memory_space<vmem>>) offsets(%dma_start3A_58 : memref<64xi32, #tpu.memory_space<vmem>>) semaphore(%arg11 : memref<!tpu.dma_semaphore, #tpu.memory_space<semaphore_mem>>)
    %dma_start3A_62 = arith.constant 2 : i32
    %dma_start3A_63 = arith.constant 5 : i32
    %dma_start3A_64 = arith.constant 0 : i32
    %dma_start3A_65 = arith.constant 0 : i32
    %dma_start3A_66 = tpu.memref_slice %arg6[%dma_start3A_63, %dma_start3A_64, %dma_start3A_65] : memref<10x64x128xf32, #tpu.memory_space<vmem>> -> memref<1x64x128xf32, #tpu.memory_space<vmem>>
    %dma_start3A_67 = tpu.memref_squeeze %dma_start3A_66 : memref<1x64x128xf32, #tpu.memory_space<vmem>> -> memref<64x128xf32, #tpu.memory_space<vmem>>
    %dma_start3A_68 = arith.constant 64 : i32
    %dma_start3A_69 = tpu.memref_slice %arg5[%dma_start3A_62, %dma_start3A_68] : memref<50x128xi32, #tpu.memory_space<vmem>> -> memref<1x64xi32, #tpu.memory_space<vmem>>
    %dma_start3A_70 = tpu.memref_squeeze %dma_start3A_69 : memref<1x64xi32, #tpu.memory_space<vmem>> -> memref<64xi32, #tpu.memory_space<vmem>>
    %dma_start3A_71 = arith.constant 0 : i32
    %dma_start3A_72 = arith.constant 0 : i32
    %dma_start3A_73 = tpu.memref_slice %arg3[%dma_start3A_71, %dma_start3A_72] : memref<100000x128xf32, #tpu.memory_space<hbm>> -> memref<100000x128xf32, #tpu.memory_space<hbm>>
    tpu.enqueue_indirect_dma source(%dma_start3A_73 : memref<100000x128xf32, #tpu.memory_space<hbm>>) target(%dma_start3A_67 : memref<64x128xf32, #tpu.memory_space<vmem>>) offsets(%dma_start3A_70 : memref<64xi32, #tpu.memory_space<vmem>>) semaphore(%arg12 : memref<!tpu.dma_semaphore, #tpu.memory_space<semaphore_mem>>)
    %dma_start3A_74 = arith.constant 3 : i32
    %dma_start3A_75 = arith.constant 6 : i32
    %dma_start3A_76 = arith.constant 0 : i32
    %dma_start3A_77 = arith.constant 0 : i32
    %dma_start3A_78 = tpu.memref_slice %arg6[%dma_start3A_75, %dma_start3A_76, %dma_start3A_77] : memref<10x64x128xf32, #tpu.memory_space<vmem>> -> memref<1x64x128xf32, #tpu.memory_space<vmem>>
    %dma_start3A_79 = tpu.memref_squeeze %dma_start3A_78 : memref<1x64x128xf32, #tpu.memory_space<vmem>> -> memref<64x128xf32, #tpu.memory_space<vmem>>
    %dma_start3A_80 = arith.constant 0 : i32
    %dma_start3A_81 = tpu.memref_slice %arg5[%dma_start3A_74, %dma_start3A_80] : memref<50x128xi32, #tpu.memory_space<vmem>> -> memref<1x64xi32, #tpu.memory_space<vmem>>
    %dma_start3A_82 = tpu.memref_squeeze %dma_start3A_81 : memref<1x64xi32, #tpu.memory_space<vmem>> -> memref<64xi32, #tpu.memory_space<vmem>>
    %dma_start3A_83 = arith.constant 0 : i32
    %dma_start3A_84 = arith.constant 0 : i32
    %dma_start3A_85 = tpu.memref_slice %arg3[%dma_start3A_83, %dma_start3A_84] : memref<100000x128xf32, #tpu.memory_space<hbm>> -> memref<100000x128xf32, #tpu.memory_space<hbm>>
    tpu.enqueue_indirect_dma source(%dma_start3A_85 : memref<100000x128xf32, #tpu.memory_space<hbm>>) target(%dma_start3A_79 : memref<64x128xf32, #tpu.memory_space<vmem>>) offsets(%dma_start3A_82 : memref<64xi32, #tpu.memory_space<vmem>>) semaphore(%arg13 : memref<!tpu.dma_semaphore, #tpu.memory_space<semaphore_mem>>)
    %dma_start3A_86 = arith.constant 3 : i32
    %dma_start3A_87 = arith.constant 7 : i32
    %dma_start3A_88 = arith.constant 0 : i32
    %dma_start3A_89 = arith.constant 0 : i32
    %dma_start3A_90 = tpu.memref_slice %arg6[%dma_start3A_87, %dma_start3A_88, %dma_start3A_89] : memref<10x64x128xf32, #tpu.memory_space<vmem>> -> memref<1x64x128xf32, #tpu.memory_space<vmem>>
    %dma_start3A_91 = tpu.memref_squeeze %dma_start3A_90 : memref<1x64x128xf32, #tpu.memory_space<vmem>> -> memref<64x128xf32, #tpu.memory_space<vmem>>
    %dma_start3A_92 = arith.constant 64 : i32
    %dma_start3A_93 = tpu.memref_slice %arg5[%dma_start3A_86, %dma_start3A_92] : memref<50x128xi32, #tpu.memory_space<vmem>> -> memref<1x64xi32, #tpu.memory_space<vmem>>
    %dma_start3A_94 = tpu.memref_squeeze %dma_start3A_93 : memref<1x64xi32, #tpu.memory_space<vmem>> -> memref<64xi32, #tpu.memory_space<vmem>>
    %dma_start3A_95 = arith.constant 0 : i32
    %dma_start3A_96 = arith.constant 0 : i32
    %dma_start3A_97 = tpu.memref_slice %arg3[%dma_start3A_95, %dma_start3A_96] : memref<100000x128xf32, #tpu.memory_space<hbm>> -> memref<100000x128xf32, #tpu.memory_space<hbm>>
    tpu.enqueue_indirect_dma source(%dma_start3A_97 : memref<100000x128xf32, #tpu.memory_space<hbm>>) target(%dma_start3A_91 : memref<64x128xf32, #tpu.memory_space<vmem>>) offsets(%dma_start3A_94 : memref<64xi32, #tpu.memory_space<vmem>>) semaphore(%arg14 : memref<!tpu.dma_semaphore, #tpu.memory_space<semaphore_mem>>)
    %dma_start3A_98 = arith.constant 4 : i32
    %dma_start3A_99 = arith.constant 8 : i32
    %dma_start3A_100 = arith.constant 0 : i32
    %dma_start3A_101 = arith.constant 0 : i32
    %dma_start3A_102 = tpu.memref_slice %arg6[%dma_start3A_99, %dma_start3A_100, %dma_start3A_101] : memref<10x64x128xf32, #tpu.memory_space<vmem>> -> memref<1x64x128xf32, #tpu.memory_space<vmem>>
    %dma_start3A_103 = tpu.memref_squeeze %dma_start3A_102 : memref<1x64x128xf32, #tpu.memory_space<vmem>> -> memref<64x128xf32, #tpu.memory_space<vmem>>
    %dma_start3A_104 = arith.constant 0 : i32
    %dma_start3A_105 = tpu.memref_slice %arg5[%dma_start3A_98, %dma_start3A_104] : memref<50x128xi32, #tpu.memory_space<vmem>> -> memref<1x64xi32, #tpu.memory_space<vmem>>
    %dma_start3A_106 = tpu.memref_squeeze %dma_start3A_105 : memref<1x64xi32, #tpu.memory_space<vmem>> -> memref<64xi32, #tpu.memory_space<vmem>>
    %dma_start3A_107 = arith.constant 0 : i32
    %dma_start3A_108 = arith.constant 0 : i32
    %dma_start3A_109 = tpu.memref_slice %arg3[%dma_start3A_107, %dma_start3A_108] : memref<100000x128xf32, #tpu.memory_space<hbm>> -> memref<100000x128xf32, #tpu.memory_space<hbm>>
    tpu.enqueue_indirect_dma source(%dma_start3A_109 : memref<100000x128xf32, #tpu.memory_space<hbm>>) target(%dma_start3A_103 : memref<64x128xf32, #tpu.memory_space<vmem>>) offsets(%dma_start3A_106 : memref<64xi32, #tpu.memory_space<vmem>>) semaphore(%arg15 : memref<!tpu.dma_semaphore, #tpu.memory_space<semaphore_mem>>)
    %dma_start3A_110 = arith.constant 4 : i32
    %dma_start3A_111 = arith.constant 9 : i32
    %dma_start3A_112 = arith.constant 0 : i32
    %dma_start3A_113 = arith.constant 0 : i32
    %dma_start3A_114 = tpu.memref_slice %arg6[%dma_start3A_111, %dma_start3A_112, %dma_start3A_113] : memref<10x64x128xf32, #tpu.memory_space<vmem>> -> memref<1x64x128xf32, #tpu.memory_space<vmem>>
    %dma_start3A_115 = tpu.memref_squeeze %dma_start3A_114 : memref<1x64x128xf32, #tpu.memory_space<vmem>> -> memref<64x128xf32, #tpu.memory_space<vmem>>
    %dma_start3A_116 = arith.constant 64 : i32
    %dma_start3A_117 = tpu.memref_slice %arg5[%dma_start3A_110, %dma_start3A_116] : memref<50x128xi32, #tpu.memory_space<vmem>> -> memref<1x64xi32, #tpu.memory_space<vmem>>
    %dma_start3A_118 = tpu.memref_squeeze %dma_start3A_117 : memref<1x64xi32, #tpu.memory_space<vmem>> -> memref<64xi32, #tpu.memory_space<vmem>>
    %dma_start3A_119 = arith.constant 0 : i32
    %dma_start3A_120 = arith.constant 0 : i32
    %dma_start3A_121 = tpu.memref_slice %arg3[%dma_start3A_119, %dma_start3A_120] : memref<100000x128xf32, #tpu.memory_space<hbm>> -> memref<100000x128xf32, #tpu.memory_space<hbm>>
    tpu.enqueue_indirect_dma source(%dma_start3A_121 : memref<100000x128xf32, #tpu.memory_space<hbm>>) target(%dma_start3A_115 : memref<64x128xf32, #tpu.memory_space<vmem>>) offsets(%dma_start3A_118 : memref<64xi32, #tpu.memory_space<vmem>>) semaphore(%arg16 : memref<!tpu.dma_semaphore, #tpu.memory_space<semaphore_mem>>)
    %dma_wait3A = arith.constant 0 : i32
    %dma_wait3A_122 = arith.constant 0 : i32
    %dma_wait3A_123 = arith.constant 0 : i32
    %dma_wait3A_124 = arith.constant 0 : i32
    %dma_wait3A_125 = tpu.memref_slice %arg6[%dma_wait3A_122, %dma_wait3A_123, %dma_wait3A_124] : memref<10x64x128xf32, #tpu.memory_space<vmem>> -> memref<1x64x128xf32, #tpu.memory_space<vmem>>
    %dma_wait3A_126 = tpu.memref_squeeze %dma_wait3A_125 : memref<1x64x128xf32, #tpu.memory_space<vmem>> -> memref<64x128xf32, #tpu.memory_space<vmem>>
    %dma_wait3A_127 = arith.constant 0 : i32
    %dma_wait3A_128 = tpu.memref_slice %arg5[%dma_wait3A, %dma_wait3A_127] : memref<50x128xi32, #tpu.memory_space<vmem>> -> memref<1x64xi32, #tpu.memory_space<vmem>>
    %dma_wait3A_129 = tpu.memref_squeeze %dma_wait3A_128 : memref<1x64xi32, #tpu.memory_space<vmem>> -> memref<64xi32, #tpu.memory_space<vmem>>
    %dma_wait3A_130 = arith.constant 0 : i32
    %dma_wait3A_131 = arith.constant 0 : i32
    %dma_wait3A_132 = tpu.memref_slice %arg3[%dma_wait3A_130, %dma_wait3A_131] : memref<100000x128xf32, #tpu.memory_space<hbm>> -> memref<100000x128xf32, #tpu.memory_space<hbm>>
    tpu.wait_indirect_dma semaphore(%arg7 : memref<!tpu.dma_semaphore, #tpu.memory_space<semaphore_mem>>) src(%dma_wait3A_132 : memref<100000x128xf32, #tpu.memory_space<hbm>>) dst(%dma_wait3A_126 : memref<64x128xf32, #tpu.memory_space<vmem>>)
    %add3A_133 = arith.constant 0 : i32
    %add3A_134 = arith.addi %mul3A_2, %add3A_133 : i32
    %dma_start3A_135 = arith.constant 0 : i32
    %dma_start3A_136 = arith.constant 0 : i32
    %dma_start3A_137 = arith.constant 0 : i32
    %dma_start3A_138 = arith.constant 0 : i32
    %dma_start3A_139 = tpu.memref_slice %arg6[%dma_start3A_135, %dma_start3A_137, %dma_start3A_138] : memref<10x64x128xf32, #tpu.memory_space<vmem>> -> memref<1x64x128xf32, #tpu.memory_space<vmem>>
    %dma_start3A_140 = tpu.memref_squeeze %dma_start3A_139 : memref<1x64x128xf32, #tpu.memory_space<vmem>> -> memref<64x128xf32, #tpu.memory_space<vmem>>
    %dma_start3A_141 = arith.constant 0 : i32
    %dma_start3A_142 = tpu.memref_slice %arg4[%dma_start3A_136, %add3A_134, %dma_start3A_141] : memref<50x4096x128xf32, #tpu.memory_space<hbm>> -> memref<1x64x128xf32, #tpu.memory_space<hbm>>
    %dma_start3A_143 = tpu.memref_squeeze %dma_start3A_142 : memref<1x64x128xf32, #tpu.memory_space<hbm>> -> memref<64x128xf32, #tpu.memory_space<hbm>>
    %dma_start3A_144 = arith.constant 0 : i32
    %dma_start3A_145 = tpu.memref_slice %arg4[%dma_start3A_136, %add3A_134, %dma_start3A_144] : memref<50x4096x128xf32, #tpu.memory_space<hbm>> -> memref<1x64x128xf32, #tpu.memory_space<hbm>>
    %dma_start3A_146 = tpu.memref_squeeze %dma_start3A_145 : memref<1x64x128xf32, #tpu.memory_space<hbm>> -> memref<64x128xf32, #tpu.memory_space<hbm>>
    %dma_start3A_147 = arith.constant 0 : i32
    %dma_start3A_148 = arith.constant 0 : i32
    %dma_start3A_149 = tpu.memref_slice %arg6[%dma_start3A_135, %dma_start3A_147, %dma_start3A_148] : memref<10x64x128xf32, #tpu.memory_space<vmem>> -> memref<1x64x128xf32, #tpu.memory_space<vmem>>
    %dma_start3A_150 = tpu.memref_squeeze %dma_start3A_149 : memref<1x64x128xf32, #tpu.memory_space<vmem>> -> memref<64x128xf32, #tpu.memory_space<vmem>>
    tpu.enqueue_dma source(%dma_start3A_150 : memref<64x128xf32, #tpu.memory_space<vmem>>) target(%dma_start3A_146 : memref<64x128xf32, #tpu.memory_space<hbm>>) target_semaphore(%arg17 : memref<!tpu.dma_semaphore, #tpu.memory_space<semaphore_mem>>)
    %dma_wait3A_151 = arith.constant 0 : i32
    %dma_wait3A_152 = arith.constant 1 : i32
    %dma_wait3A_153 = arith.constant 0 : i32
    %dma_wait3A_154 = arith.constant 0 : i32
    %dma_wait3A_155 = tpu.memref_slice %arg6[%dma_wait3A_152, %dma_wait3A_153, %dma_wait3A_154] : memref<10x64x128xf32, #tpu.memory_space<vmem>> -> memref<1x64x128xf32, #tpu.memory_space<vmem>>
    %dma_wait3A_156 = tpu.memref_squeeze %dma_wait3A_155 : memref<1x64x128xf32, #tpu.memory_space<vmem>> -> memref<64x128xf32, #tpu.memory_space<vmem>>
    %dma_wait3A_157 = arith.constant 64 : i32
    %dma_wait3A_158 = tpu.memref_slice %arg5[%dma_wait3A_151, %dma_wait3A_157] : memref<50x128xi32, #tpu.memory_space<vmem>> -> memref<1x64xi32, #tpu.memory_space<vmem>>
    %dma_wait3A_159 = tpu.memref_squeeze %dma_wait3A_158 : memref<1x64xi32, #tpu.memory_space<vmem>> -> memref<64xi32, #tpu.memory_space<vmem>>
    %dma_wait3A_160 = arith.constant 0 : i32
    %dma_wait3A_161 = arith.constant 0 : i32
    %dma_wait3A_162 = tpu.memref_slice %arg3[%dma_wait3A_160, %dma_wait3A_161] : memref<100000x128xf32, #tpu.memory_space<hbm>> -> memref<100000x128xf32, #tpu.memory_space<hbm>>
    tpu.wait_indirect_dma semaphore(%arg8 : memref<!tpu.dma_semaphore, #tpu.memory_space<semaphore_mem>>) src(%dma_wait3A_162 : memref<100000x128xf32, #tpu.memory_space<hbm>>) dst(%dma_wait3A_156 : memref<64x128xf32, #tpu.memory_space<vmem>>)
    %add3A_163 = arith.constant 64 : i32
    %add3A_164 = arith.addi %mul3A_2, %add3A_163 : i32
    %dma_start3A_165 = arith.constant 1 : i32
    %dma_start3A_166 = arith.constant 0 : i32
    %dma_start3A_167 = arith.constant 0 : i32
    %dma_start3A_168 = arith.constant 0 : i32
    %dma_start3A_169 = tpu.memref_slice %arg6[%dma_start3A_165, %dma_start3A_167, %dma_start3A_168] : memref<10x64x128xf32, #tpu.memory_space<vmem>> -> memref<1x64x128xf32, #tpu.memory_space<vmem>>
    %dma_start3A_170 = tpu.memref_squeeze %dma_start3A_169 : memref<1x64x128xf32, #tpu.memory_space<vmem>> -> memref<64x128xf32, #tpu.memory_space<vmem>>
    %dma_start3A_171 = arith.constant 0 : i32
    %dma_start3A_172 = tpu.memref_slice %arg4[%dma_start3A_166, %add3A_164, %dma_start3A_171] : memref<50x4096x128xf32, #tpu.memory_space<hbm>> -> memref<1x64x128xf32, #tpu.memory_space<hbm>>
    %dma_start3A_173 = tpu.memref_squeeze %dma_start3A_172 : memref<1x64x128xf32, #tpu.memory_space<hbm>> -> memref<64x128xf32, #tpu.memory_space<hbm>>
    %dma_start3A_174 = arith.constant 0 : i32
    %dma_start3A_175 = tpu.memref_slice %arg4[%dma_start3A_166, %add3A_164, %dma_start3A_174] : memref<50x4096x128xf32, #tpu.memory_space<hbm>> -> memref<1x64x128xf32, #tpu.memory_space<hbm>>
    %dma_start3A_176 = tpu.memref_squeeze %dma_start3A_175 : memref<1x64x128xf32, #tpu.memory_space<hbm>> -> memref<64x128xf32, #tpu.memory_space<hbm>>
    %dma_start3A_177 = arith.constant 0 : i32
    %dma_start3A_178 = arith.constant 0 : i32
    %dma_start3A_179 = tpu.memref_slice %arg6[%dma_start3A_165, %dma_start3A_177, %dma_start3A_178] : memref<10x64x128xf32, #tpu.memory_space<vmem>> -> memref<1x64x128xf32, #tpu.memory_space<vmem>>
    %dma_start3A_180 = tpu.memref_squeeze %dma_start3A_179 : memref<1x64x128xf32, #tpu.memory_space<vmem>> -> memref<64x128xf32, #tpu.memory_space<vmem>>
    tpu.enqueue_dma source(%dma_start3A_180 : memref<64x128xf32, #tpu.memory_space<vmem>>) target(%dma_start3A_176 : memref<64x128xf32, #tpu.memory_space<hbm>>) target_semaphore(%arg18 : memref<!tpu.dma_semaphore, #tpu.memory_space<semaphore_mem>>)
    %dma_wait3A_181 = arith.constant 1 : i32
    %dma_wait3A_182 = arith.constant 2 : i32
    %dma_wait3A_183 = arith.constant 0 : i32
    %dma_wait3A_184 = arith.constant 0 : i32
    %dma_wait3A_185 = tpu.memref_slice %arg6[%dma_wait3A_182, %dma_wait3A_183, %dma_wait3A_184] : memref<10x64x128xf32, #tpu.memory_space<vmem>> -> memref<1x64x128xf32, #tpu.memory_space<vmem>>
    %dma_wait3A_186 = tpu.memref_squeeze %dma_wait3A_185 : memref<1x64x128xf32, #tpu.memory_space<vmem>> -> memref<64x128xf32, #tpu.memory_space<vmem>>
    %dma_wait3A_187 = arith.constant 0 : i32
    %dma_wait3A_188 = tpu.memref_slice %arg5[%dma_wait3A_181, %dma_wait3A_187] : memref<50x128xi32, #tpu.memory_space<vmem>> -> memref<1x64xi32, #tpu.memory_space<vmem>>
    %dma_wait3A_189 = tpu.memref_squeeze %dma_wait3A_188 : memref<1x64xi32, #tpu.memory_space<vmem>> -> memref<64xi32, #tpu.memory_space<vmem>>
    %dma_wait3A_190 = arith.constant 0 : i32
    %dma_wait3A_191 = arith.constant 0 : i32
    %dma_wait3A_192 = tpu.memref_slice %arg3[%dma_wait3A_190, %dma_wait3A_191] : memref<100000x128xf32, #tpu.memory_space<hbm>> -> memref<100000x128xf32, #tpu.memory_space<hbm>>
    tpu.wait_indirect_dma semaphore(%arg9 : memref<!tpu.dma_semaphore, #tpu.memory_space<semaphore_mem>>) src(%dma_wait3A_192 : memref<100000x128xf32, #tpu.memory_space<hbm>>) dst(%dma_wait3A_186 : memref<64x128xf32, #tpu.memory_space<vmem>>)
    %add3A_193 = arith.constant 0 : i32
    %add3A_194 = arith.addi %mul3A_2, %add3A_193 : i32
    %dma_start3A_195 = arith.constant 2 : i32
    %dma_start3A_196 = arith.constant 1 : i32
    %dma_start3A_197 = arith.constant 0 : i32
    %dma_start3A_198 = arith.constant 0 : i32
    %dma_start3A_199 = tpu.memref_slice %arg6[%dma_start3A_195, %dma_start3A_197, %dma_start3A_198] : memref<10x64x128xf32, #tpu.memory_space<vmem>> -> memref<1x64x128xf32, #tpu.memory_space<vmem>>
    %dma_start3A_200 = tpu.memref_squeeze %dma_start3A_199 : memref<1x64x128xf32, #tpu.memory_space<vmem>> -> memref<64x128xf32, #tpu.memory_space<vmem>>
    %dma_start3A_201 = arith.constant 0 : i32
    %dma_start3A_202 = tpu.memref_slice %arg4[%dma_start3A_196, %add3A_194, %dma_start3A_201] : memref<50x4096x128xf32, #tpu.memory_space<hbm>> -> memref<1x64x128xf32, #tpu.memory_space<hbm>>
    %dma_start3A_203 = tpu.memref_squeeze %dma_start3A_202 : memref<1x64x128xf32, #tpu.memory_space<hbm>> -> memref<64x128xf32, #tpu.memory_space<hbm>>
    %dma_start3A_204 = arith.constant 0 : i32
    %dma_start3A_205 = tpu.memref_slice %arg4[%dma_start3A_196, %add3A_194, %dma_start3A_204] : memref<50x4096x128xf32, #tpu.memory_space<hbm>> -> memref<1x64x128xf32, #tpu.memory_space<hbm>>
    %dma_start3A_206 = tpu.memref_squeeze %dma_start3A_205 : memref<1x64x128xf32, #tpu.memory_space<hbm>> -> memref<64x128xf32, #tpu.memory_space<hbm>>
    %dma_start3A_207 = arith.constant 0 : i32
    %dma_start3A_208 = arith.constant 0 : i32
    %dma_start3A_209 = tpu.memref_slice %arg6[%dma_start3A_195, %dma_start3A_207, %dma_start3A_208] : memref<10x64x128xf32, #tpu.memory_space<vmem>> -> memref<1x64x128xf32, #tpu.memory_space<vmem>>
    %dma_start3A_210 = tpu.memref_squeeze %dma_start3A_209 : memref<1x64x128xf32, #tpu.memory_space<vmem>> -> memref<64x128xf32, #tpu.memory_space<vmem>>
    tpu.enqueue_dma source(%dma_start3A_210 : memref<64x128xf32, #tpu.memory_space<vmem>>) target(%dma_start3A_206 : memref<64x128xf32, #tpu.memory_space<hbm>>) target_semaphore(%arg19 : memref<!tpu.dma_semaphore, #tpu.memory_space<semaphore_mem>>)
    %scan3A = arith.constant 0 : i32
    %scan3A_211 = arith.constant 9 : i32
    %scan3A_212 = arith.addi %scan3A, %scan3A_211 : i32
    %scan3A_213 = arith.constant 1 : i32
    scf.for %scan3A_605 = %scan3A to %scan3A_212 step %scan3A_213  : i32 {
      %mul3A_606 = arith.constant 1 : i32
      %mul3A_607 = arith.muli %scan3A_605, %mul3A_606 : i32
      %add3A_608 = arith.constant 0 : i32
      %add3A_609 = arith.addi %add3A_608, %mul3A_607 : i32
      %mul3A_610 = arith.constant 10 : i32
      %mul3A_611 = arith.muli %add3A_609, %mul3A_610 : i32
      %add3A_612 = arith.constant 3 : i32
      %add3A_613 = arith.addi %add3A_612, %mul3A_611 : i32
      %add3A_614 = arith.constant 0 : i32
      %add3A_615 = arith.addi %add3A_613, %add3A_614 : i32
      %sub3A = arith.constant 3 : i32
      %sub3A_616 = arith.subi %add3A_615, %sub3A : i32
      %jit3A = arith.constant 2 : i32
      %div3A = arith.divsi %sub3A_616, %jit3A : i32
      %sign3A = arith.constant 0 : i32
      %sign3A_617 = arith.cmpi sgt, %sub3A_616, %sign3A : i32
      %sign3A_618 = arith.extui %sign3A_617 : i1 to i32
      %sign3A_619 = arith.constant 0 : i32
      %sign3A_620 = arith.cmpi slt, %sub3A_616, %sign3A_619 : i32
      %sign3A_621 = arith.extui %sign3A_620 : i1 to i32
      %sign3A_622 = arith.subi %sign3A_618, %sign3A_621 : i32
      %sign3A_623 = arith.constant 0 : i32
      %sign3A_624 = arith.cmpi sgt, %jit3A, %sign3A_623 : i32
      %sign3A_625 = arith.extui %sign3A_624 : i1 to i32
      %sign3A_626 = arith.constant 0 : i32
      %sign3A_627 = arith.cmpi slt, %jit3A, %sign3A_626 : i32
      %sign3A_628 = arith.extui %sign3A_627 : i1 to i32
      %sign3A_629 = arith.subi %sign3A_625, %sign3A_628 : i32
      %ne3A = arith.cmpi ne, %sign3A_622, %sign3A_629 : i32
      %rem3A = arith.remsi %sub3A_616, %jit3A : i32
      %ne3A_630 = arith.constant 0 : i32
      %ne3A_631 = arith.cmpi ne, %rem3A, %ne3A_630 : i32
      %and3A = arith.andi %ne3A, %ne3A_631 : i1
      %sub3A_632 = arith.constant 1 : i32
      %sub3A_633 = arith.subi %div3A, %sub3A_632 : i32
      %select_n3A = arith.select %and3A, %sub3A_633, %div3A : i32
      %jit3A_634 = arith.constant 2 : i32
      %eq3A = arith.constant 0 : i32
      %eq3A_635 = arith.cmpi eq, %jit3A_634, %eq3A : i32
      %jit3A_636 = arith.constant 1 : i32
      %select_n3A_637 = arith.select %eq3A_635, %jit3A_636, %jit3A_634 : i32
      %rem3A_638 = arith.remsi %sub3A_616, %select_n3A_637 : i32
      %ne3A_639 = arith.constant 0 : i32
      %ne3A_640 = arith.cmpi ne, %rem3A_638, %ne3A_639 : i32
      %lt3A = arith.constant 0 : i32
      %lt3A_641 = arith.cmpi slt, %rem3A_638, %lt3A : i32
      %lt3A_642 = arith.constant 0 : i32
      %lt3A_643 = arith.cmpi slt, %select_n3A_637, %lt3A_642 : i32
      %ne3A_644 = arith.xori %lt3A_641, %lt3A_643 : i1
      %and3A_645 = arith.andi %ne3A_644, %ne3A_640 : i1
      %add3A_646 = arith.addi %rem3A_638, %select_n3A_637 : i32
      %select_n3A_647 = arith.select %and3A_645, %add3A_646, %rem3A_638 : i32
      %mul3A_648 = arith.constant 64 : i32
      %mul3A_649 = arith.muli %select_n3A_647, %mul3A_648 : i32
      %add3A_650 = arith.addi %mul3A_2, %mul3A_649 : i32
      %dma_wait3A_651 = arith.constant 0 : i32
      %dma_wait3A_652 = arith.constant 0 : i32
      %dma_wait3A_653 = arith.constant 0 : i32
      %dma_wait3A_654 = tpu.memref_slice %arg6[%dma_wait3A_651, %dma_wait3A_652, %dma_wait3A_653] : memref<10x64x128xf32, #tpu.memory_space<vmem>> -> memref<1x64x128xf32, #tpu.memory_space<vmem>>
      %dma_wait3A_655 = tpu.memref_squeeze %dma_wait3A_654 : memref<1x64x128xf32, #tpu.memory_space<vmem>> -> memref<64x128xf32, #tpu.memory_space<vmem>>
      %dma_wait3A_656 = arith.constant 0 : i32
      %dma_wait3A_657 = tpu.memref_slice %arg4[%select_n3A, %add3A_650, %dma_wait3A_656] : memref<50x4096x128xf32, #tpu.memory_space<hbm>> -> memref<1x64x128xf32, #tpu.memory_space<hbm>>
      %dma_wait3A_658 = tpu.memref_squeeze %dma_wait3A_657 : memref<1x64x128xf32, #tpu.memory_space<hbm>> -> memref<64x128xf32, #tpu.memory_space<hbm>>
      %dma_wait3A_659 = arith.constant 0 : i32
      %dma_wait3A_660 = tpu.memref_slice %arg4[%select_n3A, %add3A_650, %dma_wait3A_659] : memref<50x4096x128xf32, #tpu.memory_space<hbm>> -> memref<1x64x128xf32, #tpu.memory_space<hbm>>
      %dma_wait3A_661 = tpu.memref_squeeze %dma_wait3A_660 : memref<1x64x128xf32, #tpu.memory_space<hbm>> -> memref<64x128xf32, #tpu.memory_space<hbm>>
      %dma_wait3A_662 = arith.constant 0 : i32
      %dma_wait3A_663 = arith.constant 0 : i32
      %dma_wait3A_664 = tpu.memref_slice %arg6[%dma_wait3A_651, %dma_wait3A_662, %dma_wait3A_663] : memref<10x64x128xf32, #tpu.memory_space<vmem>> -> memref<1x64x128xf32, #tpu.memory_space<vmem>>
      %dma_wait3A_665 = tpu.memref_squeeze %dma_wait3A_664 : memref<1x64x128xf32, #tpu.memory_space<vmem>> -> memref<64x128xf32, #tpu.memory_space<vmem>>
      tpu.wait_dma2 semaphore(%arg17 : memref<!tpu.dma_semaphore, #tpu.memory_space<semaphore_mem>>) src(%dma_wait3A_665 : memref<64x128xf32, #tpu.memory_space<vmem>>) dst(%dma_wait3A_661 : memref<64x128xf32, #tpu.memory_space<hbm>>)
      %sub3A_666 = arith.constant 3 : i32
      %sub3A_667 = arith.subi %add3A_615, %sub3A_666 : i32
      %add3A_668 = arith.constant 10 : i32
      %add3A_669 = arith.addi %sub3A_667, %add3A_668 : i32
      %jit3A_670 = arith.constant 2 : i32
      %div3A_671 = arith.divsi %add3A_669, %jit3A_670 : i32
      %sign3A_672 = arith.constant 0 : i32
      %sign3A_673 = arith.cmpi sgt, %add3A_669, %sign3A_672 : i32
      %sign3A_674 = arith.extui %sign3A_673 : i1 to i32
      %sign3A_675 = arith.constant 0 : i32
      %sign3A_676 = arith.cmpi slt, %add3A_669, %sign3A_675 : i32
      %sign3A_677 = arith.extui %sign3A_676 : i1 to i32
      %sign3A_678 = arith.subi %sign3A_674, %sign3A_677 : i32
      %sign3A_679 = arith.constant 0 : i32
      %sign3A_680 = arith.cmpi sgt, %jit3A_670, %sign3A_679 : i32
      %sign3A_681 = arith.extui %sign3A_680 : i1 to i32
      %sign3A_682 = arith.constant 0 : i32
      %sign3A_683 = arith.cmpi slt, %jit3A_670, %sign3A_682 : i32
      %sign3A_684 = arith.extui %sign3A_683 : i1 to i32
      %sign3A_685 = arith.subi %sign3A_681, %sign3A_684 : i32
      %ne3A_686 = arith.cmpi ne, %sign3A_678, %sign3A_685 : i32
      %rem3A_687 = arith.remsi %add3A_669, %jit3A_670 : i32
      %ne3A_688 = arith.constant 0 : i32
      %ne3A_689 = arith.cmpi ne, %rem3A_687, %ne3A_688 : i32
      %and3A_690 = arith.andi %ne3A_686, %ne3A_689 : i1
      %sub3A_691 = arith.constant 1 : i32
      %sub3A_692 = arith.subi %div3A_671, %sub3A_691 : i32
      %select_n3A_693 = arith.select %and3A_690, %sub3A_692, %div3A_671 : i32
      %jit3A_694 = arith.constant 2 : i32
      %eq3A_695 = arith.constant 0 : i32
      %eq3A_696 = arith.cmpi eq, %jit3A_694, %eq3A_695 : i32
      %jit3A_697 = arith.constant 1 : i32
      %select_n3A_698 = arith.select %eq3A_696, %jit3A_697, %jit3A_694 : i32
      %rem3A_699 = arith.remsi %add3A_669, %select_n3A_698 : i32
      %ne3A_700 = arith.constant 0 : i32
      %ne3A_701 = arith.cmpi ne, %rem3A_699, %ne3A_700 : i32
      %lt3A_702 = arith.constant 0 : i32
      %lt3A_703 = arith.cmpi slt, %rem3A_699, %lt3A_702 : i32
      %lt3A_704 = arith.constant 0 : i32
      %lt3A_705 = arith.cmpi slt, %select_n3A_698, %lt3A_704 : i32
      %ne3A_706 = arith.xori %lt3A_703, %lt3A_705 : i1
      %and3A_707 = arith.andi %ne3A_706, %ne3A_701 : i1
      %add3A_708 = arith.addi %rem3A_699, %select_n3A_698 : i32
      %select_n3A_709 = arith.select %and3A_707, %add3A_708, %rem3A_699 : i32
      %mul3A_710 = arith.constant 64 : i32
      %mul3A_711 = arith.muli %select_n3A_709, %mul3A_710 : i32
      %dma_start3A_712 = arith.constant 0 : i32
      %dma_start3A_713 = arith.constant 0 : i32
      %dma_start3A_714 = arith.constant 0 : i32
      %dma_start3A_715 = tpu.memref_slice %arg6[%dma_start3A_712, %dma_start3A_713, %dma_start3A_714] : memref<10x64x128xf32, #tpu.memory_space<vmem>> -> memref<1x64x128xf32, #tpu.memory_space<vmem>>
      %dma_start3A_716 = tpu.memref_squeeze %dma_start3A_715 : memref<1x64x128xf32, #tpu.memory_space<vmem>> -> memref<64x128xf32, #tpu.memory_space<vmem>>
      %dma_start3A_717 = tpu.memref_slice %arg5[%select_n3A_693, %mul3A_711] : memref<50x128xi32, #tpu.memory_space<vmem>> -> memref<1x64xi32, #tpu.memory_space<vmem>>
      %dma_start3A_718 = tpu.memref_squeeze %dma_start3A_717 : memref<1x64xi32, #tpu.memory_space<vmem>> -> memref<64xi32, #tpu.memory_space<vmem>>
      %dma_start3A_719 = arith.constant 0 : i32
      %dma_start3A_720 = arith.constant 0 : i32
      %dma_start3A_721 = tpu.memref_slice %arg3[%dma_start3A_719, %dma_start3A_720] : memref<100000x128xf32, #tpu.memory_space<hbm>> -> memref<100000x128xf32, #tpu.memory_space<hbm>>
      tpu.enqueue_indirect_dma source(%dma_start3A_721 : memref<100000x128xf32, #tpu.memory_space<hbm>>) target(%dma_start3A_716 : memref<64x128xf32, #tpu.memory_space<vmem>>) offsets(%dma_start3A_718 : memref<64xi32, #tpu.memory_space<vmem>>) semaphore(%arg7 : memref<!tpu.dma_semaphore, #tpu.memory_space<semaphore_mem>>)
      %jit3A_722 = arith.constant 2 : i32
      %div3A_723 = arith.divsi %add3A_615, %jit3A_722 : i32
      %sign3A_724 = arith.constant 0 : i32
      %sign3A_725 = arith.cmpi sgt, %add3A_615, %sign3A_724 : i32
      %sign3A_726 = arith.extui %sign3A_725 : i1 to i32
      %sign3A_727 = arith.constant 0 : i32
      %sign3A_728 = arith.cmpi slt, %add3A_615, %sign3A_727 : i32
      %sign3A_729 = arith.extui %sign3A_728 : i1 to i32
      %sign3A_730 = arith.subi %sign3A_726, %sign3A_729 : i32
      %sign3A_731 = arith.constant 0 : i32
      %sign3A_732 = arith.cmpi sgt, %jit3A_722, %sign3A_731 : i32
      %sign3A_733 = arith.extui %sign3A_732 : i1 to i32
      %sign3A_734 = arith.constant 0 : i32
      %sign3A_735 = arith.cmpi slt, %jit3A_722, %sign3A_734 : i32
      %sign3A_736 = arith.extui %sign3A_735 : i1 to i32
      %sign3A_737 = arith.subi %sign3A_733, %sign3A_736 : i32
      %ne3A_738 = arith.cmpi ne, %sign3A_730, %sign3A_737 : i32
      %rem3A_739 = arith.remsi %add3A_615, %jit3A_722 : i32
      %ne3A_740 = arith.constant 0 : i32
      %ne3A_741 = arith.cmpi ne, %rem3A_739, %ne3A_740 : i32
      %and3A_742 = arith.andi %ne3A_738, %ne3A_741 : i1
      %sub3A_743 = arith.constant 1 : i32
      %sub3A_744 = arith.subi %div3A_723, %sub3A_743 : i32
      %select_n3A_745 = arith.select %and3A_742, %sub3A_744, %div3A_723 : i32
      %jit3A_746 = arith.constant 2 : i32
      %eq3A_747 = arith.constant 0 : i32
      %eq3A_748 = arith.cmpi eq, %jit3A_746, %eq3A_747 : i32
      %jit3A_749 = arith.constant 1 : i32
      %select_n3A_750 = arith.select %eq3A_748, %jit3A_749, %jit3A_746 : i32
      %rem3A_751 = arith.remsi %add3A_615, %select_n3A_750 : i32
      %ne3A_752 = arith.constant 0 : i32
      %ne3A_753 = arith.cmpi ne, %rem3A_751, %ne3A_752 : i32
      %lt3A_754 = arith.constant 0 : i32
      %lt3A_755 = arith.cmpi slt, %rem3A_751, %lt3A_754 : i32
      %lt3A_756 = arith.constant 0 : i32
      %lt3A_757 = arith.cmpi slt, %select_n3A_750, %lt3A_756 : i32
      %ne3A_758 = arith.xori %lt3A_755, %lt3A_757 : i1
      %and3A_759 = arith.andi %ne3A_758, %ne3A_753 : i1
      %add3A_760 = arith.addi %rem3A_751, %select_n3A_750 : i32
      %select_n3A_761 = arith.select %and3A_759, %add3A_760, %rem3A_751 : i32
      %mul3A_762 = arith.constant 64 : i32
      %mul3A_763 = arith.muli %select_n3A_761, %mul3A_762 : i32
      %dma_wait3A_764 = arith.constant 3 : i32
      %dma_wait3A_765 = arith.constant 0 : i32
      %dma_wait3A_766 = arith.constant 0 : i32
      %dma_wait3A_767 = tpu.memref_slice %arg6[%dma_wait3A_764, %dma_wait3A_765, %dma_wait3A_766] : memref<10x64x128xf32, #tpu.memory_space<vmem>> -> memref<1x64x128xf32, #tpu.memory_space<vmem>>
      %dma_wait3A_768 = tpu.memref_squeeze %dma_wait3A_767 : memref<1x64x128xf32, #tpu.memory_space<vmem>> -> memref<64x128xf32, #tpu.memory_space<vmem>>
      %dma_wait3A_769 = tpu.memref_slice %arg5[%select_n3A_745, %mul3A_763] : memref<50x128xi32, #tpu.memory_space<vmem>> -> memref<1x64xi32, #tpu.memory_space<vmem>>
      %dma_wait3A_770 = tpu.memref_squeeze %dma_wait3A_769 : memref<1x64xi32, #tpu.memory_space<vmem>> -> memref<64xi32, #tpu.memory_space<vmem>>
      %dma_wait3A_771 = arith.constant 0 : i32
      %dma_wait3A_772 = arith.constant 0 : i32
      %dma_wait3A_773 = tpu.memref_slice %arg3[%dma_wait3A_771, %dma_wait3A_772] : memref<100000x128xf32, #tpu.memory_space<hbm>> -> memref<100000x128xf32, #tpu.memory_space<hbm>>
      tpu.wait_indirect_dma semaphore(%arg10 : memref<!tpu.dma_semaphore, #tpu.memory_space<semaphore_mem>>) src(%dma_wait3A_773 : memref<100000x128xf32, #tpu.memory_space<hbm>>) dst(%dma_wait3A_768 : memref<64x128xf32, #tpu.memory_space<vmem>>)
      %jit3A_774 = arith.constant 2 : i32
      %div3A_775 = arith.divsi %add3A_615, %jit3A_774 : i32
      %sign3A_776 = arith.constant 0 : i32
      %sign3A_777 = arith.cmpi sgt, %add3A_615, %sign3A_776 : i32
      %sign3A_778 = arith.extui %sign3A_777 : i1 to i32
      %sign3A_779 = arith.constant 0 : i32
      %sign3A_780 = arith.cmpi slt, %add3A_615, %sign3A_779 : i32
      %sign3A_781 = arith.extui %sign3A_780 : i1 to i32
      %sign3A_782 = arith.subi %sign3A_778, %sign3A_781 : i32
      %sign3A_783 = arith.constant 0 : i32
      %sign3A_784 = arith.cmpi sgt, %jit3A_774, %sign3A_783 : i32
      %sign3A_785 = arith.extui %sign3A_784 : i1 to i32
      %sign3A_786 = arith.constant 0 : i32
      %sign3A_787 = arith.cmpi slt, %jit3A_774, %sign3A_786 : i32
      %sign3A_788 = arith.extui %sign3A_787 : i1 to i32
      %sign3A_789 = arith.subi %sign3A_785, %sign3A_788 : i32
      %ne3A_790 = arith.cmpi ne, %sign3A_782, %sign3A_789 : i32
      %rem3A_791 = arith.remsi %add3A_615, %jit3A_774 : i32
      %ne3A_792 = arith.constant 0 : i32
      %ne3A_793 = arith.cmpi ne, %rem3A_791, %ne3A_792 : i32
      %and3A_794 = arith.andi %ne3A_790, %ne3A_793 : i1
      %sub3A_795 = arith.constant 1 : i32
      %sub3A_796 = arith.subi %div3A_775, %sub3A_795 : i32
      %select_n3A_797 = arith.select %and3A_794, %sub3A_796, %div3A_775 : i32
      %jit3A_798 = arith.constant 2 : i32
      %eq3A_799 = arith.constant 0 : i32
      %eq3A_800 = arith.cmpi eq, %jit3A_798, %eq3A_799 : i32
      %jit3A_801 = arith.constant 1 : i32
      %select_n3A_802 = arith.select %eq3A_800, %jit3A_801, %jit3A_798 : i32
      %rem3A_803 = arith.remsi %add3A_615, %select_n3A_802 : i32
      %ne3A_804 = arith.constant 0 : i32
      %ne3A_805 = arith.cmpi ne, %rem3A_803, %ne3A_804 : i32
      %lt3A_806 = arith.constant 0 : i32
      %lt3A_807 = arith.cmpi slt, %rem3A_803, %lt3A_806 : i32
      %lt3A_808 = arith.constant 0 : i32
      %lt3A_809 = arith.cmpi slt, %select_n3A_802, %lt3A_808 : i32
      %ne3A_810 = arith.xori %lt3A_807, %lt3A_809 : i1
      %and3A_811 = arith.andi %ne3A_810, %ne3A_805 : i1
      %add3A_812 = arith.addi %rem3A_803, %select_n3A_802 : i32
      %select_n3A_813 = arith.select %and3A_811, %add3A_812, %rem3A_803 : i32
      %mul3A_814 = arith.constant 64 : i32
      %mul3A_815 = arith.muli %select_n3A_813, %mul3A_814 : i32
      %add3A_816 = arith.addi %mul3A_2, %mul3A_815 : i32
      %dma_start3A_817 = arith.constant 3 : i32
      %dma_start3A_818 = arith.constant 0 : i32
      %dma_start3A_819 = arith.constant 0 : i32
      %dma_start3A_820 = tpu.memref_slice %arg6[%dma_start3A_817, %dma_start3A_818, %dma_start3A_819] : memref<10x64x128xf32, #tpu.memory_space<vmem>> -> memref<1x64x128xf32, #tpu.memory_space<vmem>>
      %dma_start3A_821 = tpu.memref_squeeze %dma_start3A_820 : memref<1x64x128xf32, #tpu.memory_space<vmem>> -> memref<64x128xf32, #tpu.memory_space<vmem>>
      %dma_start3A_822 = arith.constant 0 : i32
      %dma_start3A_823 = tpu.memref_slice %arg4[%select_n3A_797, %add3A_816, %dma_start3A_822] : memref<50x4096x128xf32, #tpu.memory_space<hbm>> -> memref<1x64x128xf32, #tpu.memory_space<hbm>>
      %dma_start3A_824 = tpu.memref_squeeze %dma_start3A_823 : memref<1x64x128xf32, #tpu.memory_space<hbm>> -> memref<64x128xf32, #tpu.memory_space<hbm>>
      %dma_start3A_825 = arith.constant 0 : i32
      %dma_start3A_826 = tpu.memref_slice %arg4[%select_n3A_797, %add3A_816, %dma_start3A_825] : memref<50x4096x128xf32, #tpu.memory_space<hbm>> -> memref<1x64x128xf32, #tpu.memory_space<hbm>>
      %dma_start3A_827 = tpu.memref_squeeze %dma_start3A_826 : memref<1x64x128xf32, #tpu.memory_space<hbm>> -> memref<64x128xf32, #tpu.memory_space<hbm>>
      %dma_start3A_828 = arith.constant 0 : i32
      %dma_start3A_829 = arith.constant 0 : i32
      %dma_start3A_830 = tpu.memref_slice %arg6[%dma_start3A_817, %dma_start3A_828, %dma_start3A_829] : memref<10x64x128xf32, #tpu.memory_space<vmem>> -> memref<1x64x128xf32, #tpu.memory_space<vmem>>
      %dma_start3A_831 = tpu.memref_squeeze %dma_start3A_830 : memref<1x64x128xf32, #tpu.memory_space<vmem>> -> memref<64x128xf32, #tpu.memory_space<vmem>>
      tpu.enqueue_dma source(%dma_start3A_831 : memref<64x128xf32, #tpu.memory_space<vmem>>) target(%dma_start3A_827 : memref<64x128xf32, #tpu.memory_space<hbm>>) target_semaphore(%arg20 : memref<!tpu.dma_semaphore, #tpu.memory_space<semaphore_mem>>)
      %mul3A_832 = arith.constant 10 : i32
      %mul3A_833 = arith.muli %add3A_609, %mul3A_832 : i32
      %add3A_834 = arith.constant 3 : i32
      %add3A_835 = arith.addi %add3A_834, %mul3A_833 : i32
      %add3A_836 = arith.constant 1 : i32
      %add3A_837 = arith.addi %add3A_835, %add3A_836 : i32
      %sub3A_838 = arith.constant 3 : i32
      %sub3A_839 = arith.subi %add3A_837, %sub3A_838 : i32
      %jit3A_840 = arith.constant 2 : i32
      %div3A_841 = arith.divsi %sub3A_839, %jit3A_840 : i32
      %sign3A_842 = arith.constant 0 : i32
      %sign3A_843 = arith.cmpi sgt, %sub3A_839, %sign3A_842 : i32
      %sign3A_844 = arith.extui %sign3A_843 : i1 to i32
      %sign3A_845 = arith.constant 0 : i32
      %sign3A_846 = arith.cmpi slt, %sub3A_839, %sign3A_845 : i32
      %sign3A_847 = arith.extui %sign3A_846 : i1 to i32
      %sign3A_848 = arith.subi %sign3A_844, %sign3A_847 : i32
      %sign3A_849 = arith.constant 0 : i32
      %sign3A_850 = arith.cmpi sgt, %jit3A_840, %sign3A_849 : i32
      %sign3A_851 = arith.extui %sign3A_850 : i1 to i32
      %sign3A_852 = arith.constant 0 : i32
      %sign3A_853 = arith.cmpi slt, %jit3A_840, %sign3A_852 : i32
      %sign3A_854 = arith.extui %sign3A_853 : i1 to i32
      %sign3A_855 = arith.subi %sign3A_851, %sign3A_854 : i32
      %ne3A_856 = arith.cmpi ne, %sign3A_848, %sign3A_855 : i32
      %rem3A_857 = arith.remsi %sub3A_839, %jit3A_840 : i32
      %ne3A_858 = arith.constant 0 : i32
      %ne3A_859 = arith.cmpi ne, %rem3A_857, %ne3A_858 : i32
      %and3A_860 = arith.andi %ne3A_856, %ne3A_859 : i1
      %sub3A_861 = arith.constant 1 : i32
      %sub3A_862 = arith.subi %div3A_841, %sub3A_861 : i32
      %select_n3A_863 = arith.select %and3A_860, %sub3A_862, %div3A_841 : i32
      %jit3A_864 = arith.constant 2 : i32
      %eq3A_865 = arith.constant 0 : i32
      %eq3A_866 = arith.cmpi eq, %jit3A_864, %eq3A_865 : i32
      %jit3A_867 = arith.constant 1 : i32
      %select_n3A_868 = arith.select %eq3A_866, %jit3A_867, %jit3A_864 : i32
      %rem3A_869 = arith.remsi %sub3A_839, %select_n3A_868 : i32
      %ne3A_870 = arith.constant 0 : i32
      %ne3A_871 = arith.cmpi ne, %rem3A_869, %ne3A_870 : i32
      %lt3A_872 = arith.constant 0 : i32
      %lt3A_873 = arith.cmpi slt, %rem3A_869, %lt3A_872 : i32
      %lt3A_874 = arith.constant 0 : i32
      %lt3A_875 = arith.cmpi slt, %select_n3A_868, %lt3A_874 : i32
      %ne3A_876 = arith.xori %lt3A_873, %lt3A_875 : i1
      %and3A_877 = arith.andi %ne3A_876, %ne3A_871 : i1
      %add3A_878 = arith.addi %rem3A_869, %select_n3A_868 : i32
      %select_n3A_879 = arith.select %and3A_877, %add3A_878, %rem3A_869 : i32
      %mul3A_880 = arith.constant 64 : i32
      %mul3A_881 = arith.muli %select_n3A_879, %mul3A_880 : i32
      %add3A_882 = arith.addi %mul3A_2, %mul3A_881 : i32
      %dma_wait3A_883 = arith.constant 1 : i32
      %dma_wait3A_884 = arith.constant 0 : i32
      %dma_wait3A_885 = arith.constant 0 : i32
      %dma_wait3A_886 = tpu.memref_slice %arg6[%dma_wait3A_883, %dma_wait3A_884, %dma_wait3A_885] : memref<10x64x128xf32, #tpu.memory_space<vmem>> -> memref<1x64x128xf32, #tpu.memory_space<vmem>>
      %dma_wait3A_887 = tpu.memref_squeeze %dma_wait3A_886 : memref<1x64x128xf32, #tpu.memory_space<vmem>> -> memref<64x128xf32, #tpu.memory_space<vmem>>
      %dma_wait3A_888 = arith.constant 0 : i32
      %dma_wait3A_889 = tpu.memref_slice %arg4[%select_n3A_863, %add3A_882, %dma_wait3A_888] : memref<50x4096x128xf32, #tpu.memory_space<hbm>> -> memref<1x64x128xf32, #tpu.memory_space<hbm>>
      %dma_wait3A_890 = tpu.memref_squeeze %dma_wait3A_889 : memref<1x64x128xf32, #tpu.memory_space<hbm>> -> memref<64x128xf32, #tpu.memory_space<hbm>>
      %dma_wait3A_891 = arith.constant 0 : i32
      %dma_wait3A_892 = tpu.memref_slice %arg4[%select_n3A_863, %add3A_882, %dma_wait3A_891] : memref<50x4096x128xf32, #tpu.memory_space<hbm>> -> memref<1x64x128xf32, #tpu.memory_space<hbm>>
      %dma_wait3A_893 = tpu.memref_squeeze %dma_wait3A_892 : memref<1x64x128xf32, #tpu.memory_space<hbm>> -> memref<64x128xf32, #tpu.memory_space<hbm>>
      %dma_wait3A_894 = arith.constant 0 : i32
      %dma_wait3A_895 = arith.constant 0 : i32
      %dma_wait3A_896 = tpu.memref_slice %arg6[%dma_wait3A_883, %dma_wait3A_894, %dma_wait3A_895] : memref<10x64x128xf32, #tpu.memory_space<vmem>> -> memref<1x64x128xf32, #tpu.memory_space<vmem>>
      %dma_wait3A_897 = tpu.memref_squeeze %dma_wait3A_896 : memref<1x64x128xf32, #tpu.memory_space<vmem>> -> memref<64x128xf32, #tpu.memory_space<vmem>>
      tpu.wait_dma2 semaphore(%arg18 : memref<!tpu.dma_semaphore, #tpu.memory_space<semaphore_mem>>) src(%dma_wait3A_897 : memref<64x128xf32, #tpu.memory_space<vmem>>) dst(%dma_wait3A_893 : memref<64x128xf32, #tpu.memory_space<hbm>>)
      %sub3A_898 = arith.constant 3 : i32
      %sub3A_899 = arith.subi %add3A_837, %sub3A_898 : i32
      %add3A_900 = arith.constant 10 : i32
      %add3A_901 = arith.addi %sub3A_899, %add3A_900 : i32
      %jit3A_902 = arith.constant 2 : i32
      %div3A_903 = arith.divsi %add3A_901, %jit3A_902 : i32
      %sign3A_904 = arith.constant 0 : i32
      %sign3A_905 = arith.cmpi sgt, %add3A_901, %sign3A_904 : i32
      %sign3A_906 = arith.extui %sign3A_905 : i1 to i32
      %sign3A_907 = arith.constant 0 : i32
      %sign3A_908 = arith.cmpi slt, %add3A_901, %sign3A_907 : i32
      %sign3A_909 = arith.extui %sign3A_908 : i1 to i32
      %sign3A_910 = arith.subi %sign3A_906, %sign3A_909 : i32
      %sign3A_911 = arith.constant 0 : i32
      %sign3A_912 = arith.cmpi sgt, %jit3A_902, %sign3A_911 : i32
      %sign3A_913 = arith.extui %sign3A_912 : i1 to i32
      %sign3A_914 = arith.constant 0 : i32
      %sign3A_915 = arith.cmpi slt, %jit3A_902, %sign3A_914 : i32
      %sign3A_916 = arith.extui %sign3A_915 : i1 to i32
      %sign3A_917 = arith.subi %sign3A_913, %sign3A_916 : i32
      %ne3A_918 = arith.cmpi ne, %sign3A_910, %sign3A_917 : i32
      %rem3A_919 = arith.remsi %add3A_901, %jit3A_902 : i32
      %ne3A_920 = arith.constant 0 : i32
      %ne3A_921 = arith.cmpi ne, %rem3A_919, %ne3A_920 : i32
      %and3A_922 = arith.andi %ne3A_918, %ne3A_921 : i1
      %sub3A_923 = arith.constant 1 : i32
      %sub3A_924 = arith.subi %div3A_903, %sub3A_923 : i32
      %select_n3A_925 = arith.select %and3A_922, %sub3A_924, %div3A_903 : i32
      %jit3A_926 = arith.constant 2 : i32
      %eq3A_927 = arith.constant 0 : i32
      %eq3A_928 = arith.cmpi eq, %jit3A_926, %eq3A_927 : i32
      %jit3A_929 = arith.constant 1 : i32
      %select_n3A_930 = arith.select %eq3A_928, %jit3A_929, %jit3A_926 : i32
      %rem3A_931 = arith.remsi %add3A_901, %select_n3A_930 : i32
      %ne3A_932 = arith.constant 0 : i32
      %ne3A_933 = arith.cmpi ne, %rem3A_931, %ne3A_932 : i32
      %lt3A_934 = arith.constant 0 : i32
      %lt3A_935 = arith.cmpi slt, %rem3A_931, %lt3A_934 : i32
      %lt3A_936 = arith.constant 0 : i32
      %lt3A_937 = arith.cmpi slt, %select_n3A_930, %lt3A_936 : i32
      %ne3A_938 = arith.xori %lt3A_935, %lt3A_937 : i1
      %and3A_939 = arith.andi %ne3A_938, %ne3A_933 : i1
      %add3A_940 = arith.addi %rem3A_931, %select_n3A_930 : i32
      %select_n3A_941 = arith.select %and3A_939, %add3A_940, %rem3A_931 : i32
      %mul3A_942 = arith.constant 64 : i32
      %mul3A_943 = arith.muli %select_n3A_941, %mul3A_942 : i32
      %dma_start3A_944 = arith.constant 1 : i32
      %dma_start3A_945 = arith.constant 0 : i32
      %dma_start3A_946 = arith.constant 0 : i32
      %dma_start3A_947 = tpu.memref_slice %arg6[%dma_start3A_944, %dma_start3A_945, %dma_start3A_946] : memref<10x64x128xf32, #tpu.memory_space<vmem>> -> memref<1x64x128xf32, #tpu.memory_space<vmem>>
      %dma_start3A_948 = tpu.memref_squeeze %dma_start3A_947 : memref<1x64x128xf32, #tpu.memory_space<vmem>> -> memref<64x128xf32, #tpu.memory_space<vmem>>
      %dma_start3A_949 = tpu.memref_slice %arg5[%select_n3A_925, %mul3A_943] : memref<50x128xi32, #tpu.memory_space<vmem>> -> memref<1x64xi32, #tpu.memory_space<vmem>>
      %dma_start3A_950 = tpu.memref_squeeze %dma_start3A_949 : memref<1x64xi32, #tpu.memory_space<vmem>> -> memref<64xi32, #tpu.memory_space<vmem>>
      %dma_start3A_951 = arith.constant 0 : i32
      %dma_start3A_952 = arith.constant 0 : i32
      %dma_start3A_953 = tpu.memref_slice %arg3[%dma_start3A_951, %dma_start3A_952] : memref<100000x128xf32, #tpu.memory_space<hbm>> -> memref<100000x128xf32, #tpu.memory_space<hbm>>
      tpu.enqueue_indirect_dma source(%dma_start3A_953 : memref<100000x128xf32, #tpu.memory_space<hbm>>) target(%dma_start3A_948 : memref<64x128xf32, #tpu.memory_space<vmem>>) offsets(%dma_start3A_950 : memref<64xi32, #tpu.memory_space<vmem>>) semaphore(%arg8 : memref<!tpu.dma_semaphore, #tpu.memory_space<semaphore_mem>>)
      %jit3A_954 = arith.constant 2 : i32
      %div3A_955 = arith.divsi %add3A_837, %jit3A_954 : i32
      %sign3A_956 = arith.constant 0 : i32
      %sign3A_957 = arith.cmpi sgt, %add3A_837, %sign3A_956 : i32
      %sign3A_958 = arith.extui %sign3A_957 : i1 to i32
      %sign3A_959 = arith.constant 0 : i32
      %sign3A_960 = arith.cmpi slt, %add3A_837, %sign3A_959 : i32
      %sign3A_961 = arith.extui %sign3A_960 : i1 to i32
      %sign3A_962 = arith.subi %sign3A_958, %sign3A_961 : i32
      %sign3A_963 = arith.constant 0 : i32
      %sign3A_964 = arith.cmpi sgt, %jit3A_954, %sign3A_963 : i32
      %sign3A_965 = arith.extui %sign3A_964 : i1 to i32
      %sign3A_966 = arith.constant 0 : i32
      %sign3A_967 = arith.cmpi slt, %jit3A_954, %sign3A_966 : i32
      %sign3A_968 = arith.extui %sign3A_967 : i1 to i32
      %sign3A_969 = arith.subi %sign3A_965, %sign3A_968 : i32
      %ne3A_970 = arith.cmpi ne, %sign3A_962, %sign3A_969 : i32
      %rem3A_971 = arith.remsi %add3A_837, %jit3A_954 : i32
      %ne3A_972 = arith.constant 0 : i32
      %ne3A_973 = arith.cmpi ne, %rem3A_971, %ne3A_972 : i32
      %and3A_974 = arith.andi %ne3A_970, %ne3A_973 : i1
      %sub3A_975 = arith.constant 1 : i32
      %sub3A_976 = arith.subi %div3A_955, %sub3A_975 : i32
      %select_n3A_977 = arith.select %and3A_974, %sub3A_976, %div3A_955 : i32
      %jit3A_978 = arith.constant 2 : i32
      %eq3A_979 = arith.constant 0 : i32
      %eq3A_980 = arith.cmpi eq, %jit3A_978, %eq3A_979 : i32
      %jit3A_981 = arith.constant 1 : i32
      %select_n3A_982 = arith.select %eq3A_980, %jit3A_981, %jit3A_978 : i32
      %rem3A_983 = arith.remsi %add3A_837, %select_n3A_982 : i32
      %ne3A_984 = arith.constant 0 : i32
      %ne3A_985 = arith.cmpi ne, %rem3A_983, %ne3A_984 : i32
      %lt3A_986 = arith.constant 0 : i32
      %lt3A_987 = arith.cmpi slt, %rem3A_983, %lt3A_986 : i32
      %lt3A_988 = arith.constant 0 : i32
      %lt3A_989 = arith.cmpi slt, %select_n3A_982, %lt3A_988 : i32
      %ne3A_990 = arith.xori %lt3A_987, %lt3A_989 : i1
      %and3A_991 = arith.andi %ne3A_990, %ne3A_985 : i1
      %add3A_992 = arith.addi %rem3A_983, %select_n3A_982 : i32
      %select_n3A_993 = arith.select %and3A_991, %add3A_992, %rem3A_983 : i32
      %mul3A_994 = arith.constant 64 : i32
      %mul3A_995 = arith.muli %select_n3A_993, %mul3A_994 : i32
      %dma_wait3A_996 = arith.constant 4 : i32
      %dma_wait3A_997 = arith.constant 0 : i32
      %dma_wait3A_998 = arith.constant 0 : i32
      %dma_wait3A_999 = tpu.memref_slice %arg6[%dma_wait3A_996, %dma_wait3A_997, %dma_wait3A_998] : memref<10x64x128xf32, #tpu.memory_space<vmem>> -> memref<1x64x128xf32, #tpu.memory_space<vmem>>
      %dma_wait3A_1000 = tpu.memref_squeeze %dma_wait3A_999 : memref<1x64x128xf32, #tpu.memory_space<vmem>> -> memref<64x128xf32, #tpu.memory_space<vmem>>
      %dma_wait3A_1001 = tpu.memref_slice %arg5[%select_n3A_977, %mul3A_995] : memref<50x128xi32, #tpu.memory_space<vmem>> -> memref<1x64xi32, #tpu.memory_space<vmem>>
      %dma_wait3A_1002 = tpu.memref_squeeze %dma_wait3A_1001 : memref<1x64xi32, #tpu.memory_space<vmem>> -> memref<64xi32, #tpu.memory_space<vmem>>
      %dma_wait3A_1003 = arith.constant 0 : i32
      %dma_wait3A_1004 = arith.constant 0 : i32
      %dma_wait3A_1005 = tpu.memref_slice %arg3[%dma_wait3A_1003, %dma_wait3A_1004] : memref<100000x128xf32, #tpu.memory_space<hbm>> -> memref<100000x128xf32, #tpu.memory_space<hbm>>
      tpu.wait_indirect_dma semaphore(%arg11 : memref<!tpu.dma_semaphore, #tpu.memory_space<semaphore_mem>>) src(%dma_wait3A_1005 : memref<100000x128xf32, #tpu.memory_space<hbm>>) dst(%dma_wait3A_1000 : memref<64x128xf32, #tpu.memory_space<vmem>>)
      %jit3A_1006 = arith.constant 2 : i32
      %div3A_1007 = arith.divsi %add3A_837, %jit3A_1006 : i32
      %sign3A_1008 = arith.constant 0 : i32
      %sign3A_1009 = arith.cmpi sgt, %add3A_837, %sign3A_1008 : i32
      %sign3A_1010 = arith.extui %sign3A_1009 : i1 to i32
      %sign3A_1011 = arith.constant 0 : i32
      %sign3A_1012 = arith.cmpi slt, %add3A_837, %sign3A_1011 : i32
      %sign3A_1013 = arith.extui %sign3A_1012 : i1 to i32
      %sign3A_1014 = arith.subi %sign3A_1010, %sign3A_1013 : i32
      %sign3A_1015 = arith.constant 0 : i32
      %sign3A_1016 = arith.cmpi sgt, %jit3A_1006, %sign3A_1015 : i32
      %sign3A_1017 = arith.extui %sign3A_1016 : i1 to i32
      %sign3A_1018 = arith.constant 0 : i32
      %sign3A_1019 = arith.cmpi slt, %jit3A_1006, %sign3A_1018 : i32
      %sign3A_1020 = arith.extui %sign3A_1019 : i1 to i32
      %sign3A_1021 = arith.subi %sign3A_1017, %sign3A_1020 : i32
      %ne3A_1022 = arith.cmpi ne, %sign3A_1014, %sign3A_1021 : i32
      %rem3A_1023 = arith.remsi %add3A_837, %jit3A_1006 : i32
      %ne3A_1024 = arith.constant 0 : i32
      %ne3A_1025 = arith.cmpi ne, %rem3A_1023, %ne3A_1024 : i32
      %and3A_1026 = arith.andi %ne3A_1022, %ne3A_1025 : i1
      %sub3A_1027 = arith.constant 1 : i32
      %sub3A_1028 = arith.subi %div3A_1007, %sub3A_1027 : i32
      %select_n3A_1029 = arith.select %and3A_1026, %sub3A_1028, %div3A_1007 : i32
      %jit3A_1030 = arith.constant 2 : i32
      %eq3A_1031 = arith.constant 0 : i32
      %eq3A_1032 = arith.cmpi eq, %jit3A_1030, %eq3A_1031 : i32
      %jit3A_1033 = arith.constant 1 : i32
      %select_n3A_1034 = arith.select %eq3A_1032, %jit3A_1033, %jit3A_1030 : i32
      %rem3A_1035 = arith.remsi %add3A_837, %select_n3A_1034 : i32
      %ne3A_1036 = arith.constant 0 : i32
      %ne3A_1037 = arith.cmpi ne, %rem3A_1035, %ne3A_1036 : i32
      %lt3A_1038 = arith.constant 0 : i32
      %lt3A_1039 = arith.cmpi slt, %rem3A_1035, %lt3A_1038 : i32
      %lt3A_1040 = arith.constant 0 : i32
      %lt3A_1041 = arith.cmpi slt, %select_n3A_1034, %lt3A_1040 : i32
      %ne3A_1042 = arith.xori %lt3A_1039, %lt3A_1041 : i1
      %and3A_1043 = arith.andi %ne3A_1042, %ne3A_1037 : i1
      %add3A_1044 = arith.addi %rem3A_1035, %select_n3A_1034 : i32
      %select_n3A_1045 = arith.select %and3A_1043, %add3A_1044, %rem3A_1035 : i32
      %mul3A_1046 = arith.constant 64 : i32
      %mul3A_1047 = arith.muli %select_n3A_1045, %mul3A_1046 : i32
      %add3A_1048 = arith.addi %mul3A_2, %mul3A_1047 : i32
      %dma_start3A_1049 = arith.constant 4 : i32
      %dma_start3A_1050 = arith.constant 0 : i32
      %dma_start3A_1051 = arith.constant 0 : i32
      %dma_start3A_1052 = tpu.memref_slice %arg6[%dma_start3A_1049, %dma_start3A_1050, %dma_start3A_1051] : memref<10x64x128xf32, #tpu.memory_space<vmem>> -> memref<1x64x128xf32, #tpu.memory_space<vmem>>
      %dma_start3A_1053 = tpu.memref_squeeze %dma_start3A_1052 : memref<1x64x128xf32, #tpu.memory_space<vmem>> -> memref<64x128xf32, #tpu.memory_space<vmem>>
      %dma_start3A_1054 = arith.constant 0 : i32
      %dma_start3A_1055 = tpu.memref_slice %arg4[%select_n3A_1029, %add3A_1048, %dma_start3A_1054] : memref<50x4096x128xf32, #tpu.memory_space<hbm>> -> memref<1x64x128xf32, #tpu.memory_space<hbm>>
      %dma_start3A_1056 = tpu.memref_squeeze %dma_start3A_1055 : memref<1x64x128xf32, #tpu.memory_space<hbm>> -> memref<64x128xf32, #tpu.memory_space<hbm>>
      %dma_start3A_1057 = arith.constant 0 : i32
      %dma_start3A_1058 = tpu.memref_slice %arg4[%select_n3A_1029, %add3A_1048, %dma_start3A_1057] : memref<50x4096x128xf32, #tpu.memory_space<hbm>> -> memref<1x64x128xf32, #tpu.memory_space<hbm>>
      %dma_start3A_1059 = tpu.memref_squeeze %dma_start3A_1058 : memref<1x64x128xf32, #tpu.memory_space<hbm>> -> memref<64x128xf32, #tpu.memory_space<hbm>>
      %dma_start3A_1060 = arith.constant 0 : i32
      %dma_start3A_1061 = arith.constant 0 : i32
      %dma_start3A_1062 = tpu.memref_slice %arg6[%dma_start3A_1049, %dma_start3A_1060, %dma_start3A_1061] : memref<10x64x128xf32, #tpu.memory_space<vmem>> -> memref<1x64x128xf32, #tpu.memory_space<vmem>>
      %dma_start3A_1063 = tpu.memref_squeeze %dma_start3A_1062 : memref<1x64x128xf32, #tpu.memory_space<vmem>> -> memref<64x128xf32, #tpu.memory_space<vmem>>
      tpu.enqueue_dma source(%dma_start3A_1063 : memref<64x128xf32, #tpu.memory_space<vmem>>) target(%dma_start3A_1059 : memref<64x128xf32, #tpu.memory_space<hbm>>) target_semaphore(%arg21 : memref<!tpu.dma_semaphore, #tpu.memory_space<semaphore_mem>>)
      %mul3A_1064 = arith.constant 10 : i32
      %mul3A_1065 = arith.muli %add3A_609, %mul3A_1064 : i32
      %add3A_1066 = arith.constant 3 : i32
      %add3A_1067 = arith.addi %add3A_1066, %mul3A_1065 : i32
      %add3A_1068 = arith.constant 2 : i32
      %add3A_1069 = arith.addi %add3A_1067, %add3A_1068 : i32
      %sub3A_1070 = arith.constant 3 : i32
      %sub3A_1071 = arith.subi %add3A_1069, %sub3A_1070 : i32
      %jit3A_1072 = arith.constant 2 : i32
      %div3A_1073 = arith.divsi %sub3A_1071, %jit3A_1072 : i32
      %sign3A_1074 = arith.constant 0 : i32
      %sign3A_1075 = arith.cmpi sgt, %sub3A_1071, %sign3A_1074 : i32
      %sign3A_1076 = arith.extui %sign3A_1075 : i1 to i32
      %sign3A_1077 = arith.constant 0 : i32
      %sign3A_1078 = arith.cmpi slt, %sub3A_1071, %sign3A_1077 : i32
      %sign3A_1079 = arith.extui %sign3A_1078 : i1 to i32
      %sign3A_1080 = arith.subi %sign3A_1076, %sign3A_1079 : i32
      %sign3A_1081 = arith.constant 0 : i32
      %sign3A_1082 = arith.cmpi sgt, %jit3A_1072, %sign3A_1081 : i32
      %sign3A_1083 = arith.extui %sign3A_1082 : i1 to i32
      %sign3A_1084 = arith.constant 0 : i32
      %sign3A_1085 = arith.cmpi slt, %jit3A_1072, %sign3A_1084 : i32
      %sign3A_1086 = arith.extui %sign3A_1085 : i1 to i32
      %sign3A_1087 = arith.subi %sign3A_1083, %sign3A_1086 : i32
      %ne3A_1088 = arith.cmpi ne, %sign3A_1080, %sign3A_1087 : i32
      %rem3A_1089 = arith.remsi %sub3A_1071, %jit3A_1072 : i32
      %ne3A_1090 = arith.constant 0 : i32
      %ne3A_1091 = arith.cmpi ne, %rem3A_1089, %ne3A_1090 : i32
      %and3A_1092 = arith.andi %ne3A_1088, %ne3A_1091 : i1
      %sub3A_1093 = arith.constant 1 : i32
      %sub3A_1094 = arith.subi %div3A_1073, %sub3A_1093 : i32
      %select_n3A_1095 = arith.select %and3A_1092, %sub3A_1094, %div3A_1073 : i32
      %jit3A_1096 = arith.constant 2 : i32
      %eq3A_1097 = arith.constant 0 : i32
      %eq3A_1098 = arith.cmpi eq, %jit3A_1096, %eq3A_1097 : i32
      %jit3A_1099 = arith.constant 1 : i32
      %select_n3A_1100 = arith.select %eq3A_1098, %jit3A_1099, %jit3A_1096 : i32
      %rem3A_1101 = arith.remsi %sub3A_1071, %select_n3A_1100 : i32
      %ne3A_1102 = arith.constant 0 : i32
      %ne3A_1103 = arith.cmpi ne, %rem3A_1101, %ne3A_1102 : i32
      %lt3A_1104 = arith.constant 0 : i32
      %lt3A_1105 = arith.cmpi slt, %rem3A_1101, %lt3A_1104 : i32
      %lt3A_1106 = arith.constant 0 : i32
      %lt3A_1107 = arith.cmpi slt, %select_n3A_1100, %lt3A_1106 : i32
      %ne3A_1108 = arith.xori %lt3A_1105, %lt3A_1107 : i1
      %and3A_1109 = arith.andi %ne3A_1108, %ne3A_1103 : i1
      %add3A_1110 = arith.addi %rem3A_1101, %select_n3A_1100 : i32
      %select_n3A_1111 = arith.select %and3A_1109, %add3A_1110, %rem3A_1101 : i32
      %mul3A_1112 = arith.constant 64 : i32
      %mul3A_1113 = arith.muli %select_n3A_1111, %mul3A_1112 : i32
      %add3A_1114 = arith.addi %mul3A_2, %mul3A_1113 : i32
      %dma_wait3A_1115 = arith.constant 2 : i32
      %dma_wait3A_1116 = arith.constant 0 : i32
      %dma_wait3A_1117 = arith.constant 0 : i32
      %dma_wait3A_1118 = tpu.memref_slice %arg6[%dma_wait3A_1115, %dma_wait3A_1116, %dma_wait3A_1117] : memref<10x64x128xf32, #tpu.memory_space<vmem>> -> memref<1x64x128xf32, #tpu.memory_space<vmem>>
      %dma_wait3A_1119 = tpu.memref_squeeze %dma_wait3A_1118 : memref<1x64x128xf32, #tpu.memory_space<vmem>> -> memref<64x128xf32, #tpu.memory_space<vmem>>
      %dma_wait3A_1120 = arith.constant 0 : i32
      %dma_wait3A_1121 = tpu.memref_slice %arg4[%select_n3A_1095, %add3A_1114, %dma_wait3A_1120] : memref<50x4096x128xf32, #tpu.memory_space<hbm>> -> memref<1x64x128xf32, #tpu.memory_space<hbm>>
      %dma_wait3A_1122 = tpu.memref_squeeze %dma_wait3A_1121 : memref<1x64x128xf32, #tpu.memory_space<hbm>> -> memref<64x128xf32, #tpu.memory_space<hbm>>
      %dma_wait3A_1123 = arith.constant 0 : i32
      %dma_wait3A_1124 = tpu.memref_slice %arg4[%select_n3A_1095, %add3A_1114, %dma_wait3A_1123] : memref<50x4096x128xf32, #tpu.memory_space<hbm>> -> memref<1x64x128xf32, #tpu.memory_space<hbm>>
      %dma_wait3A_1125 = tpu.memref_squeeze %dma_wait3A_1124 : memref<1x64x128xf32, #tpu.memory_space<hbm>> -> memref<64x128xf32, #tpu.memory_space<hbm>>
      %dma_wait3A_1126 = arith.constant 0 : i32
      %dma_wait3A_1127 = arith.constant 0 : i32
      %dma_wait3A_1128 = tpu.memref_slice %arg6[%dma_wait3A_1115, %dma_wait3A_1126, %dma_wait3A_1127] : memref<10x64x128xf32, #tpu.memory_space<vmem>> -> memref<1x64x128xf32, #tpu.memory_space<vmem>>
      %dma_wait3A_1129 = tpu.memref_squeeze %dma_wait3A_1128 : memref<1x64x128xf32, #tpu.memory_space<vmem>> -> memref<64x128xf32, #tpu.memory_space<vmem>>
      tpu.wait_dma2 semaphore(%arg19 : memref<!tpu.dma_semaphore, #tpu.memory_space<semaphore_mem>>) src(%dma_wait3A_1129 : memref<64x128xf32, #tpu.memory_space<vmem>>) dst(%dma_wait3A_1125 : memref<64x128xf32, #tpu.memory_space<hbm>>)
      %sub3A_1130 = arith.constant 3 : i32
      %sub3A_1131 = arith.subi %add3A_1069, %sub3A_1130 : i32
      %add3A_1132 = arith.constant 10 : i32
      %add3A_1133 = arith.addi %sub3A_1131, %add3A_1132 : i32
      %jit3A_1134 = arith.constant 2 : i32
      %div3A_1135 = arith.divsi %add3A_1133, %jit3A_1134 : i32
      %sign3A_1136 = arith.constant 0 : i32
      %sign3A_1137 = arith.cmpi sgt, %add3A_1133, %sign3A_1136 : i32
      %sign3A_1138 = arith.extui %sign3A_1137 : i1 to i32
      %sign3A_1139 = arith.constant 0 : i32
      %sign3A_1140 = arith.cmpi slt, %add3A_1133, %sign3A_1139 : i32
      %sign3A_1141 = arith.extui %sign3A_1140 : i1 to i32
      %sign3A_1142 = arith.subi %sign3A_1138, %sign3A_1141 : i32
      %sign3A_1143 = arith.constant 0 : i32
      %sign3A_1144 = arith.cmpi sgt, %jit3A_1134, %sign3A_1143 : i32
      %sign3A_1145 = arith.extui %sign3A_1144 : i1 to i32
      %sign3A_1146 = arith.constant 0 : i32
      %sign3A_1147 = arith.cmpi slt, %jit3A_1134, %sign3A_1146 : i32
      %sign3A_1148 = arith.extui %sign3A_1147 : i1 to i32
      %sign3A_1149 = arith.subi %sign3A_1145, %sign3A_1148 : i32
      %ne3A_1150 = arith.cmpi ne, %sign3A_1142, %sign3A_1149 : i32
      %rem3A_1151 = arith.remsi %add3A_1133, %jit3A_1134 : i32
      %ne3A_1152 = arith.constant 0 : i32
      %ne3A_1153 = arith.cmpi ne, %rem3A_1151, %ne3A_1152 : i32
      %and3A_1154 = arith.andi %ne3A_1150, %ne3A_1153 : i1
      %sub3A_1155 = arith.constant 1 : i32
      %sub3A_1156 = arith.subi %div3A_1135, %sub3A_1155 : i32
      %select_n3A_1157 = arith.select %and3A_1154, %sub3A_1156, %div3A_1135 : i32
      %jit3A_1158 = arith.constant 2 : i32
      %eq3A_1159 = arith.constant 0 : i32
      %eq3A_1160 = arith.cmpi eq, %jit3A_1158, %eq3A_1159 : i32
      %jit3A_1161 = arith.constant 1 : i32
      %select_n3A_1162 = arith.select %eq3A_1160, %jit3A_1161, %jit3A_1158 : i32
      %rem3A_1163 = arith.remsi %add3A_1133, %select_n3A_1162 : i32
      %ne3A_1164 = arith.constant 0 : i32
      %ne3A_1165 = arith.cmpi ne, %rem3A_1163, %ne3A_1164 : i32
      %lt3A_1166 = arith.constant 0 : i32
      %lt3A_1167 = arith.cmpi slt, %rem3A_1163, %lt3A_1166 : i32
      %lt3A_1168 = arith.constant 0 : i32
      %lt3A_1169 = arith.cmpi slt, %select_n3A_1162, %lt3A_1168 : i32
      %ne3A_1170 = arith.xori %lt3A_1167, %lt3A_1169 : i1
      %and3A_1171 = arith.andi %ne3A_1170, %ne3A_1165 : i1
      %add3A_1172 = arith.addi %rem3A_1163, %select_n3A_1162 : i32
      %select_n3A_1173 = arith.select %and3A_1171, %add3A_1172, %rem3A_1163 : i32
      %mul3A_1174 = arith.constant 64 : i32
      %mul3A_1175 = arith.muli %select_n3A_1173, %mul3A_1174 : i32
      %dma_start3A_1176 = arith.constant 2 : i32
      %dma_start3A_1177 = arith.constant 0 : i32
      %dma_start3A_1178 = arith.constant 0 : i32
      %dma_start3A_1179 = tpu.memref_slice %arg6[%dma_start3A_1176, %dma_start3A_1177, %dma_start3A_1178] : memref<10x64x128xf32, #tpu.memory_space<vmem>> -> memref<1x64x128xf32, #tpu.memory_space<vmem>>
      %dma_start3A_1180 = tpu.memref_squeeze %dma_start3A_1179 : memref<1x64x128xf32, #tpu.memory_space<vmem>> -> memref<64x128xf32, #tpu.memory_space<vmem>>
      %dma_start3A_1181 = tpu.memref_slice %arg5[%select_n3A_1157, %mul3A_1175] : memref<50x128xi32, #tpu.memory_space<vmem>> -> memref<1x64xi32, #tpu.memory_space<vmem>>
      %dma_start3A_1182 = tpu.memref_squeeze %dma_start3A_1181 : memref<1x64xi32, #tpu.memory_space<vmem>> -> memref<64xi32, #tpu.memory_space<vmem>>
      %dma_start3A_1183 = arith.constant 0 : i32
      %dma_start3A_1184 = arith.constant 0 : i32
      %dma_start3A_1185 = tpu.memref_slice %arg3[%dma_start3A_1183, %dma_start3A_1184] : memref<100000x128xf32, #tpu.memory_space<hbm>> -> memref<100000x128xf32, #tpu.memory_space<hbm>>
      tpu.enqueue_indirect_dma source(%dma_start3A_1185 : memref<100000x128xf32, #tpu.memory_space<hbm>>) target(%dma_start3A_1180 : memref<64x128xf32, #tpu.memory_space<vmem>>) offsets(%dma_start3A_1182 : memref<64xi32, #tpu.memory_space<vmem>>) semaphore(%arg9 : memref<!tpu.dma_semaphore, #tpu.memory_space<semaphore_mem>>)
      %jit3A_1186 = arith.constant 2 : i32
      %div3A_1187 = arith.divsi %add3A_1069, %jit3A_1186 : i32
      %sign3A_1188 = arith.constant 0 : i32
      %sign3A_1189 = arith.cmpi sgt, %add3A_1069, %sign3A_1188 : i32
      %sign3A_1190 = arith.extui %sign3A_1189 : i1 to i32
      %sign3A_1191 = arith.constant 0 : i32
      %sign3A_1192 = arith.cmpi slt, %add3A_1069, %sign3A_1191 : i32
      %sign3A_1193 = arith.extui %sign3A_1192 : i1 to i32
      %sign3A_1194 = arith.subi %sign3A_1190, %sign3A_1193 : i32
      %sign3A_1195 = arith.constant 0 : i32
      %sign3A_1196 = arith.cmpi sgt, %jit3A_1186, %sign3A_1195 : i32
      %sign3A_1197 = arith.extui %sign3A_1196 : i1 to i32
      %sign3A_1198 = arith.constant 0 : i32
      %sign3A_1199 = arith.cmpi slt, %jit3A_1186, %sign3A_1198 : i32
      %sign3A_1200 = arith.extui %sign3A_1199 : i1 to i32
      %sign3A_1201 = arith.subi %sign3A_1197, %sign3A_1200 : i32
      %ne3A_1202 = arith.cmpi ne, %sign3A_1194, %sign3A_1201 : i32
      %rem3A_1203 = arith.remsi %add3A_1069, %jit3A_1186 : i32
      %ne3A_1204 = arith.constant 0 : i32
      %ne3A_1205 = arith.cmpi ne, %rem3A_1203, %ne3A_1204 : i32
      %and3A_1206 = arith.andi %ne3A_1202, %ne3A_1205 : i1
      %sub3A_1207 = arith.constant 1 : i32
      %sub3A_1208 = arith.subi %div3A_1187, %sub3A_1207 : i32
      %select_n3A_1209 = arith.select %and3A_1206, %sub3A_1208, %div3A_1187 : i32
      %jit3A_1210 = arith.constant 2 : i32
      %eq3A_1211 = arith.constant 0 : i32
      %eq3A_1212 = arith.cmpi eq, %jit3A_1210, %eq3A_1211 : i32
      %jit3A_1213 = arith.constant 1 : i32
      %select_n3A_1214 = arith.select %eq3A_1212, %jit3A_1213, %jit3A_1210 : i32
      %rem3A_1215 = arith.remsi %add3A_1069, %select_n3A_1214 : i32
      %ne3A_1216 = arith.constant 0 : i32
      %ne3A_1217 = arith.cmpi ne, %rem3A_1215, %ne3A_1216 : i32
      %lt3A_1218 = arith.constant 0 : i32
      %lt3A_1219 = arith.cmpi slt, %rem3A_1215, %lt3A_1218 : i32
      %lt3A_1220 = arith.constant 0 : i32
      %lt3A_1221 = arith.cmpi slt, %select_n3A_1214, %lt3A_1220 : i32
      %ne3A_1222 = arith.xori %lt3A_1219, %lt3A_1221 : i1
      %and3A_1223 = arith.andi %ne3A_1222, %ne3A_1217 : i1
      %add3A_1224 = arith.addi %rem3A_1215, %select_n3A_1214 : i32
      %select_n3A_1225 = arith.select %and3A_1223, %add3A_1224, %rem3A_1215 : i32
      %mul3A_1226 = arith.constant 64 : i32
      %mul3A_1227 = arith.muli %select_n3A_1225, %mul3A_1226 : i32
      %dma_wait3A_1228 = arith.constant 5 : i32
      %dma_wait3A_1229 = arith.constant 0 : i32
      %dma_wait3A_1230 = arith.constant 0 : i32
      %dma_wait3A_1231 = tpu.memref_slice %arg6[%dma_wait3A_1228, %dma_wait3A_1229, %dma_wait3A_1230] : memref<10x64x128xf32, #tpu.memory_space<vmem>> -> memref<1x64x128xf32, #tpu.memory_space<vmem>>
      %dma_wait3A_1232 = tpu.memref_squeeze %dma_wait3A_1231 : memref<1x64x128xf32, #tpu.memory_space<vmem>> -> memref<64x128xf32, #tpu.memory_space<vmem>>
      %dma_wait3A_1233 = tpu.memref_slice %arg5[%select_n3A_1209, %mul3A_1227] : memref<50x128xi32, #tpu.memory_space<vmem>> -> memref<1x64xi32, #tpu.memory_space<vmem>>
      %dma_wait3A_1234 = tpu.memref_squeeze %dma_wait3A_1233 : memref<1x64xi32, #tpu.memory_space<vmem>> -> memref<64xi32, #tpu.memory_space<vmem>>
      %dma_wait3A_1235 = arith.constant 0 : i32
      %dma_wait3A_1236 = arith.constant 0 : i32
      %dma_wait3A_1237 = tpu.memref_slice %arg3[%dma_wait3A_1235, %dma_wait3A_1236] : memref<100000x128xf32, #tpu.memory_space<hbm>> -> memref<100000x128xf32, #tpu.memory_space<hbm>>
      tpu.wait_indirect_dma semaphore(%arg12 : memref<!tpu.dma_semaphore, #tpu.memory_space<semaphore_mem>>) src(%dma_wait3A_1237 : memref<100000x128xf32, #tpu.memory_space<hbm>>) dst(%dma_wait3A_1232 : memref<64x128xf32, #tpu.memory_space<vmem>>)
      %jit3A_1238 = arith.constant 2 : i32
      %div3A_1239 = arith.divsi %add3A_1069, %jit3A_1238 : i32
      %sign3A_1240 = arith.constant 0 : i32
      %sign3A_1241 = arith.cmpi sgt, %add3A_1069, %sign3A_1240 : i32
      %sign3A_1242 = arith.extui %sign3A_1241 : i1 to i32
      %sign3A_1243 = arith.constant 0 : i32
      %sign3A_1244 = arith.cmpi slt, %add3A_1069, %sign3A_1243 : i32
      %sign3A_1245 = arith.extui %sign3A_1244 : i1 to i32
      %sign3A_1246 = arith.subi %sign3A_1242, %sign3A_1245 : i32
      %sign3A_1247 = arith.constant 0 : i32
      %sign3A_1248 = arith.cmpi sgt, %jit3A_1238, %sign3A_1247 : i32
      %sign3A_1249 = arith.extui %sign3A_1248 : i1 to i32
      %sign3A_1250 = arith.constant 0 : i32
      %sign3A_1251 = arith.cmpi slt, %jit3A_1238, %sign3A_1250 : i32
      %sign3A_1252 = arith.extui %sign3A_1251 : i1 to i32
      %sign3A_1253 = arith.subi %sign3A_1249, %sign3A_1252 : i32
      %ne3A_1254 = arith.cmpi ne, %sign3A_1246, %sign3A_1253 : i32
      %rem3A_1255 = arith.remsi %add3A_1069, %jit3A_1238 : i32
      %ne3A_1256 = arith.constant 0 : i32
      %ne3A_1257 = arith.cmpi ne, %rem3A_1255, %ne3A_1256 : i32
      %and3A_1258 = arith.andi %ne3A_1254, %ne3A_1257 : i1
      %sub3A_1259 = arith.constant 1 : i32
      %sub3A_1260 = arith.subi %div3A_1239, %sub3A_1259 : i32
      %select_n3A_1261 = arith.select %and3A_1258, %sub3A_1260, %div3A_1239 : i32
      %jit3A_1262 = arith.constant 2 : i32
      %eq3A_1263 = arith.constant 0 : i32
      %eq3A_1264 = arith.cmpi eq, %jit3A_1262, %eq3A_1263 : i32
      %jit3A_1265 = arith.constant 1 : i32
      %select_n3A_1266 = arith.select %eq3A_1264, %jit3A_1265, %jit3A_1262 : i32
      %rem3A_1267 = arith.remsi %add3A_1069, %select_n3A_1266 : i32
      %ne3A_1268 = arith.constant 0 : i32
      %ne3A_1269 = arith.cmpi ne, %rem3A_1267, %ne3A_1268 : i32
      %lt3A_1270 = arith.constant 0 : i32
      %lt3A_1271 = arith.cmpi slt, %rem3A_1267, %lt3A_1270 : i32
      %lt3A_1272 = arith.constant 0 : i32
      %lt3A_1273 = arith.cmpi slt, %select_n3A_1266, %lt3A_1272 : i32
      %ne3A_1274 = arith.xori %lt3A_1271, %lt3A_1273 : i1
      %and3A_1275 = arith.andi %ne3A_1274, %ne3A_1269 : i1
      %add3A_1276 = arith.addi %rem3A_1267, %select_n3A_1266 : i32
      %select_n3A_1277 = arith.select %and3A_1275, %add3A_1276, %rem3A_1267 : i32
      %mul3A_1278 = arith.constant 64 : i32
      %mul3A_1279 = arith.muli %select_n3A_1277, %mul3A_1278 : i32
      %add3A_1280 = arith.addi %mul3A_2, %mul3A_1279 : i32
      %dma_start3A_1281 = arith.constant 5 : i32
      %dma_start3A_1282 = arith.constant 0 : i32
      %dma_start3A_1283 = arith.constant 0 : i32
      %dma_start3A_1284 = tpu.memref_slice %arg6[%dma_start3A_1281, %dma_start3A_1282, %dma_start3A_1283] : memref<10x64x128xf32, #tpu.memory_space<vmem>> -> memref<1x64x128xf32, #tpu.memory_space<vmem>>
      %dma_start3A_1285 = tpu.memref_squeeze %dma_start3A_1284 : memref<1x64x128xf32, #tpu.memory_space<vmem>> -> memref<64x128xf32, #tpu.memory_space<vmem>>
      %dma_start3A_1286 = arith.constant 0 : i32
      %dma_start3A_1287 = tpu.memref_slice %arg4[%select_n3A_1261, %add3A_1280, %dma_start3A_1286] : memref<50x4096x128xf32, #tpu.memory_space<hbm>> -> memref<1x64x128xf32, #tpu.memory_space<hbm>>
      %dma_start3A_1288 = tpu.memref_squeeze %dma_start3A_1287 : memref<1x64x128xf32, #tpu.memory_space<hbm>> -> memref<64x128xf32, #tpu.memory_space<hbm>>
      %dma_start3A_1289 = arith.constant 0 : i32
      %dma_start3A_1290 = tpu.memref_slice %arg4[%select_n3A_1261, %add3A_1280, %dma_start3A_1289] : memref<50x4096x128xf32, #tpu.memory_space<hbm>> -> memref<1x64x128xf32, #tpu.memory_space<hbm>>
      %dma_start3A_1291 = tpu.memref_squeeze %dma_start3A_1290 : memref<1x64x128xf32, #tpu.memory_space<hbm>> -> memref<64x128xf32, #tpu.memory_space<hbm>>
      %dma_start3A_1292 = arith.constant 0 : i32
      %dma_start3A_1293 = arith.constant 0 : i32
      %dma_start3A_1294 = tpu.memref_slice %arg6[%dma_start3A_1281, %dma_start3A_1292, %dma_start3A_1293] : memref<10x64x128xf32, #tpu.memory_space<vmem>> -> memref<1x64x128xf32, #tpu.memory_space<vmem>>
      %dma_start3A_1295 = tpu.memref_squeeze %dma_start3A_1294 : memref<1x64x128xf32, #tpu.memory_space<vmem>> -> memref<64x128xf32, #tpu.memory_space<vmem>>
      tpu.enqueue_dma source(%dma_start3A_1295 : memref<64x128xf32, #tpu.memory_space<vmem>>) target(%dma_start3A_1291 : memref<64x128xf32, #tpu.memory_space<hbm>>) target_semaphore(%arg22 : memref<!tpu.dma_semaphore, #tpu.memory_space<semaphore_mem>>)
      %mul3A_1296 = arith.constant 10 : i32
      %mul3A_1297 = arith.muli %add3A_609, %mul3A_1296 : i32
      %add3A_1298 = arith.constant 3 : i32
      %add3A_1299 = arith.addi %add3A_1298, %mul3A_1297 : i32
      %add3A_1300 = arith.constant 3 : i32
      %add3A_1301 = arith.addi %add3A_1299, %add3A_1300 : i32
      %sub3A_1302 = arith.constant 3 : i32
      %sub3A_1303 = arith.subi %add3A_1301, %sub3A_1302 : i32
      %jit3A_1304 = arith.constant 2 : i32
      %div3A_1305 = arith.divsi %sub3A_1303, %jit3A_1304 : i32
      %sign3A_1306 = arith.constant 0 : i32
      %sign3A_1307 = arith.cmpi sgt, %sub3A_1303, %sign3A_1306 : i32
      %sign3A_1308 = arith.extui %sign3A_1307 : i1 to i32
      %sign3A_1309 = arith.constant 0 : i32
      %sign3A_1310 = arith.cmpi slt, %sub3A_1303, %sign3A_1309 : i32
      %sign3A_1311 = arith.extui %sign3A_1310 : i1 to i32
      %sign3A_1312 = arith.subi %sign3A_1308, %sign3A_1311 : i32
      %sign3A_1313 = arith.constant 0 : i32
      %sign3A_1314 = arith.cmpi sgt, %jit3A_1304, %sign3A_1313 : i32
      %sign3A_1315 = arith.extui %sign3A_1314 : i1 to i32
      %sign3A_1316 = arith.constant 0 : i32
      %sign3A_1317 = arith.cmpi slt, %jit3A_1304, %sign3A_1316 : i32
      %sign3A_1318 = arith.extui %sign3A_1317 : i1 to i32
      %sign3A_1319 = arith.subi %sign3A_1315, %sign3A_1318 : i32
      %ne3A_1320 = arith.cmpi ne, %sign3A_1312, %sign3A_1319 : i32
      %rem3A_1321 = arith.remsi %sub3A_1303, %jit3A_1304 : i32
      %ne3A_1322 = arith.constant 0 : i32
      %ne3A_1323 = arith.cmpi ne, %rem3A_1321, %ne3A_1322 : i32
      %and3A_1324 = arith.andi %ne3A_1320, %ne3A_1323 : i1
      %sub3A_1325 = arith.constant 1 : i32
      %sub3A_1326 = arith.subi %div3A_1305, %sub3A_1325 : i32
      %select_n3A_1327 = arith.select %and3A_1324, %sub3A_1326, %div3A_1305 : i32
      %jit3A_1328 = arith.constant 2 : i32
      %eq3A_1329 = arith.constant 0 : i32
      %eq3A_1330 = arith.cmpi eq, %jit3A_1328, %eq3A_1329 : i32
      %jit3A_1331 = arith.constant 1 : i32
      %select_n3A_1332 = arith.select %eq3A_1330, %jit3A_1331, %jit3A_1328 : i32
      %rem3A_1333 = arith.remsi %sub3A_1303, %select_n3A_1332 : i32
      %ne3A_1334 = arith.constant 0 : i32
      %ne3A_1335 = arith.cmpi ne, %rem3A_1333, %ne3A_1334 : i32
      %lt3A_1336 = arith.constant 0 : i32
      %lt3A_1337 = arith.cmpi slt, %rem3A_1333, %lt3A_1336 : i32
      %lt3A_1338 = arith.constant 0 : i32
      %lt3A_1339 = arith.cmpi slt, %select_n3A_1332, %lt3A_1338 : i32
      %ne3A_1340 = arith.xori %lt3A_1337, %lt3A_1339 : i1
      %and3A_1341 = arith.andi %ne3A_1340, %ne3A_1335 : i1
      %add3A_1342 = arith.addi %rem3A_1333, %select_n3A_1332 : i32
      %select_n3A_1343 = arith.select %and3A_1341, %add3A_1342, %rem3A_1333 : i32
      %mul3A_1344 = arith.constant 64 : i32
      %mul3A_1345 = arith.muli %select_n3A_1343, %mul3A_1344 : i32
      %add3A_1346 = arith.addi %mul3A_2, %mul3A_1345 : i32
      %dma_wait3A_1347 = arith.constant 3 : i32
      %dma_wait3A_1348 = arith.constant 0 : i32
      %dma_wait3A_1349 = arith.constant 0 : i32
      %dma_wait3A_1350 = tpu.memref_slice %arg6[%dma_wait3A_1347, %dma_wait3A_1348, %dma_wait3A_1349] : memref<10x64x128xf32, #tpu.memory_space<vmem>> -> memref<1x64x128xf32, #tpu.memory_space<vmem>>
      %dma_wait3A_1351 = tpu.memref_squeeze %dma_wait3A_1350 : memref<1x64x128xf32, #tpu.memory_space<vmem>> -> memref<64x128xf32, #tpu.memory_space<vmem>>
      %dma_wait3A_1352 = arith.constant 0 : i32
      %dma_wait3A_1353 = tpu.memref_slice %arg4[%select_n3A_1327, %add3A_1346, %dma_wait3A_1352] : memref<50x4096x128xf32, #tpu.memory_space<hbm>> -> memref<1x64x128xf32, #tpu.memory_space<hbm>>
      %dma_wait3A_1354 = tpu.memref_squeeze %dma_wait3A_1353 : memref<1x64x128xf32, #tpu.memory_space<hbm>> -> memref<64x128xf32, #tpu.memory_space<hbm>>
      %dma_wait3A_1355 = arith.constant 0 : i32
      %dma_wait3A_1356 = tpu.memref_slice %arg4[%select_n3A_1327, %add3A_1346, %dma_wait3A_1355] : memref<50x4096x128xf32, #tpu.memory_space<hbm>> -> memref<1x64x128xf32, #tpu.memory_space<hbm>>
      %dma_wait3A_1357 = tpu.memref_squeeze %dma_wait3A_1356 : memref<1x64x128xf32, #tpu.memory_space<hbm>> -> memref<64x128xf32, #tpu.memory_space<hbm>>
      %dma_wait3A_1358 = arith.constant 0 : i32
      %dma_wait3A_1359 = arith.constant 0 : i32
      %dma_wait3A_1360 = tpu.memref_slice %arg6[%dma_wait3A_1347, %dma_wait3A_1358, %dma_wait3A_1359] : memref<10x64x128xf32, #tpu.memory_space<vmem>> -> memref<1x64x128xf32, #tpu.memory_space<vmem>>
      %dma_wait3A_1361 = tpu.memref_squeeze %dma_wait3A_1360 : memref<1x64x128xf32, #tpu.memory_space<vmem>> -> memref<64x128xf32, #tpu.memory_space<vmem>>
      tpu.wait_dma2 semaphore(%arg20 : memref<!tpu.dma_semaphore, #tpu.memory_space<semaphore_mem>>) src(%dma_wait3A_1361 : memref<64x128xf32, #tpu.memory_space<vmem>>) dst(%dma_wait3A_1357 : memref<64x128xf32, #tpu.memory_space<hbm>>)
      %sub3A_1362 = arith.constant 3 : i32
      %sub3A_1363 = arith.subi %add3A_1301, %sub3A_1362 : i32
      %add3A_1364 = arith.constant 10 : i32
      %add3A_1365 = arith.addi %sub3A_1363, %add3A_1364 : i32
      %jit3A_1366 = arith.constant 2 : i32
      %div3A_1367 = arith.divsi %add3A_1365, %jit3A_1366 : i32
      %sign3A_1368 = arith.constant 0 : i32
      %sign3A_1369 = arith.cmpi sgt, %add3A_1365, %sign3A_1368 : i32
      %sign3A_1370 = arith.extui %sign3A_1369 : i1 to i32
      %sign3A_1371 = arith.constant 0 : i32
      %sign3A_1372 = arith.cmpi slt, %add3A_1365, %sign3A_1371 : i32
      %sign3A_1373 = arith.extui %sign3A_1372 : i1 to i32
      %sign3A_1374 = arith.subi %sign3A_1370, %sign3A_1373 : i32
      %sign3A_1375 = arith.constant 0 : i32
      %sign3A_1376 = arith.cmpi sgt, %jit3A_1366, %sign3A_1375 : i32
      %sign3A_1377 = arith.extui %sign3A_1376 : i1 to i32
      %sign3A_1378 = arith.constant 0 : i32
      %sign3A_1379 = arith.cmpi slt, %jit3A_1366, %sign3A_1378 : i32
      %sign3A_1380 = arith.extui %sign3A_1379 : i1 to i32
      %sign3A_1381 = arith.subi %sign3A_1377, %sign3A_1380 : i32
      %ne3A_1382 = arith.cmpi ne, %sign3A_1374, %sign3A_1381 : i32
      %rem3A_1383 = arith.remsi %add3A_1365, %jit3A_1366 : i32
      %ne3A_1384 = arith.constant 0 : i32
      %ne3A_1385 = arith.cmpi ne, %rem3A_1383, %ne3A_1384 : i32
      %and3A_1386 = arith.andi %ne3A_1382, %ne3A_1385 : i1
      %sub3A_1387 = arith.constant 1 : i32
      %sub3A_1388 = arith.subi %div3A_1367, %sub3A_1387 : i32
      %select_n3A_1389 = arith.select %and3A_1386, %sub3A_1388, %div3A_1367 : i32
      %jit3A_1390 = arith.constant 2 : i32
      %eq3A_1391 = arith.constant 0 : i32
      %eq3A_1392 = arith.cmpi eq, %jit3A_1390, %eq3A_1391 : i32
      %jit3A_1393 = arith.constant 1 : i32
      %select_n3A_1394 = arith.select %eq3A_1392, %jit3A_1393, %jit3A_1390 : i32
      %rem3A_1395 = arith.remsi %add3A_1365, %select_n3A_1394 : i32
      %ne3A_1396 = arith.constant 0 : i32
      %ne3A_1397 = arith.cmpi ne, %rem3A_1395, %ne3A_1396 : i32
      %lt3A_1398 = arith.constant 0 : i32
      %lt3A_1399 = arith.cmpi slt, %rem3A_1395, %lt3A_1398 : i32
      %lt3A_1400 = arith.constant 0 : i32
      %lt3A_1401 = arith.cmpi slt, %select_n3A_1394, %lt3A_1400 : i32
      %ne3A_1402 = arith.xori %lt3A_1399, %lt3A_1401 : i1
      %and3A_1403 = arith.andi %ne3A_1402, %ne3A_1397 : i1
      %add3A_1404 = arith.addi %rem3A_1395, %select_n3A_1394 : i32
      %select_n3A_1405 = arith.select %and3A_1403, %add3A_1404, %rem3A_1395 : i32
      %mul3A_1406 = arith.constant 64 : i32
      %mul3A_1407 = arith.muli %select_n3A_1405, %mul3A_1406 : i32
      %dma_start3A_1408 = arith.constant 3 : i32
      %dma_start3A_1409 = arith.constant 0 : i32
      %dma_start3A_1410 = arith.constant 0 : i32
      %dma_start3A_1411 = tpu.memref_slice %arg6[%dma_start3A_1408, %dma_start3A_1409, %dma_start3A_1410] : memref<10x64x128xf32, #tpu.memory_space<vmem>> -> memref<1x64x128xf32, #tpu.memory_space<vmem>>
      %dma_start3A_1412 = tpu.memref_squeeze %dma_start3A_1411 : memref<1x64x128xf32, #tpu.memory_space<vmem>> -> memref<64x128xf32, #tpu.memory_space<vmem>>
      %dma_start3A_1413 = tpu.memref_slice %arg5[%select_n3A_1389, %mul3A_1407] : memref<50x128xi32, #tpu.memory_space<vmem>> -> memref<1x64xi32, #tpu.memory_space<vmem>>
      %dma_start3A_1414 = tpu.memref_squeeze %dma_start3A_1413 : memref<1x64xi32, #tpu.memory_space<vmem>> -> memref<64xi32, #tpu.memory_space<vmem>>
      %dma_start3A_1415 = arith.constant 0 : i32
      %dma_start3A_1416 = arith.constant 0 : i32
      %dma_start3A_1417 = tpu.memref_slice %arg3[%dma_start3A_1415, %dma_start3A_1416] : memref<100000x128xf32, #tpu.memory_space<hbm>> -> memref<100000x128xf32, #tpu.memory_space<hbm>>
      tpu.enqueue_indirect_dma source(%dma_start3A_1417 : memref<100000x128xf32, #tpu.memory_space<hbm>>) target(%dma_start3A_1412 : memref<64x128xf32, #tpu.memory_space<vmem>>) offsets(%dma_start3A_1414 : memref<64xi32, #tpu.memory_space<vmem>>) semaphore(%arg10 : memref<!tpu.dma_semaphore, #tpu.memory_space<semaphore_mem>>)
      %jit3A_1418 = arith.constant 2 : i32
      %div3A_1419 = arith.divsi %add3A_1301, %jit3A_1418 : i32
      %sign3A_1420 = arith.constant 0 : i32
      %sign3A_1421 = arith.cmpi sgt, %add3A_1301, %sign3A_1420 : i32
      %sign3A_1422 = arith.extui %sign3A_1421 : i1 to i32
      %sign3A_1423 = arith.constant 0 : i32
      %sign3A_1424 = arith.cmpi slt, %add3A_1301, %sign3A_1423 : i32
      %sign3A_1425 = arith.extui %sign3A_1424 : i1 to i32
      %sign3A_1426 = arith.subi %sign3A_1422, %sign3A_1425 : i32
      %sign3A_1427 = arith.constant 0 : i32
      %sign3A_1428 = arith.cmpi sgt, %jit3A_1418, %sign3A_1427 : i32
      %sign3A_1429 = arith.extui %sign3A_1428 : i1 to i32
      %sign3A_1430 = arith.constant 0 : i32
      %sign3A_1431 = arith.cmpi slt, %jit3A_1418, %sign3A_1430 : i32
      %sign3A_1432 = arith.extui %sign3A_1431 : i1 to i32
      %sign3A_1433 = arith.subi %sign3A_1429, %sign3A_1432 : i32
      %ne3A_1434 = arith.cmpi ne, %sign3A_1426, %sign3A_1433 : i32
      %rem3A_1435 = arith.remsi %add3A_1301, %jit3A_1418 : i32
      %ne3A_1436 = arith.constant 0 : i32
      %ne3A_1437 = arith.cmpi ne, %rem3A_1435, %ne3A_1436 : i32
      %and3A_1438 = arith.andi %ne3A_1434, %ne3A_1437 : i1
      %sub3A_1439 = arith.constant 1 : i32
      %sub3A_1440 = arith.subi %div3A_1419, %sub3A_1439 : i32
      %select_n3A_1441 = arith.select %and3A_1438, %sub3A_1440, %div3A_1419 : i32
      %jit3A_1442 = arith.constant 2 : i32
      %eq3A_1443 = arith.constant 0 : i32
      %eq3A_1444 = arith.cmpi eq, %jit3A_1442, %eq3A_1443 : i32
      %jit3A_1445 = arith.constant 1 : i32
      %select_n3A_1446 = arith.select %eq3A_1444, %jit3A_1445, %jit3A_1442 : i32
      %rem3A_1447 = arith.remsi %add3A_1301, %select_n3A_1446 : i32
      %ne3A_1448 = arith.constant 0 : i32
      %ne3A_1449 = arith.cmpi ne, %rem3A_1447, %ne3A_1448 : i32
      %lt3A_1450 = arith.constant 0 : i32
      %lt3A_1451 = arith.cmpi slt, %rem3A_1447, %lt3A_1450 : i32
      %lt3A_1452 = arith.constant 0 : i32
      %lt3A_1453 = arith.cmpi slt, %select_n3A_1446, %lt3A_1452 : i32
      %ne3A_1454 = arith.xori %lt3A_1451, %lt3A_1453 : i1
      %and3A_1455 = arith.andi %ne3A_1454, %ne3A_1449 : i1
      %add3A_1456 = arith.addi %rem3A_1447, %select_n3A_1446 : i32
      %select_n3A_1457 = arith.select %and3A_1455, %add3A_1456, %rem3A_1447 : i32
      %mul3A_1458 = arith.constant 64 : i32
      %mul3A_1459 = arith.muli %select_n3A_1457, %mul3A_1458 : i32
      %dma_wait3A_1460 = arith.constant 6 : i32
      %dma_wait3A_1461 = arith.constant 0 : i32
      %dma_wait3A_1462 = arith.constant 0 : i32
      %dma_wait3A_1463 = tpu.memref_slice %arg6[%dma_wait3A_1460, %dma_wait3A_1461, %dma_wait3A_1462] : memref<10x64x128xf32, #tpu.memory_space<vmem>> -> memref<1x64x128xf32, #tpu.memory_space<vmem>>
      %dma_wait3A_1464 = tpu.memref_squeeze %dma_wait3A_1463 : memref<1x64x128xf32, #tpu.memory_space<vmem>> -> memref<64x128xf32, #tpu.memory_space<vmem>>
      %dma_wait3A_1465 = tpu.memref_slice %arg5[%select_n3A_1441, %mul3A_1459] : memref<50x128xi32, #tpu.memory_space<vmem>> -> memref<1x64xi32, #tpu.memory_space<vmem>>
      %dma_wait3A_1466 = tpu.memref_squeeze %dma_wait3A_1465 : memref<1x64xi32, #tpu.memory_space<vmem>> -> memref<64xi32, #tpu.memory_space<vmem>>
      %dma_wait3A_1467 = arith.constant 0 : i32
      %dma_wait3A_1468 = arith.constant 0 : i32
      %dma_wait3A_1469 = tpu.memref_slice %arg3[%dma_wait3A_1467, %dma_wait3A_1468] : memref<100000x128xf32, #tpu.memory_space<hbm>> -> memref<100000x128xf32, #tpu.memory_space<hbm>>
      tpu.wait_indirect_dma semaphore(%arg13 : memref<!tpu.dma_semaphore, #tpu.memory_space<semaphore_mem>>) src(%dma_wait3A_1469 : memref<100000x128xf32, #tpu.memory_space<hbm>>) dst(%dma_wait3A_1464 : memref<64x128xf32, #tpu.memory_space<vmem>>)
      %jit3A_1470 = arith.constant 2 : i32
      %div3A_1471 = arith.divsi %add3A_1301, %jit3A_1470 : i32
      %sign3A_1472 = arith.constant 0 : i32
      %sign3A_1473 = arith.cmpi sgt, %add3A_1301, %sign3A_1472 : i32
      %sign3A_1474 = arith.extui %sign3A_1473 : i1 to i32
      %sign3A_1475 = arith.constant 0 : i32
      %sign3A_1476 = arith.cmpi slt, %add3A_1301, %sign3A_1475 : i32
      %sign3A_1477 = arith.extui %sign3A_1476 : i1 to i32
      %sign3A_1478 = arith.subi %sign3A_1474, %sign3A_1477 : i32
      %sign3A_1479 = arith.constant 0 : i32
      %sign3A_1480 = arith.cmpi sgt, %jit3A_1470, %sign3A_1479 : i32
      %sign3A_1481 = arith.extui %sign3A_1480 : i1 to i32
      %sign3A_1482 = arith.constant 0 : i32
      %sign3A_1483 = arith.cmpi slt, %jit3A_1470, %sign3A_1482 : i32
      %sign3A_1484 = arith.extui %sign3A_1483 : i1 to i32
      %sign3A_1485 = arith.subi %sign3A_1481, %sign3A_1484 : i32
      %ne3A_1486 = arith.cmpi ne, %sign3A_1478, %sign3A_1485 : i32
      %rem3A_1487 = arith.remsi %add3A_1301, %jit3A_1470 : i32
      %ne3A_1488 = arith.constant 0 : i32
      %ne3A_1489 = arith.cmpi ne, %rem3A_1487, %ne3A_1488 : i32
      %and3A_1490 = arith.andi %ne3A_1486, %ne3A_1489 : i1
      %sub3A_1491 = arith.constant 1 : i32
      %sub3A_1492 = arith.subi %div3A_1471, %sub3A_1491 : i32
      %select_n3A_1493 = arith.select %and3A_1490, %sub3A_1492, %div3A_1471 : i32
      %jit3A_1494 = arith.constant 2 : i32
      %eq3A_1495 = arith.constant 0 : i32
      %eq3A_1496 = arith.cmpi eq, %jit3A_1494, %eq3A_1495 : i32
      %jit3A_1497 = arith.constant 1 : i32
      %select_n3A_1498 = arith.select %eq3A_1496, %jit3A_1497, %jit3A_1494 : i32
      %rem3A_1499 = arith.remsi %add3A_1301, %select_n3A_1498 : i32
      %ne3A_1500 = arith.constant 0 : i32
      %ne3A_1501 = arith.cmpi ne, %rem3A_1499, %ne3A_1500 : i32
      %lt3A_1502 = arith.constant 0 : i32
      %lt3A_1503 = arith.cmpi slt, %rem3A_1499, %lt3A_1502 : i32
      %lt3A_1504 = arith.constant 0 : i32
      %lt3A_1505 = arith.cmpi slt, %select_n3A_1498, %lt3A_1504 : i32
      %ne3A_1506 = arith.xori %lt3A_1503, %lt3A_1505 : i1
      %and3A_1507 = arith.andi %ne3A_1506, %ne3A_1501 : i1
      %add3A_1508 = arith.addi %rem3A_1499, %select_n3A_1498 : i32
      %select_n3A_1509 = arith.select %and3A_1507, %add3A_1508, %rem3A_1499 : i32
      %mul3A_1510 = arith.constant 64 : i32
      %mul3A_1511 = arith.muli %select_n3A_1509, %mul3A_1510 : i32
      %add3A_1512 = arith.addi %mul3A_2, %mul3A_1511 : i32
      %dma_start3A_1513 = arith.constant 6 : i32
      %dma_start3A_1514 = arith.constant 0 : i32
      %dma_start3A_1515 = arith.constant 0 : i32
      %dma_start3A_1516 = tpu.memref_slice %arg6[%dma_start3A_1513, %dma_start3A_1514, %dma_start3A_1515] : memref<10x64x128xf32, #tpu.memory_space<vmem>> -> memref<1x64x128xf32, #tpu.memory_space<vmem>>
      %dma_start3A_1517 = tpu.memref_squeeze %dma_start3A_1516 : memref<1x64x128xf32, #tpu.memory_space<vmem>> -> memref<64x128xf32, #tpu.memory_space<vmem>>
      %dma_start3A_1518 = arith.constant 0 : i32
      %dma_start3A_1519 = tpu.memref_slice %arg4[%select_n3A_1493, %add3A_1512, %dma_start3A_1518] : memref<50x4096x128xf32, #tpu.memory_space<hbm>> -> memref<1x64x128xf32, #tpu.memory_space<hbm>>
      %dma_start3A_1520 = tpu.memref_squeeze %dma_start3A_1519 : memref<1x64x128xf32, #tpu.memory_space<hbm>> -> memref<64x128xf32, #tpu.memory_space<hbm>>
      %dma_start3A_1521 = arith.constant 0 : i32
      %dma_start3A_1522 = tpu.memref_slice %arg4[%select_n3A_1493, %add3A_1512, %dma_start3A_1521] : memref<50x4096x128xf32, #tpu.memory_space<hbm>> -> memref<1x64x128xf32, #tpu.memory_space<hbm>>
      %dma_start3A_1523 = tpu.memref_squeeze %dma_start3A_1522 : memref<1x64x128xf32, #tpu.memory_space<hbm>> -> memref<64x128xf32, #tpu.memory_space<hbm>>
      %dma_start3A_1524 = arith.constant 0 : i32
      %dma_start3A_1525 = arith.constant 0 : i32
      %dma_start3A_1526 = tpu.memref_slice %arg6[%dma_start3A_1513, %dma_start3A_1524, %dma_start3A_1525] : memref<10x64x128xf32, #tpu.memory_space<vmem>> -> memref<1x64x128xf32, #tpu.memory_space<vmem>>
      %dma_start3A_1527 = tpu.memref_squeeze %dma_start3A_1526 : memref<1x64x128xf32, #tpu.memory_space<vmem>> -> memref<64x128xf32, #tpu.memory_space<vmem>>
      tpu.enqueue_dma source(%dma_start3A_1527 : memref<64x128xf32, #tpu.memory_space<vmem>>) target(%dma_start3A_1523 : memref<64x128xf32, #tpu.memory_space<hbm>>) target_semaphore(%arg23 : memref<!tpu.dma_semaphore, #tpu.memory_space<semaphore_mem>>)
      %mul3A_1528 = arith.constant 10 : i32
      %mul3A_1529 = arith.muli %add3A_609, %mul3A_1528 : i32
      %add3A_1530 = arith.constant 3 : i32
      %add3A_1531 = arith.addi %add3A_1530, %mul3A_1529 : i32
      %add3A_1532 = arith.constant 4 : i32
      %add3A_1533 = arith.addi %add3A_1531, %add3A_1532 : i32
      %sub3A_1534 = arith.constant 3 : i32
      %sub3A_1535 = arith.subi %add3A_1533, %sub3A_1534 : i32
      %jit3A_1536 = arith.constant 2 : i32
      %div3A_1537 = arith.divsi %sub3A_1535, %jit3A_1536 : i32
      %sign3A_1538 = arith.constant 0 : i32
      %sign3A_1539 = arith.cmpi sgt, %sub3A_1535, %sign3A_1538 : i32
      %sign3A_1540 = arith.extui %sign3A_1539 : i1 to i32
      %sign3A_1541 = arith.constant 0 : i32
      %sign3A_1542 = arith.cmpi slt, %sub3A_1535, %sign3A_1541 : i32
      %sign3A_1543 = arith.extui %sign3A_1542 : i1 to i32
      %sign3A_1544 = arith.subi %sign3A_1540, %sign3A_1543 : i32
      %sign3A_1545 = arith.constant 0 : i32
      %sign3A_1546 = arith.cmpi sgt, %jit3A_1536, %sign3A_1545 : i32
      %sign3A_1547 = arith.extui %sign3A_1546 : i1 to i32
      %sign3A_1548 = arith.constant 0 : i32
      %sign3A_1549 = arith.cmpi slt, %jit3A_1536, %sign3A_1548 : i32
      %sign3A_1550 = arith.extui %sign3A_1549 : i1 to i32
      %sign3A_1551 = arith.subi %sign3A_1547, %sign3A_1550 : i32
      %ne3A_1552 = arith.cmpi ne, %sign3A_1544, %sign3A_1551 : i32
      %rem3A_1553 = arith.remsi %sub3A_1535, %jit3A_1536 : i32
      %ne3A_1554 = arith.constant 0 : i32
      %ne3A_1555 = arith.cmpi ne, %rem3A_1553, %ne3A_1554 : i32
      %and3A_1556 = arith.andi %ne3A_1552, %ne3A_1555 : i1
      %sub3A_1557 = arith.constant 1 : i32
      %sub3A_1558 = arith.subi %div3A_1537, %sub3A_1557 : i32
      %select_n3A_1559 = arith.select %and3A_1556, %sub3A_1558, %div3A_1537 : i32
      %jit3A_1560 = arith.constant 2 : i32
      %eq3A_1561 = arith.constant 0 : i32
      %eq3A_1562 = arith.cmpi eq, %jit3A_1560, %eq3A_1561 : i32
      %jit3A_1563 = arith.constant 1 : i32
      %select_n3A_1564 = arith.select %eq3A_1562, %jit3A_1563, %jit3A_1560 : i32
      %rem3A_1565 = arith.remsi %sub3A_1535, %select_n3A_1564 : i32
      %ne3A_1566 = arith.constant 0 : i32
      %ne3A_1567 = arith.cmpi ne, %rem3A_1565, %ne3A_1566 : i32
      %lt3A_1568 = arith.constant 0 : i32
      %lt3A_1569 = arith.cmpi slt, %rem3A_1565, %lt3A_1568 : i32
      %lt3A_1570 = arith.constant 0 : i32
      %lt3A_1571 = arith.cmpi slt, %select_n3A_1564, %lt3A_1570 : i32
      %ne3A_1572 = arith.xori %lt3A_1569, %lt3A_1571 : i1
      %and3A_1573 = arith.andi %ne3A_1572, %ne3A_1567 : i1
      %add3A_1574 = arith.addi %rem3A_1565, %select_n3A_1564 : i32
      %select_n3A_1575 = arith.select %and3A_1573, %add3A_1574, %rem3A_1565 : i32
      %mul3A_1576 = arith.constant 64 : i32
      %mul3A_1577 = arith.muli %select_n3A_1575, %mul3A_1576 : i32
      %add3A_1578 = arith.addi %mul3A_2, %mul3A_1577 : i32
      %dma_wait3A_1579 = arith.constant 4 : i32
      %dma_wait3A_1580 = arith.constant 0 : i32
      %dma_wait3A_1581 = arith.constant 0 : i32
      %dma_wait3A_1582 = tpu.memref_slice %arg6[%dma_wait3A_1579, %dma_wait3A_1580, %dma_wait3A_1581] : memref<10x64x128xf32, #tpu.memory_space<vmem>> -> memref<1x64x128xf32, #tpu.memory_space<vmem>>
      %dma_wait3A_1583 = tpu.memref_squeeze %dma_wait3A_1582 : memref<1x64x128xf32, #tpu.memory_space<vmem>> -> memref<64x128xf32, #tpu.memory_space<vmem>>
      %dma_wait3A_1584 = arith.constant 0 : i32
      %dma_wait3A_1585 = tpu.memref_slice %arg4[%select_n3A_1559, %add3A_1578, %dma_wait3A_1584] : memref<50x4096x128xf32, #tpu.memory_space<hbm>> -> memref<1x64x128xf32, #tpu.memory_space<hbm>>
      %dma_wait3A_1586 = tpu.memref_squeeze %dma_wait3A_1585 : memref<1x64x128xf32, #tpu.memory_space<hbm>> -> memref<64x128xf32, #tpu.memory_space<hbm>>
      %dma_wait3A_1587 = arith.constant 0 : i32
      %dma_wait3A_1588 = tpu.memref_slice %arg4[%select_n3A_1559, %add3A_1578, %dma_wait3A_1587] : memref<50x4096x128xf32, #tpu.memory_space<hbm>> -> memref<1x64x128xf32, #tpu.memory_space<hbm>>
      %dma_wait3A_1589 = tpu.memref_squeeze %dma_wait3A_1588 : memref<1x64x128xf32, #tpu.memory_space<hbm>> -> memref<64x128xf32, #tpu.memory_space<hbm>>
      %dma_wait3A_1590 = arith.constant 0 : i32
      %dma_wait3A_1591 = arith.constant 0 : i32
      %dma_wait3A_1592 = tpu.memref_slice %arg6[%dma_wait3A_1579, %dma_wait3A_1590, %dma_wait3A_1591] : memref<10x64x128xf32, #tpu.memory_space<vmem>> -> memref<1x64x128xf32, #tpu.memory_space<vmem>>
      %dma_wait3A_1593 = tpu.memref_squeeze %dma_wait3A_1592 : memref<1x64x128xf32, #tpu.memory_space<vmem>> -> memref<64x128xf32, #tpu.memory_space<vmem>>
      tpu.wait_dma2 semaphore(%arg21 : memref<!tpu.dma_semaphore, #tpu.memory_space<semaphore_mem>>) src(%dma_wait3A_1593 : memref<64x128xf32, #tpu.memory_space<vmem>>) dst(%dma_wait3A_1589 : memref<64x128xf32, #tpu.memory_space<hbm>>)
      %sub3A_1594 = arith.constant 3 : i32
      %sub3A_1595 = arith.subi %add3A_1533, %sub3A_1594 : i32
      %add3A_1596 = arith.constant 10 : i32
      %add3A_1597 = arith.addi %sub3A_1595, %add3A_1596 : i32
      %jit3A_1598 = arith.constant 2 : i32
      %div3A_1599 = arith.divsi %add3A_1597, %jit3A_1598 : i32
      %sign3A_1600 = arith.constant 0 : i32
      %sign3A_1601 = arith.cmpi sgt, %add3A_1597, %sign3A_1600 : i32
      %sign3A_1602 = arith.extui %sign3A_1601 : i1 to i32
      %sign3A_1603 = arith.constant 0 : i32
      %sign3A_1604 = arith.cmpi slt, %add3A_1597, %sign3A_1603 : i32
      %sign3A_1605 = arith.extui %sign3A_1604 : i1 to i32
      %sign3A_1606 = arith.subi %sign3A_1602, %sign3A_1605 : i32
      %sign3A_1607 = arith.constant 0 : i32
      %sign3A_1608 = arith.cmpi sgt, %jit3A_1598, %sign3A_1607 : i32
      %sign3A_1609 = arith.extui %sign3A_1608 : i1 to i32
      %sign3A_1610 = arith.constant 0 : i32
      %sign3A_1611 = arith.cmpi slt, %jit3A_1598, %sign3A_1610 : i32
      %sign3A_1612 = arith.extui %sign3A_1611 : i1 to i32
      %sign3A_1613 = arith.subi %sign3A_1609, %sign3A_1612 : i32
      %ne3A_1614 = arith.cmpi ne, %sign3A_1606, %sign3A_1613 : i32
      %rem3A_1615 = arith.remsi %add3A_1597, %jit3A_1598 : i32
      %ne3A_1616 = arith.constant 0 : i32
      %ne3A_1617 = arith.cmpi ne, %rem3A_1615, %ne3A_1616 : i32
      %and3A_1618 = arith.andi %ne3A_1614, %ne3A_1617 : i1
      %sub3A_1619 = arith.constant 1 : i32
      %sub3A_1620 = arith.subi %div3A_1599, %sub3A_1619 : i32
      %select_n3A_1621 = arith.select %and3A_1618, %sub3A_1620, %div3A_1599 : i32
      %jit3A_1622 = arith.constant 2 : i32
      %eq3A_1623 = arith.constant 0 : i32
      %eq3A_1624 = arith.cmpi eq, %jit3A_1622, %eq3A_1623 : i32
      %jit3A_1625 = arith.constant 1 : i32
      %select_n3A_1626 = arith.select %eq3A_1624, %jit3A_1625, %jit3A_1622 : i32
      %rem3A_1627 = arith.remsi %add3A_1597, %select_n3A_1626 : i32
      %ne3A_1628 = arith.constant 0 : i32
      %ne3A_1629 = arith.cmpi ne, %rem3A_1627, %ne3A_1628 : i32
      %lt3A_1630 = arith.constant 0 : i32
      %lt3A_1631 = arith.cmpi slt, %rem3A_1627, %lt3A_1630 : i32
      %lt3A_1632 = arith.constant 0 : i32
      %lt3A_1633 = arith.cmpi slt, %select_n3A_1626, %lt3A_1632 : i32
      %ne3A_1634 = arith.xori %lt3A_1631, %lt3A_1633 : i1
      %and3A_1635 = arith.andi %ne3A_1634, %ne3A_1629 : i1
      %add3A_1636 = arith.addi %rem3A_1627, %select_n3A_1626 : i32
      %select_n3A_1637 = arith.select %and3A_1635, %add3A_1636, %rem3A_1627 : i32
      %mul3A_1638 = arith.constant 64 : i32
      %mul3A_1639 = arith.muli %select_n3A_1637, %mul3A_1638 : i32
      %dma_start3A_1640 = arith.constant 4 : i32
      %dma_start3A_1641 = arith.constant 0 : i32
      %dma_start3A_1642 = arith.constant 0 : i32
      %dma_start3A_1643 = tpu.memref_slice %arg6[%dma_start3A_1640, %dma_start3A_1641, %dma_start3A_1642] : memref<10x64x128xf32, #tpu.memory_space<vmem>> -> memref<1x64x128xf32, #tpu.memory_space<vmem>>
      %dma_start3A_1644 = tpu.memref_squeeze %dma_start3A_1643 : memref<1x64x128xf32, #tpu.memory_space<vmem>> -> memref<64x128xf32, #tpu.memory_space<vmem>>
      %dma_start3A_1645 = tpu.memref_slice %arg5[%select_n3A_1621, %mul3A_1639] : memref<50x128xi32, #tpu.memory_space<vmem>> -> memref<1x64xi32, #tpu.memory_space<vmem>>
      %dma_start3A_1646 = tpu.memref_squeeze %dma_start3A_1645 : memref<1x64xi32, #tpu.memory_space<vmem>> -> memref<64xi32, #tpu.memory_space<vmem>>
      %dma_start3A_1647 = arith.constant 0 : i32
      %dma_start3A_1648 = arith.constant 0 : i32
      %dma_start3A_1649 = tpu.memref_slice %arg3[%dma_start3A_1647, %dma_start3A_1648] : memref<100000x128xf32, #tpu.memory_space<hbm>> -> memref<100000x128xf32, #tpu.memory_space<hbm>>
      tpu.enqueue_indirect_dma source(%dma_start3A_1649 : memref<100000x128xf32, #tpu.memory_space<hbm>>) target(%dma_start3A_1644 : memref<64x128xf32, #tpu.memory_space<vmem>>) offsets(%dma_start3A_1646 : memref<64xi32, #tpu.memory_space<vmem>>) semaphore(%arg11 : memref<!tpu.dma_semaphore, #tpu.memory_space<semaphore_mem>>)
      %jit3A_1650 = arith.constant 2 : i32
      %div3A_1651 = arith.divsi %add3A_1533, %jit3A_1650 : i32
      %sign3A_1652 = arith.constant 0 : i32
      %sign3A_1653 = arith.cmpi sgt, %add3A_1533, %sign3A_1652 : i32
      %sign3A_1654 = arith.extui %sign3A_1653 : i1 to i32
      %sign3A_1655 = arith.constant 0 : i32
      %sign3A_1656 = arith.cmpi slt, %add3A_1533, %sign3A_1655 : i32
      %sign3A_1657 = arith.extui %sign3A_1656 : i1 to i32
      %sign3A_1658 = arith.subi %sign3A_1654, %sign3A_1657 : i32
      %sign3A_1659 = arith.constant 0 : i32
      %sign3A_1660 = arith.cmpi sgt, %jit3A_1650, %sign3A_1659 : i32
      %sign3A_1661 = arith.extui %sign3A_1660 : i1 to i32
      %sign3A_1662 = arith.constant 0 : i32
      %sign3A_1663 = arith.cmpi slt, %jit3A_1650, %sign3A_1662 : i32
      %sign3A_1664 = arith.extui %sign3A_1663 : i1 to i32
      %sign3A_1665 = arith.subi %sign3A_1661, %sign3A_1664 : i32
      %ne3A_1666 = arith.cmpi ne, %sign3A_1658, %sign3A_1665 : i32
      %rem3A_1667 = arith.remsi %add3A_1533, %jit3A_1650 : i32
      %ne3A_1668 = arith.constant 0 : i32
      %ne3A_1669 = arith.cmpi ne, %rem3A_1667, %ne3A_1668 : i32
      %and3A_1670 = arith.andi %ne3A_1666, %ne3A_1669 : i1
      %sub3A_1671 = arith.constant 1 : i32
      %sub3A_1672 = arith.subi %div3A_1651, %sub3A_1671 : i32
      %select_n3A_1673 = arith.select %and3A_1670, %sub3A_1672, %div3A_1651 : i32
      %jit3A_1674 = arith.constant 2 : i32
      %eq3A_1675 = arith.constant 0 : i32
      %eq3A_1676 = arith.cmpi eq, %jit3A_1674, %eq3A_1675 : i32
      %jit3A_1677 = arith.constant 1 : i32
      %select_n3A_1678 = arith.select %eq3A_1676, %jit3A_1677, %jit3A_1674 : i32
      %rem3A_1679 = arith.remsi %add3A_1533, %select_n3A_1678 : i32
      %ne3A_1680 = arith.constant 0 : i32
      %ne3A_1681 = arith.cmpi ne, %rem3A_1679, %ne3A_1680 : i32
      %lt3A_1682 = arith.constant 0 : i32
      %lt3A_1683 = arith.cmpi slt, %rem3A_1679, %lt3A_1682 : i32
      %lt3A_1684 = arith.constant 0 : i32
      %lt3A_1685 = arith.cmpi slt, %select_n3A_1678, %lt3A_1684 : i32
      %ne3A_1686 = arith.xori %lt3A_1683, %lt3A_1685 : i1
      %and3A_1687 = arith.andi %ne3A_1686, %ne3A_1681 : i1
      %add3A_1688 = arith.addi %rem3A_1679, %select_n3A_1678 : i32
      %select_n3A_1689 = arith.select %and3A_1687, %add3A_1688, %rem3A_1679 : i32
      %mul3A_1690 = arith.constant 64 : i32
      %mul3A_1691 = arith.muli %select_n3A_1689, %mul3A_1690 : i32
      %dma_wait3A_1692 = arith.constant 7 : i32
      %dma_wait3A_1693 = arith.constant 0 : i32
      %dma_wait3A_1694 = arith.constant 0 : i32
      %dma_wait3A_1695 = tpu.memref_slice %arg6[%dma_wait3A_1692, %dma_wait3A_1693, %dma_wait3A_1694] : memref<10x64x128xf32, #tpu.memory_space<vmem>> -> memref<1x64x128xf32, #tpu.memory_space<vmem>>
      %dma_wait3A_1696 = tpu.memref_squeeze %dma_wait3A_1695 : memref<1x64x128xf32, #tpu.memory_space<vmem>> -> memref<64x128xf32, #tpu.memory_space<vmem>>
      %dma_wait3A_1697 = tpu.memref_slice %arg5[%select_n3A_1673, %mul3A_1691] : memref<50x128xi32, #tpu.memory_space<vmem>> -> memref<1x64xi32, #tpu.memory_space<vmem>>
      %dma_wait3A_1698 = tpu.memref_squeeze %dma_wait3A_1697 : memref<1x64xi32, #tpu.memory_space<vmem>> -> memref<64xi32, #tpu.memory_space<vmem>>
      %dma_wait3A_1699 = arith.constant 0 : i32
      %dma_wait3A_1700 = arith.constant 0 : i32
      %dma_wait3A_1701 = tpu.memref_slice %arg3[%dma_wait3A_1699, %dma_wait3A_1700] : memref<100000x128xf32, #tpu.memory_space<hbm>> -> memref<100000x128xf32, #tpu.memory_space<hbm>>
      tpu.wait_indirect_dma semaphore(%arg14 : memref<!tpu.dma_semaphore, #tpu.memory_space<semaphore_mem>>) src(%dma_wait3A_1701 : memref<100000x128xf32, #tpu.memory_space<hbm>>) dst(%dma_wait3A_1696 : memref<64x128xf32, #tpu.memory_space<vmem>>)
      %jit3A_1702 = arith.constant 2 : i32
      %div3A_1703 = arith.divsi %add3A_1533, %jit3A_1702 : i32
      %sign3A_1704 = arith.constant 0 : i32
      %sign3A_1705 = arith.cmpi sgt, %add3A_1533, %sign3A_1704 : i32
      %sign3A_1706 = arith.extui %sign3A_1705 : i1 to i32
      %sign3A_1707 = arith.constant 0 : i32
      %sign3A_1708 = arith.cmpi slt, %add3A_1533, %sign3A_1707 : i32
      %sign3A_1709 = arith.extui %sign3A_1708 : i1 to i32
      %sign3A_1710 = arith.subi %sign3A_1706, %sign3A_1709 : i32
      %sign3A_1711 = arith.constant 0 : i32
      %sign3A_1712 = arith.cmpi sgt, %jit3A_1702, %sign3A_1711 : i32
      %sign3A_1713 = arith.extui %sign3A_1712 : i1 to i32
      %sign3A_1714 = arith.constant 0 : i32
      %sign3A_1715 = arith.cmpi slt, %jit3A_1702, %sign3A_1714 : i32
      %sign3A_1716 = arith.extui %sign3A_1715 : i1 to i32
      %sign3A_1717 = arith.subi %sign3A_1713, %sign3A_1716 : i32
      %ne3A_1718 = arith.cmpi ne, %sign3A_1710, %sign3A_1717 : i32
      %rem3A_1719 = arith.remsi %add3A_1533, %jit3A_1702 : i32
      %ne3A_1720 = arith.constant 0 : i32
      %ne3A_1721 = arith.cmpi ne, %rem3A_1719, %ne3A_1720 : i32
      %and3A_1722 = arith.andi %ne3A_1718, %ne3A_1721 : i1
      %sub3A_1723 = arith.constant 1 : i32
      %sub3A_1724 = arith.subi %div3A_1703, %sub3A_1723 : i32
      %select_n3A_1725 = arith.select %and3A_1722, %sub3A_1724, %div3A_1703 : i32
      %jit3A_1726 = arith.constant 2 : i32
      %eq3A_1727 = arith.constant 0 : i32
      %eq3A_1728 = arith.cmpi eq, %jit3A_1726, %eq3A_1727 : i32
      %jit3A_1729 = arith.constant 1 : i32
      %select_n3A_1730 = arith.select %eq3A_1728, %jit3A_1729, %jit3A_1726 : i32
      %rem3A_1731 = arith.remsi %add3A_1533, %select_n3A_1730 : i32
      %ne3A_1732 = arith.constant 0 : i32
      %ne3A_1733 = arith.cmpi ne, %rem3A_1731, %ne3A_1732 : i32
      %lt3A_1734 = arith.constant 0 : i32
      %lt3A_1735 = arith.cmpi slt, %rem3A_1731, %lt3A_1734 : i32
      %lt3A_1736 = arith.constant 0 : i32
      %lt3A_1737 = arith.cmpi slt, %select_n3A_1730, %lt3A_1736 : i32
      %ne3A_1738 = arith.xori %lt3A_1735, %lt3A_1737 : i1
      %and3A_1739 = arith.andi %ne3A_1738, %ne3A_1733 : i1
      %add3A_1740 = arith.addi %rem3A_1731, %select_n3A_1730 : i32
      %select_n3A_1741 = arith.select %and3A_1739, %add3A_1740, %rem3A_1731 : i32
      %mul3A_1742 = arith.constant 64 : i32
      %mul3A_1743 = arith.muli %select_n3A_1741, %mul3A_1742 : i32
      %add3A_1744 = arith.addi %mul3A_2, %mul3A_1743 : i32
      %dma_start3A_1745 = arith.constant 7 : i32
      %dma_start3A_1746 = arith.constant 0 : i32
      %dma_start3A_1747 = arith.constant 0 : i32
      %dma_start3A_1748 = tpu.memref_slice %arg6[%dma_start3A_1745, %dma_start3A_1746, %dma_start3A_1747] : memref<10x64x128xf32, #tpu.memory_space<vmem>> -> memref<1x64x128xf32, #tpu.memory_space<vmem>>
      %dma_start3A_1749 = tpu.memref_squeeze %dma_start3A_1748 : memref<1x64x128xf32, #tpu.memory_space<vmem>> -> memref<64x128xf32, #tpu.memory_space<vmem>>
      %dma_start3A_1750 = arith.constant 0 : i32
      %dma_start3A_1751 = tpu.memref_slice %arg4[%select_n3A_1725, %add3A_1744, %dma_start3A_1750] : memref<50x4096x128xf32, #tpu.memory_space<hbm>> -> memref<1x64x128xf32, #tpu.memory_space<hbm>>
      %dma_start3A_1752 = tpu.memref_squeeze %dma_start3A_1751 : memref<1x64x128xf32, #tpu.memory_space<hbm>> -> memref<64x128xf32, #tpu.memory_space<hbm>>
      %dma_start3A_1753 = arith.constant 0 : i32
      %dma_start3A_1754 = tpu.memref_slice %arg4[%select_n3A_1725, %add3A_1744, %dma_start3A_1753] : memref<50x4096x128xf32, #tpu.memory_space<hbm>> -> memref<1x64x128xf32, #tpu.memory_space<hbm>>
      %dma_start3A_1755 = tpu.memref_squeeze %dma_start3A_1754 : memref<1x64x128xf32, #tpu.memory_space<hbm>> -> memref<64x128xf32, #tpu.memory_space<hbm>>
      %dma_start3A_1756 = arith.constant 0 : i32
      %dma_start3A_1757 = arith.constant 0 : i32
      %dma_start3A_1758 = tpu.memref_slice %arg6[%dma_start3A_1745, %dma_start3A_1756, %dma_start3A_1757] : memref<10x64x128xf32, #tpu.memory_space<vmem>> -> memref<1x64x128xf32, #tpu.memory_space<vmem>>
      %dma_start3A_1759 = tpu.memref_squeeze %dma_start3A_1758 : memref<1x64x128xf32, #tpu.memory_space<vmem>> -> memref<64x128xf32, #tpu.memory_space<vmem>>
      tpu.enqueue_dma source(%dma_start3A_1759 : memref<64x128xf32, #tpu.memory_space<vmem>>) target(%dma_start3A_1755 : memref<64x128xf32, #tpu.memory_space<hbm>>) target_semaphore(%arg24 : memref<!tpu.dma_semaphore, #tpu.memory_space<semaphore_mem>>)
      %mul3A_1760 = arith.constant 10 : i32
      %mul3A_1761 = arith.muli %add3A_609, %mul3A_1760 : i32
      %add3A_1762 = arith.constant 3 : i32
      %add3A_1763 = arith.addi %add3A_1762, %mul3A_1761 : i32
      %add3A_1764 = arith.constant 5 : i32
      %add3A_1765 = arith.addi %add3A_1763, %add3A_1764 : i32
      %sub3A_1766 = arith.constant 3 : i32
      %sub3A_1767 = arith.subi %add3A_1765, %sub3A_1766 : i32
      %jit3A_1768 = arith.constant 2 : i32
      %div3A_1769 = arith.divsi %sub3A_1767, %jit3A_1768 : i32
      %sign3A_1770 = arith.constant 0 : i32
      %sign3A_1771 = arith.cmpi sgt, %sub3A_1767, %sign3A_1770 : i32
      %sign3A_1772 = arith.extui %sign3A_1771 : i1 to i32
      %sign3A_1773 = arith.constant 0 : i32
      %sign3A_1774 = arith.cmpi slt, %sub3A_1767, %sign3A_1773 : i32
      %sign3A_1775 = arith.extui %sign3A_1774 : i1 to i32
      %sign3A_1776 = arith.subi %sign3A_1772, %sign3A_1775 : i32
      %sign3A_1777 = arith.constant 0 : i32
      %sign3A_1778 = arith.cmpi sgt, %jit3A_1768, %sign3A_1777 : i32
      %sign3A_1779 = arith.extui %sign3A_1778 : i1 to i32
      %sign3A_1780 = arith.constant 0 : i32
      %sign3A_1781 = arith.cmpi slt, %jit3A_1768, %sign3A_1780 : i32
      %sign3A_1782 = arith.extui %sign3A_1781 : i1 to i32
      %sign3A_1783 = arith.subi %sign3A_1779, %sign3A_1782 : i32
      %ne3A_1784 = arith.cmpi ne, %sign3A_1776, %sign3A_1783 : i32
      %rem3A_1785 = arith.remsi %sub3A_1767, %jit3A_1768 : i32
      %ne3A_1786 = arith.constant 0 : i32
      %ne3A_1787 = arith.cmpi ne, %rem3A_1785, %ne3A_1786 : i32
      %and3A_1788 = arith.andi %ne3A_1784, %ne3A_1787 : i1
      %sub3A_1789 = arith.constant 1 : i32
      %sub3A_1790 = arith.subi %div3A_1769, %sub3A_1789 : i32
      %select_n3A_1791 = arith.select %and3A_1788, %sub3A_1790, %div3A_1769 : i32
      %jit3A_1792 = arith.constant 2 : i32
      %eq3A_1793 = arith.constant 0 : i32
      %eq3A_1794 = arith.cmpi eq, %jit3A_1792, %eq3A_1793 : i32
      %jit3A_1795 = arith.constant 1 : i32
      %select_n3A_1796 = arith.select %eq3A_1794, %jit3A_1795, %jit3A_1792 : i32
      %rem3A_1797 = arith.remsi %sub3A_1767, %select_n3A_1796 : i32
      %ne3A_1798 = arith.constant 0 : i32
      %ne3A_1799 = arith.cmpi ne, %rem3A_1797, %ne3A_1798 : i32
      %lt3A_1800 = arith.constant 0 : i32
      %lt3A_1801 = arith.cmpi slt, %rem3A_1797, %lt3A_1800 : i32
      %lt3A_1802 = arith.constant 0 : i32
      %lt3A_1803 = arith.cmpi slt, %select_n3A_1796, %lt3A_1802 : i32
      %ne3A_1804 = arith.xori %lt3A_1801, %lt3A_1803 : i1
      %and3A_1805 = arith.andi %ne3A_1804, %ne3A_1799 : i1
      %add3A_1806 = arith.addi %rem3A_1797, %select_n3A_1796 : i32
      %select_n3A_1807 = arith.select %and3A_1805, %add3A_1806, %rem3A_1797 : i32
      %mul3A_1808 = arith.constant 64 : i32
      %mul3A_1809 = arith.muli %select_n3A_1807, %mul3A_1808 : i32
      %add3A_1810 = arith.addi %mul3A_2, %mul3A_1809 : i32
      %dma_wait3A_1811 = arith.constant 5 : i32
      %dma_wait3A_1812 = arith.constant 0 : i32
      %dma_wait3A_1813 = arith.constant 0 : i32
      %dma_wait3A_1814 = tpu.memref_slice %arg6[%dma_wait3A_1811, %dma_wait3A_1812, %dma_wait3A_1813] : memref<10x64x128xf32, #tpu.memory_space<vmem>> -> memref<1x64x128xf32, #tpu.memory_space<vmem>>
      %dma_wait3A_1815 = tpu.memref_squeeze %dma_wait3A_1814 : memref<1x64x128xf32, #tpu.memory_space<vmem>> -> memref<64x128xf32, #tpu.memory_space<vmem>>
      %dma_wait3A_1816 = arith.constant 0 : i32
      %dma_wait3A_1817 = tpu.memref_slice %arg4[%select_n3A_1791, %add3A_1810, %dma_wait3A_1816] : memref<50x4096x128xf32, #tpu.memory_space<hbm>> -> memref<1x64x128xf32, #tpu.memory_space<hbm>>
      %dma_wait3A_1818 = tpu.memref_squeeze %dma_wait3A_1817 : memref<1x64x128xf32, #tpu.memory_space<hbm>> -> memref<64x128xf32, #tpu.memory_space<hbm>>
      %dma_wait3A_1819 = arith.constant 0 : i32
      %dma_wait3A_1820 = tpu.memref_slice %arg4[%select_n3A_1791, %add3A_1810, %dma_wait3A_1819] : memref<50x4096x128xf32, #tpu.memory_space<hbm>> -> memref<1x64x128xf32, #tpu.memory_space<hbm>>
      %dma_wait3A_1821 = tpu.memref_squeeze %dma_wait3A_1820 : memref<1x64x128xf32, #tpu.memory_space<hbm>> -> memref<64x128xf32, #tpu.memory_space<hbm>>
      %dma_wait3A_1822 = arith.constant 0 : i32
      %dma_wait3A_1823 = arith.constant 0 : i32
      %dma_wait3A_1824 = tpu.memref_slice %arg6[%dma_wait3A_1811, %dma_wait3A_1822, %dma_wait3A_1823] : memref<10x64x128xf32, #tpu.memory_space<vmem>> -> memref<1x64x128xf32, #tpu.memory_space<vmem>>
      %dma_wait3A_1825 = tpu.memref_squeeze %dma_wait3A_1824 : memref<1x64x128xf32, #tpu.memory_space<vmem>> -> memref<64x128xf32, #tpu.memory_space<vmem>>
      tpu.wait_dma2 semaphore(%arg22 : memref<!tpu.dma_semaphore, #tpu.memory_space<semaphore_mem>>) src(%dma_wait3A_1825 : memref<64x128xf32, #tpu.memory_space<vmem>>) dst(%dma_wait3A_1821 : memref<64x128xf32, #tpu.memory_space<hbm>>)
      %sub3A_1826 = arith.constant 3 : i32
      %sub3A_1827 = arith.subi %add3A_1765, %sub3A_1826 : i32
      %add3A_1828 = arith.constant 10 : i32
      %add3A_1829 = arith.addi %sub3A_1827, %add3A_1828 : i32
      %jit3A_1830 = arith.constant 2 : i32
      %div3A_1831 = arith.divsi %add3A_1829, %jit3A_1830 : i32
      %sign3A_1832 = arith.constant 0 : i32
      %sign3A_1833 = arith.cmpi sgt, %add3A_1829, %sign3A_1832 : i32
      %sign3A_1834 = arith.extui %sign3A_1833 : i1 to i32
      %sign3A_1835 = arith.constant 0 : i32
      %sign3A_1836 = arith.cmpi slt, %add3A_1829, %sign3A_1835 : i32
      %sign3A_1837 = arith.extui %sign3A_1836 : i1 to i32
      %sign3A_1838 = arith.subi %sign3A_1834, %sign3A_1837 : i32
      %sign3A_1839 = arith.constant 0 : i32
      %sign3A_1840 = arith.cmpi sgt, %jit3A_1830, %sign3A_1839 : i32
      %sign3A_1841 = arith.extui %sign3A_1840 : i1 to i32
      %sign3A_1842 = arith.constant 0 : i32
      %sign3A_1843 = arith.cmpi slt, %jit3A_1830, %sign3A_1842 : i32
      %sign3A_1844 = arith.extui %sign3A_1843 : i1 to i32
      %sign3A_1845 = arith.subi %sign3A_1841, %sign3A_1844 : i32
      %ne3A_1846 = arith.cmpi ne, %sign3A_1838, %sign3A_1845 : i32
      %rem3A_1847 = arith.remsi %add3A_1829, %jit3A_1830 : i32
      %ne3A_1848 = arith.constant 0 : i32
      %ne3A_1849 = arith.cmpi ne, %rem3A_1847, %ne3A_1848 : i32
      %and3A_1850 = arith.andi %ne3A_1846, %ne3A_1849 : i1
      %sub3A_1851 = arith.constant 1 : i32
      %sub3A_1852 = arith.subi %div3A_1831, %sub3A_1851 : i32
      %select_n3A_1853 = arith.select %and3A_1850, %sub3A_1852, %div3A_1831 : i32
      %jit3A_1854 = arith.constant 2 : i32
      %eq3A_1855 = arith.constant 0 : i32
      %eq3A_1856 = arith.cmpi eq, %jit3A_1854, %eq3A_1855 : i32
      %jit3A_1857 = arith.constant 1 : i32
      %select_n3A_1858 = arith.select %eq3A_1856, %jit3A_1857, %jit3A_1854 : i32
      %rem3A_1859 = arith.remsi %add3A_1829, %select_n3A_1858 : i32
      %ne3A_1860 = arith.constant 0 : i32
      %ne3A_1861 = arith.cmpi ne, %rem3A_1859, %ne3A_1860 : i32
      %lt3A_1862 = arith.constant 0 : i32
      %lt3A_1863 = arith.cmpi slt, %rem3A_1859, %lt3A_1862 : i32
      %lt3A_1864 = arith.constant 0 : i32
      %lt3A_1865 = arith.cmpi slt, %select_n3A_1858, %lt3A_1864 : i32
      %ne3A_1866 = arith.xori %lt3A_1863, %lt3A_1865 : i1
      %and3A_1867 = arith.andi %ne3A_1866, %ne3A_1861 : i1
      %add3A_1868 = arith.addi %rem3A_1859, %select_n3A_1858 : i32
      %select_n3A_1869 = arith.select %and3A_1867, %add3A_1868, %rem3A_1859 : i32
      %mul3A_1870 = arith.constant 64 : i32
      %mul3A_1871 = arith.muli %select_n3A_1869, %mul3A_1870 : i32
      %dma_start3A_1872 = arith.constant 5 : i32
      %dma_start3A_1873 = arith.constant 0 : i32
      %dma_start3A_1874 = arith.constant 0 : i32
      %dma_start3A_1875 = tpu.memref_slice %arg6[%dma_start3A_1872, %dma_start3A_1873, %dma_start3A_1874] : memref<10x64x128xf32, #tpu.memory_space<vmem>> -> memref<1x64x128xf32, #tpu.memory_space<vmem>>
      %dma_start3A_1876 = tpu.memref_squeeze %dma_start3A_1875 : memref<1x64x128xf32, #tpu.memory_space<vmem>> -> memref<64x128xf32, #tpu.memory_space<vmem>>
      %dma_start3A_1877 = tpu.memref_slice %arg5[%select_n3A_1853, %mul3A_1871] : memref<50x128xi32, #tpu.memory_space<vmem>> -> memref<1x64xi32, #tpu.memory_space<vmem>>
      %dma_start3A_1878 = tpu.memref_squeeze %dma_start3A_1877 : memref<1x64xi32, #tpu.memory_space<vmem>> -> memref<64xi32, #tpu.memory_space<vmem>>
      %dma_start3A_1879 = arith.constant 0 : i32
      %dma_start3A_1880 = arith.constant 0 : i32
      %dma_start3A_1881 = tpu.memref_slice %arg3[%dma_start3A_1879, %dma_start3A_1880] : memref<100000x128xf32, #tpu.memory_space<hbm>> -> memref<100000x128xf32, #tpu.memory_space<hbm>>
      tpu.enqueue_indirect_dma source(%dma_start3A_1881 : memref<100000x128xf32, #tpu.memory_space<hbm>>) target(%dma_start3A_1876 : memref<64x128xf32, #tpu.memory_space<vmem>>) offsets(%dma_start3A_1878 : memref<64xi32, #tpu.memory_space<vmem>>) semaphore(%arg12 : memref<!tpu.dma_semaphore, #tpu.memory_space<semaphore_mem>>)
      %jit3A_1882 = arith.constant 2 : i32
      %div3A_1883 = arith.divsi %add3A_1765, %jit3A_1882 : i32
      %sign3A_1884 = arith.constant 0 : i32
      %sign3A_1885 = arith.cmpi sgt, %add3A_1765, %sign3A_1884 : i32
      %sign3A_1886 = arith.extui %sign3A_1885 : i1 to i32
      %sign3A_1887 = arith.constant 0 : i32
      %sign3A_1888 = arith.cmpi slt, %add3A_1765, %sign3A_1887 : i32
      %sign3A_1889 = arith.extui %sign3A_1888 : i1 to i32
      %sign3A_1890 = arith.subi %sign3A_1886, %sign3A_1889 : i32
      %sign3A_1891 = arith.constant 0 : i32
      %sign3A_1892 = arith.cmpi sgt, %jit3A_1882, %sign3A_1891 : i32
      %sign3A_1893 = arith.extui %sign3A_1892 : i1 to i32
      %sign3A_1894 = arith.constant 0 : i32
      %sign3A_1895 = arith.cmpi slt, %jit3A_1882, %sign3A_1894 : i32
      %sign3A_1896 = arith.extui %sign3A_1895 : i1 to i32
      %sign3A_1897 = arith.subi %sign3A_1893, %sign3A_1896 : i32
      %ne3A_1898 = arith.cmpi ne, %sign3A_1890, %sign3A_1897 : i32
      %rem3A_1899 = arith.remsi %add3A_1765, %jit3A_1882 : i32
      %ne3A_1900 = arith.constant 0 : i32
      %ne3A_1901 = arith.cmpi ne, %rem3A_1899, %ne3A_1900 : i32
      %and3A_1902 = arith.andi %ne3A_1898, %ne3A_1901 : i1
      %sub3A_1903 = arith.constant 1 : i32
      %sub3A_1904 = arith.subi %div3A_1883, %sub3A_1903 : i32
      %select_n3A_1905 = arith.select %and3A_1902, %sub3A_1904, %div3A_1883 : i32
      %jit3A_1906 = arith.constant 2 : i32
      %eq3A_1907 = arith.constant 0 : i32
      %eq3A_1908 = arith.cmpi eq, %jit3A_1906, %eq3A_1907 : i32
      %jit3A_1909 = arith.constant 1 : i32
      %select_n3A_1910 = arith.select %eq3A_1908, %jit3A_1909, %jit3A_1906 : i32
      %rem3A_1911 = arith.remsi %add3A_1765, %select_n3A_1910 : i32
      %ne3A_1912 = arith.constant 0 : i32
      %ne3A_1913 = arith.cmpi ne, %rem3A_1911, %ne3A_1912 : i32
      %lt3A_1914 = arith.constant 0 : i32
      %lt3A_1915 = arith.cmpi slt, %rem3A_1911, %lt3A_1914 : i32
      %lt3A_1916 = arith.constant 0 : i32
      %lt3A_1917 = arith.cmpi slt, %select_n3A_1910, %lt3A_1916 : i32
      %ne3A_1918 = arith.xori %lt3A_1915, %lt3A_1917 : i1
      %and3A_1919 = arith.andi %ne3A_1918, %ne3A_1913 : i1
      %add3A_1920 = arith.addi %rem3A_1911, %select_n3A_1910 : i32
      %select_n3A_1921 = arith.select %and3A_1919, %add3A_1920, %rem3A_1911 : i32
      %mul3A_1922 = arith.constant 64 : i32
      %mul3A_1923 = arith.muli %select_n3A_1921, %mul3A_1922 : i32
      %dma_wait3A_1924 = arith.constant 8 : i32
      %dma_wait3A_1925 = arith.constant 0 : i32
      %dma_wait3A_1926 = arith.constant 0 : i32
      %dma_wait3A_1927 = tpu.memref_slice %arg6[%dma_wait3A_1924, %dma_wait3A_1925, %dma_wait3A_1926] : memref<10x64x128xf32, #tpu.memory_space<vmem>> -> memref<1x64x128xf32, #tpu.memory_space<vmem>>
      %dma_wait3A_1928 = tpu.memref_squeeze %dma_wait3A_1927 : memref<1x64x128xf32, #tpu.memory_space<vmem>> -> memref<64x128xf32, #tpu.memory_space<vmem>>
      %dma_wait3A_1929 = tpu.memref_slice %arg5[%select_n3A_1905, %mul3A_1923] : memref<50x128xi32, #tpu.memory_space<vmem>> -> memref<1x64xi32, #tpu.memory_space<vmem>>
      %dma_wait3A_1930 = tpu.memref_squeeze %dma_wait3A_1929 : memref<1x64xi32, #tpu.memory_space<vmem>> -> memref<64xi32, #tpu.memory_space<vmem>>
      %dma_wait3A_1931 = arith.constant 0 : i32
      %dma_wait3A_1932 = arith.constant 0 : i32
      %dma_wait3A_1933 = tpu.memref_slice %arg3[%dma_wait3A_1931, %dma_wait3A_1932] : memref<100000x128xf32, #tpu.memory_space<hbm>> -> memref<100000x128xf32, #tpu.memory_space<hbm>>
      tpu.wait_indirect_dma semaphore(%arg15 : memref<!tpu.dma_semaphore, #tpu.memory_space<semaphore_mem>>) src(%dma_wait3A_1933 : memref<100000x128xf32, #tpu.memory_space<hbm>>) dst(%dma_wait3A_1928 : memref<64x128xf32, #tpu.memory_space<vmem>>)
      %jit3A_1934 = arith.constant 2 : i32
      %div3A_1935 = arith.divsi %add3A_1765, %jit3A_1934 : i32
      %sign3A_1936 = arith.constant 0 : i32
      %sign3A_1937 = arith.cmpi sgt, %add3A_1765, %sign3A_1936 : i32
      %sign3A_1938 = arith.extui %sign3A_1937 : i1 to i32
      %sign3A_1939 = arith.constant 0 : i32
      %sign3A_1940 = arith.cmpi slt, %add3A_1765, %sign3A_1939 : i32
      %sign3A_1941 = arith.extui %sign3A_1940 : i1 to i32
      %sign3A_1942 = arith.subi %sign3A_1938, %sign3A_1941 : i32
      %sign3A_1943 = arith.constant 0 : i32
      %sign3A_1944 = arith.cmpi sgt, %jit3A_1934, %sign3A_1943 : i32
      %sign3A_1945 = arith.extui %sign3A_1944 : i1 to i32
      %sign3A_1946 = arith.constant 0 : i32
      %sign3A_1947 = arith.cmpi slt, %jit3A_1934, %sign3A_1946 : i32
      %sign3A_1948 = arith.extui %sign3A_1947 : i1 to i32
      %sign3A_1949 = arith.subi %sign3A_1945, %sign3A_1948 : i32
      %ne3A_1950 = arith.cmpi ne, %sign3A_1942, %sign3A_1949 : i32
      %rem3A_1951 = arith.remsi %add3A_1765, %jit3A_1934 : i32
      %ne3A_1952 = arith.constant 0 : i32
      %ne3A_1953 = arith.cmpi ne, %rem3A_1951, %ne3A_1952 : i32
      %and3A_1954 = arith.andi %ne3A_1950, %ne3A_1953 : i1
      %sub3A_1955 = arith.constant 1 : i32
      %sub3A_1956 = arith.subi %div3A_1935, %sub3A_1955 : i32
      %select_n3A_1957 = arith.select %and3A_1954, %sub3A_1956, %div3A_1935 : i32
      %jit3A_1958 = arith.constant 2 : i32
      %eq3A_1959 = arith.constant 0 : i32
      %eq3A_1960 = arith.cmpi eq, %jit3A_1958, %eq3A_1959 : i32
      %jit3A_1961 = arith.constant 1 : i32
      %select_n3A_1962 = arith.select %eq3A_1960, %jit3A_1961, %jit3A_1958 : i32
      %rem3A_1963 = arith.remsi %add3A_1765, %select_n3A_1962 : i32
      %ne3A_1964 = arith.constant 0 : i32
      %ne3A_1965 = arith.cmpi ne, %rem3A_1963, %ne3A_1964 : i32
      %lt3A_1966 = arith.constant 0 : i32
      %lt3A_1967 = arith.cmpi slt, %rem3A_1963, %lt3A_1966 : i32
      %lt3A_1968 = arith.constant 0 : i32
      %lt3A_1969 = arith.cmpi slt, %select_n3A_1962, %lt3A_1968 : i32
      %ne3A_1970 = arith.xori %lt3A_1967, %lt3A_1969 : i1
      %and3A_1971 = arith.andi %ne3A_1970, %ne3A_1965 : i1
      %add3A_1972 = arith.addi %rem3A_1963, %select_n3A_1962 : i32
      %select_n3A_1973 = arith.select %and3A_1971, %add3A_1972, %rem3A_1963 : i32
      %mul3A_1974 = arith.constant 64 : i32
      %mul3A_1975 = arith.muli %select_n3A_1973, %mul3A_1974 : i32
      %add3A_1976 = arith.addi %mul3A_2, %mul3A_1975 : i32
      %dma_start3A_1977 = arith.constant 8 : i32
      %dma_start3A_1978 = arith.constant 0 : i32
      %dma_start3A_1979 = arith.constant 0 : i32
      %dma_start3A_1980 = tpu.memref_slice %arg6[%dma_start3A_1977, %dma_start3A_1978, %dma_start3A_1979] : memref<10x64x128xf32, #tpu.memory_space<vmem>> -> memref<1x64x128xf32, #tpu.memory_space<vmem>>
      %dma_start3A_1981 = tpu.memref_squeeze %dma_start3A_1980 : memref<1x64x128xf32, #tpu.memory_space<vmem>> -> memref<64x128xf32, #tpu.memory_space<vmem>>
      %dma_start3A_1982 = arith.constant 0 : i32
      %dma_start3A_1983 = tpu.memref_slice %arg4[%select_n3A_1957, %add3A_1976, %dma_start3A_1982] : memref<50x4096x128xf32, #tpu.memory_space<hbm>> -> memref<1x64x128xf32, #tpu.memory_space<hbm>>
      %dma_start3A_1984 = tpu.memref_squeeze %dma_start3A_1983 : memref<1x64x128xf32, #tpu.memory_space<hbm>> -> memref<64x128xf32, #tpu.memory_space<hbm>>
      %dma_start3A_1985 = arith.constant 0 : i32
      %dma_start3A_1986 = tpu.memref_slice %arg4[%select_n3A_1957, %add3A_1976, %dma_start3A_1985] : memref<50x4096x128xf32, #tpu.memory_space<hbm>> -> memref<1x64x128xf32, #tpu.memory_space<hbm>>
      %dma_start3A_1987 = tpu.memref_squeeze %dma_start3A_1986 : memref<1x64x128xf32, #tpu.memory_space<hbm>> -> memref<64x128xf32, #tpu.memory_space<hbm>>
      %dma_start3A_1988 = arith.constant 0 : i32
      %dma_start3A_1989 = arith.constant 0 : i32
      %dma_start3A_1990 = tpu.memref_slice %arg6[%dma_start3A_1977, %dma_start3A_1988, %dma_start3A_1989] : memref<10x64x128xf32, #tpu.memory_space<vmem>> -> memref<1x64x128xf32, #tpu.memory_space<vmem>>
      %dma_start3A_1991 = tpu.memref_squeeze %dma_start3A_1990 : memref<1x64x128xf32, #tpu.memory_space<vmem>> -> memref<64x128xf32, #tpu.memory_space<vmem>>
      tpu.enqueue_dma source(%dma_start3A_1991 : memref<64x128xf32, #tpu.memory_space<vmem>>) target(%dma_start3A_1987 : memref<64x128xf32, #tpu.memory_space<hbm>>) target_semaphore(%arg25 : memref<!tpu.dma_semaphore, #tpu.memory_space<semaphore_mem>>)
      %mul3A_1992 = arith.constant 10 : i32
      %mul3A_1993 = arith.muli %add3A_609, %mul3A_1992 : i32
      %add3A_1994 = arith.constant 3 : i32
      %add3A_1995 = arith.addi %add3A_1994, %mul3A_1993 : i32
      %add3A_1996 = arith.constant 6 : i32
      %add3A_1997 = arith.addi %add3A_1995, %add3A_1996 : i32
      %sub3A_1998 = arith.constant 3 : i32
      %sub3A_1999 = arith.subi %add3A_1997, %sub3A_1998 : i32
      %jit3A_2000 = arith.constant 2 : i32
      %div3A_2001 = arith.divsi %sub3A_1999, %jit3A_2000 : i32
      %sign3A_2002 = arith.constant 0 : i32
      %sign3A_2003 = arith.cmpi sgt, %sub3A_1999, %sign3A_2002 : i32
      %sign3A_2004 = arith.extui %sign3A_2003 : i1 to i32
      %sign3A_2005 = arith.constant 0 : i32
      %sign3A_2006 = arith.cmpi slt, %sub3A_1999, %sign3A_2005 : i32
      %sign3A_2007 = arith.extui %sign3A_2006 : i1 to i32
      %sign3A_2008 = arith.subi %sign3A_2004, %sign3A_2007 : i32
      %sign3A_2009 = arith.constant 0 : i32
      %sign3A_2010 = arith.cmpi sgt, %jit3A_2000, %sign3A_2009 : i32
      %sign3A_2011 = arith.extui %sign3A_2010 : i1 to i32
      %sign3A_2012 = arith.constant 0 : i32
      %sign3A_2013 = arith.cmpi slt, %jit3A_2000, %sign3A_2012 : i32
      %sign3A_2014 = arith.extui %sign3A_2013 : i1 to i32
      %sign3A_2015 = arith.subi %sign3A_2011, %sign3A_2014 : i32
      %ne3A_2016 = arith.cmpi ne, %sign3A_2008, %sign3A_2015 : i32
      %rem3A_2017 = arith.remsi %sub3A_1999, %jit3A_2000 : i32
      %ne3A_2018 = arith.constant 0 : i32
      %ne3A_2019 = arith.cmpi ne, %rem3A_2017, %ne3A_2018 : i32
      %and3A_2020 = arith.andi %ne3A_2016, %ne3A_2019 : i1
      %sub3A_2021 = arith.constant 1 : i32
      %sub3A_2022 = arith.subi %div3A_2001, %sub3A_2021 : i32
      %select_n3A_2023 = arith.select %and3A_2020, %sub3A_2022, %div3A_2001 : i32
      %jit3A_2024 = arith.constant 2 : i32
      %eq3A_2025 = arith.constant 0 : i32
      %eq3A_2026 = arith.cmpi eq, %jit3A_2024, %eq3A_2025 : i32
      %jit3A_2027 = arith.constant 1 : i32
      %select_n3A_2028 = arith.select %eq3A_2026, %jit3A_2027, %jit3A_2024 : i32
      %rem3A_2029 = arith.remsi %sub3A_1999, %select_n3A_2028 : i32
      %ne3A_2030 = arith.constant 0 : i32
      %ne3A_2031 = arith.cmpi ne, %rem3A_2029, %ne3A_2030 : i32
      %lt3A_2032 = arith.constant 0 : i32
      %lt3A_2033 = arith.cmpi slt, %rem3A_2029, %lt3A_2032 : i32
      %lt3A_2034 = arith.constant 0 : i32
      %lt3A_2035 = arith.cmpi slt, %select_n3A_2028, %lt3A_2034 : i32
      %ne3A_2036 = arith.xori %lt3A_2033, %lt3A_2035 : i1
      %and3A_2037 = arith.andi %ne3A_2036, %ne3A_2031 : i1
      %add3A_2038 = arith.addi %rem3A_2029, %select_n3A_2028 : i32
      %select_n3A_2039 = arith.select %and3A_2037, %add3A_2038, %rem3A_2029 : i32
      %mul3A_2040 = arith.constant 64 : i32
      %mul3A_2041 = arith.muli %select_n3A_2039, %mul3A_2040 : i32
      %add3A_2042 = arith.addi %mul3A_2, %mul3A_2041 : i32
      %dma_wait3A_2043 = arith.constant 6 : i32
      %dma_wait3A_2044 = arith.constant 0 : i32
      %dma_wait3A_2045 = arith.constant 0 : i32
      %dma_wait3A_2046 = tpu.memref_slice %arg6[%dma_wait3A_2043, %dma_wait3A_2044, %dma_wait3A_2045] : memref<10x64x128xf32, #tpu.memory_space<vmem>> -> memref<1x64x128xf32, #tpu.memory_space<vmem>>
      %dma_wait3A_2047 = tpu.memref_squeeze %dma_wait3A_2046 : memref<1x64x128xf32, #tpu.memory_space<vmem>> -> memref<64x128xf32, #tpu.memory_space<vmem>>
      %dma_wait3A_2048 = arith.constant 0 : i32
      %dma_wait3A_2049 = tpu.memref_slice %arg4[%select_n3A_2023, %add3A_2042, %dma_wait3A_2048] : memref<50x4096x128xf32, #tpu.memory_space<hbm>> -> memref<1x64x128xf32, #tpu.memory_space<hbm>>
      %dma_wait3A_2050 = tpu.memref_squeeze %dma_wait3A_2049 : memref<1x64x128xf32, #tpu.memory_space<hbm>> -> memref<64x128xf32, #tpu.memory_space<hbm>>
      %dma_wait3A_2051 = arith.constant 0 : i32
      %dma_wait3A_2052 = tpu.memref_slice %arg4[%select_n3A_2023, %add3A_2042, %dma_wait3A_2051] : memref<50x4096x128xf32, #tpu.memory_space<hbm>> -> memref<1x64x128xf32, #tpu.memory_space<hbm>>
      %dma_wait3A_2053 = tpu.memref_squeeze %dma_wait3A_2052 : memref<1x64x128xf32, #tpu.memory_space<hbm>> -> memref<64x128xf32, #tpu.memory_space<hbm>>
      %dma_wait3A_2054 = arith.constant 0 : i32
      %dma_wait3A_2055 = arith.constant 0 : i32
      %dma_wait3A_2056 = tpu.memref_slice %arg6[%dma_wait3A_2043, %dma_wait3A_2054, %dma_wait3A_2055] : memref<10x64x128xf32, #tpu.memory_space<vmem>> -> memref<1x64x128xf32, #tpu.memory_space<vmem>>
      %dma_wait3A_2057 = tpu.memref_squeeze %dma_wait3A_2056 : memref<1x64x128xf32, #tpu.memory_space<vmem>> -> memref<64x128xf32, #tpu.memory_space<vmem>>
      tpu.wait_dma2 semaphore(%arg23 : memref<!tpu.dma_semaphore, #tpu.memory_space<semaphore_mem>>) src(%dma_wait3A_2057 : memref<64x128xf32, #tpu.memory_space<vmem>>) dst(%dma_wait3A_2053 : memref<64x128xf32, #tpu.memory_space<hbm>>)
      %sub3A_2058 = arith.constant 3 : i32
      %sub3A_2059 = arith.subi %add3A_1997, %sub3A_2058 : i32
      %add3A_2060 = arith.constant 10 : i32
      %add3A_2061 = arith.addi %sub3A_2059, %add3A_2060 : i32
      %jit3A_2062 = arith.constant 2 : i32
      %div3A_2063 = arith.divsi %add3A_2061, %jit3A_2062 : i32
      %sign3A_2064 = arith.constant 0 : i32
      %sign3A_2065 = arith.cmpi sgt, %add3A_2061, %sign3A_2064 : i32
      %sign3A_2066 = arith.extui %sign3A_2065 : i1 to i32
      %sign3A_2067 = arith.constant 0 : i32
      %sign3A_2068 = arith.cmpi slt, %add3A_2061, %sign3A_2067 : i32
      %sign3A_2069 = arith.extui %sign3A_2068 : i1 to i32
      %sign3A_2070 = arith.subi %sign3A_2066, %sign3A_2069 : i32
      %sign3A_2071 = arith.constant 0 : i32
      %sign3A_2072 = arith.cmpi sgt, %jit3A_2062, %sign3A_2071 : i32
      %sign3A_2073 = arith.extui %sign3A_2072 : i1 to i32
      %sign3A_2074 = arith.constant 0 : i32
      %sign3A_2075 = arith.cmpi slt, %jit3A_2062, %sign3A_2074 : i32
      %sign3A_2076 = arith.extui %sign3A_2075 : i1 to i32
      %sign3A_2077 = arith.subi %sign3A_2073, %sign3A_2076 : i32
      %ne3A_2078 = arith.cmpi ne, %sign3A_2070, %sign3A_2077 : i32
      %rem3A_2079 = arith.remsi %add3A_2061, %jit3A_2062 : i32
      %ne3A_2080 = arith.constant 0 : i32
      %ne3A_2081 = arith.cmpi ne, %rem3A_2079, %ne3A_2080 : i32
      %and3A_2082 = arith.andi %ne3A_2078, %ne3A_2081 : i1
      %sub3A_2083 = arith.constant 1 : i32
      %sub3A_2084 = arith.subi %div3A_2063, %sub3A_2083 : i32
      %select_n3A_2085 = arith.select %and3A_2082, %sub3A_2084, %div3A_2063 : i32
      %jit3A_2086 = arith.constant 2 : i32
      %eq3A_2087 = arith.constant 0 : i32
      %eq3A_2088 = arith.cmpi eq, %jit3A_2086, %eq3A_2087 : i32
      %jit3A_2089 = arith.constant 1 : i32
      %select_n3A_2090 = arith.select %eq3A_2088, %jit3A_2089, %jit3A_2086 : i32
      %rem3A_2091 = arith.remsi %add3A_2061, %select_n3A_2090 : i32
      %ne3A_2092 = arith.constant 0 : i32
      %ne3A_2093 = arith.cmpi ne, %rem3A_2091, %ne3A_2092 : i32
      %lt3A_2094 = arith.constant 0 : i32
      %lt3A_2095 = arith.cmpi slt, %rem3A_2091, %lt3A_2094 : i32
      %lt3A_2096 = arith.constant 0 : i32
      %lt3A_2097 = arith.cmpi slt, %select_n3A_2090, %lt3A_2096 : i32
      %ne3A_2098 = arith.xori %lt3A_2095, %lt3A_2097 : i1
      %and3A_2099 = arith.andi %ne3A_2098, %ne3A_2093 : i1
      %add3A_2100 = arith.addi %rem3A_2091, %select_n3A_2090 : i32
      %select_n3A_2101 = arith.select %and3A_2099, %add3A_2100, %rem3A_2091 : i32
      %mul3A_2102 = arith.constant 64 : i32
      %mul3A_2103 = arith.muli %select_n3A_2101, %mul3A_2102 : i32
      %dma_start3A_2104 = arith.constant 6 : i32
      %dma_start3A_2105 = arith.constant 0 : i32
      %dma_start3A_2106 = arith.constant 0 : i32
      %dma_start3A_2107 = tpu.memref_slice %arg6[%dma_start3A_2104, %dma_start3A_2105, %dma_start3A_2106] : memref<10x64x128xf32, #tpu.memory_space<vmem>> -> memref<1x64x128xf32, #tpu.memory_space<vmem>>
      %dma_start3A_2108 = tpu.memref_squeeze %dma_start3A_2107 : memref<1x64x128xf32, #tpu.memory_space<vmem>> -> memref<64x128xf32, #tpu.memory_space<vmem>>
      %dma_start3A_2109 = tpu.memref_slice %arg5[%select_n3A_2085, %mul3A_2103] : memref<50x128xi32, #tpu.memory_space<vmem>> -> memref<1x64xi32, #tpu.memory_space<vmem>>
      %dma_start3A_2110 = tpu.memref_squeeze %dma_start3A_2109 : memref<1x64xi32, #tpu.memory_space<vmem>> -> memref<64xi32, #tpu.memory_space<vmem>>
      %dma_start3A_2111 = arith.constant 0 : i32
      %dma_start3A_2112 = arith.constant 0 : i32
      %dma_start3A_2113 = tpu.memref_slice %arg3[%dma_start3A_2111, %dma_start3A_2112] : memref<100000x128xf32, #tpu.memory_space<hbm>> -> memref<100000x128xf32, #tpu.memory_space<hbm>>
      tpu.enqueue_indirect_dma source(%dma_start3A_2113 : memref<100000x128xf32, #tpu.memory_space<hbm>>) target(%dma_start3A_2108 : memref<64x128xf32, #tpu.memory_space<vmem>>) offsets(%dma_start3A_2110 : memref<64xi32, #tpu.memory_space<vmem>>) semaphore(%arg13 : memref<!tpu.dma_semaphore, #tpu.memory_space<semaphore_mem>>)
      %jit3A_2114 = arith.constant 2 : i32
      %div3A_2115 = arith.divsi %add3A_1997, %jit3A_2114 : i32
      %sign3A_2116 = arith.constant 0 : i32
      %sign3A_2117 = arith.cmpi sgt, %add3A_1997, %sign3A_2116 : i32
      %sign3A_2118 = arith.extui %sign3A_2117 : i1 to i32
      %sign3A_2119 = arith.constant 0 : i32
      %sign3A_2120 = arith.cmpi slt, %add3A_1997, %sign3A_2119 : i32
      %sign3A_2121 = arith.extui %sign3A_2120 : i1 to i32
      %sign3A_2122 = arith.subi %sign3A_2118, %sign3A_2121 : i32
      %sign3A_2123 = arith.constant 0 : i32
      %sign3A_2124 = arith.cmpi sgt, %jit3A_2114, %sign3A_2123 : i32
      %sign3A_2125 = arith.extui %sign3A_2124 : i1 to i32
      %sign3A_2126 = arith.constant 0 : i32
      %sign3A_2127 = arith.cmpi slt, %jit3A_2114, %sign3A_2126 : i32
      %sign3A_2128 = arith.extui %sign3A_2127 : i1 to i32
      %sign3A_2129 = arith.subi %sign3A_2125, %sign3A_2128 : i32
      %ne3A_2130 = arith.cmpi ne, %sign3A_2122, %sign3A_2129 : i32
      %rem3A_2131 = arith.remsi %add3A_1997, %jit3A_2114 : i32
      %ne3A_2132 = arith.constant 0 : i32
      %ne3A_2133 = arith.cmpi ne, %rem3A_2131, %ne3A_2132 : i32
      %and3A_2134 = arith.andi %ne3A_2130, %ne3A_2133 : i1
      %sub3A_2135 = arith.constant 1 : i32
      %sub3A_2136 = arith.subi %div3A_2115, %sub3A_2135 : i32
      %select_n3A_2137 = arith.select %and3A_2134, %sub3A_2136, %div3A_2115 : i32
      %jit3A_2138 = arith.constant 2 : i32
      %eq3A_2139 = arith.constant 0 : i32
      %eq3A_2140 = arith.cmpi eq, %jit3A_2138, %eq3A_2139 : i32
      %jit3A_2141 = arith.constant 1 : i32
      %select_n3A_2142 = arith.select %eq3A_2140, %jit3A_2141, %jit3A_2138 : i32
      %rem3A_2143 = arith.remsi %add3A_1997, %select_n3A_2142 : i32
      %ne3A_2144 = arith.constant 0 : i32
      %ne3A_2145 = arith.cmpi ne, %rem3A_2143, %ne3A_2144 : i32
      %lt3A_2146 = arith.constant 0 : i32
      %lt3A_2147 = arith.cmpi slt, %rem3A_2143, %lt3A_2146 : i32
      %lt3A_2148 = arith.constant 0 : i32
      %lt3A_2149 = arith.cmpi slt, %select_n3A_2142, %lt3A_2148 : i32
      %ne3A_2150 = arith.xori %lt3A_2147, %lt3A_2149 : i1
      %and3A_2151 = arith.andi %ne3A_2150, %ne3A_2145 : i1
      %add3A_2152 = arith.addi %rem3A_2143, %select_n3A_2142 : i32
      %select_n3A_2153 = arith.select %and3A_2151, %add3A_2152, %rem3A_2143 : i32
      %mul3A_2154 = arith.constant 64 : i32
      %mul3A_2155 = arith.muli %select_n3A_2153, %mul3A_2154 : i32
      %dma_wait3A_2156 = arith.constant 9 : i32
      %dma_wait3A_2157 = arith.constant 0 : i32
      %dma_wait3A_2158 = arith.constant 0 : i32
      %dma_wait3A_2159 = tpu.memref_slice %arg6[%dma_wait3A_2156, %dma_wait3A_2157, %dma_wait3A_2158] : memref<10x64x128xf32, #tpu.memory_space<vmem>> -> memref<1x64x128xf32, #tpu.memory_space<vmem>>
      %dma_wait3A_2160 = tpu.memref_squeeze %dma_wait3A_2159 : memref<1x64x128xf32, #tpu.memory_space<vmem>> -> memref<64x128xf32, #tpu.memory_space<vmem>>
      %dma_wait3A_2161 = tpu.memref_slice %arg5[%select_n3A_2137, %mul3A_2155] : memref<50x128xi32, #tpu.memory_space<vmem>> -> memref<1x64xi32, #tpu.memory_space<vmem>>
      %dma_wait3A_2162 = tpu.memref_squeeze %dma_wait3A_2161 : memref<1x64xi32, #tpu.memory_space<vmem>> -> memref<64xi32, #tpu.memory_space<vmem>>
      %dma_wait3A_2163 = arith.constant 0 : i32
      %dma_wait3A_2164 = arith.constant 0 : i32
      %dma_wait3A_2165 = tpu.memref_slice %arg3[%dma_wait3A_2163, %dma_wait3A_2164] : memref<100000x128xf32, #tpu.memory_space<hbm>> -> memref<100000x128xf32, #tpu.memory_space<hbm>>
      tpu.wait_indirect_dma semaphore(%arg16 : memref<!tpu.dma_semaphore, #tpu.memory_space<semaphore_mem>>) src(%dma_wait3A_2165 : memref<100000x128xf32, #tpu.memory_space<hbm>>) dst(%dma_wait3A_2160 : memref<64x128xf32, #tpu.memory_space<vmem>>)
      %jit3A_2166 = arith.constant 2 : i32
      %div3A_2167 = arith.divsi %add3A_1997, %jit3A_2166 : i32
      %sign3A_2168 = arith.constant 0 : i32
      %sign3A_2169 = arith.cmpi sgt, %add3A_1997, %sign3A_2168 : i32
      %sign3A_2170 = arith.extui %sign3A_2169 : i1 to i32
      %sign3A_2171 = arith.constant 0 : i32
      %sign3A_2172 = arith.cmpi slt, %add3A_1997, %sign3A_2171 : i32
      %sign3A_2173 = arith.extui %sign3A_2172 : i1 to i32
      %sign3A_2174 = arith.subi %sign3A_2170, %sign3A_2173 : i32
      %sign3A_2175 = arith.constant 0 : i32
      %sign3A_2176 = arith.cmpi sgt, %jit3A_2166, %sign3A_2175 : i32
      %sign3A_2177 = arith.extui %sign3A_2176 : i1 to i32
      %sign3A_2178 = arith.constant 0 : i32
      %sign3A_2179 = arith.cmpi slt, %jit3A_2166, %sign3A_2178 : i32
      %sign3A_2180 = arith.extui %sign3A_2179 : i1 to i32
      %sign3A_2181 = arith.subi %sign3A_2177, %sign3A_2180 : i32
      %ne3A_2182 = arith.cmpi ne, %sign3A_2174, %sign3A_2181 : i32
      %rem3A_2183 = arith.remsi %add3A_1997, %jit3A_2166 : i32
      %ne3A_2184 = arith.constant 0 : i32
      %ne3A_2185 = arith.cmpi ne, %rem3A_2183, %ne3A_2184 : i32
      %and3A_2186 = arith.andi %ne3A_2182, %ne3A_2185 : i1
      %sub3A_2187 = arith.constant 1 : i32
      %sub3A_2188 = arith.subi %div3A_2167, %sub3A_2187 : i32
      %select_n3A_2189 = arith.select %and3A_2186, %sub3A_2188, %div3A_2167 : i32
      %jit3A_2190 = arith.constant 2 : i32
      %eq3A_2191 = arith.constant 0 : i32
      %eq3A_2192 = arith.cmpi eq, %jit3A_2190, %eq3A_2191 : i32
      %jit3A_2193 = arith.constant 1 : i32
      %select_n3A_2194 = arith.select %eq3A_2192, %jit3A_2193, %jit3A_2190 : i32
      %rem3A_2195 = arith.remsi %add3A_1997, %select_n3A_2194 : i32
      %ne3A_2196 = arith.constant 0 : i32
      %ne3A_2197 = arith.cmpi ne, %rem3A_2195, %ne3A_2196 : i32
      %lt3A_2198 = arith.constant 0 : i32
      %lt3A_2199 = arith.cmpi slt, %rem3A_2195, %lt3A_2198 : i32
      %lt3A_2200 = arith.constant 0 : i32
      %lt3A_2201 = arith.cmpi slt, %select_n3A_2194, %lt3A_2200 : i32
      %ne3A_2202 = arith.xori %lt3A_2199, %lt3A_2201 : i1
      %and3A_2203 = arith.andi %ne3A_2202, %ne3A_2197 : i1
      %add3A_2204 = arith.addi %rem3A_2195, %select_n3A_2194 : i32
      %select_n3A_2205 = arith.select %and3A_2203, %add3A_2204, %rem3A_2195 : i32
      %mul3A_2206 = arith.constant 64 : i32
      %mul3A_2207 = arith.muli %select_n3A_2205, %mul3A_2206 : i32
      %add3A_2208 = arith.addi %mul3A_2, %mul3A_2207 : i32
      %dma_start3A_2209 = arith.constant 9 : i32
      %dma_start3A_2210 = arith.constant 0 : i32
      %dma_start3A_2211 = arith.constant 0 : i32
      %dma_start3A_2212 = tpu.memref_slice %arg6[%dma_start3A_2209, %dma_start3A_2210, %dma_start3A_2211] : memref<10x64x128xf32, #tpu.memory_space<vmem>> -> memref<1x64x128xf32, #tpu.memory_space<vmem>>
      %dma_start3A_2213 = tpu.memref_squeeze %dma_start3A_2212 : memref<1x64x128xf32, #tpu.memory_space<vmem>> -> memref<64x128xf32, #tpu.memory_space<vmem>>
      %dma_start3A_2214 = arith.constant 0 : i32
      %dma_start3A_2215 = tpu.memref_slice %arg4[%select_n3A_2189, %add3A_2208, %dma_start3A_2214] : memref<50x4096x128xf32, #tpu.memory_space<hbm>> -> memref<1x64x128xf32, #tpu.memory_space<hbm>>
      %dma_start3A_2216 = tpu.memref_squeeze %dma_start3A_2215 : memref<1x64x128xf32, #tpu.memory_space<hbm>> -> memref<64x128xf32, #tpu.memory_space<hbm>>
      %dma_start3A_2217 = arith.constant 0 : i32
      %dma_start3A_2218 = tpu.memref_slice %arg4[%select_n3A_2189, %add3A_2208, %dma_start3A_2217] : memref<50x4096x128xf32, #tpu.memory_space<hbm>> -> memref<1x64x128xf32, #tpu.memory_space<hbm>>
      %dma_start3A_2219 = tpu.memref_squeeze %dma_start3A_2218 : memref<1x64x128xf32, #tpu.memory_space<hbm>> -> memref<64x128xf32, #tpu.memory_space<hbm>>
      %dma_start3A_2220 = arith.constant 0 : i32
      %dma_start3A_2221 = arith.constant 0 : i32
      %dma_start3A_2222 = tpu.memref_slice %arg6[%dma_start3A_2209, %dma_start3A_2220, %dma_start3A_2221] : memref<10x64x128xf32, #tpu.memory_space<vmem>> -> memref<1x64x128xf32, #tpu.memory_space<vmem>>
      %dma_start3A_2223 = tpu.memref_squeeze %dma_start3A_2222 : memref<1x64x128xf32, #tpu.memory_space<vmem>> -> memref<64x128xf32, #tpu.memory_space<vmem>>
      tpu.enqueue_dma source(%dma_start3A_2223 : memref<64x128xf32, #tpu.memory_space<vmem>>) target(%dma_start3A_2219 : memref<64x128xf32, #tpu.memory_space<hbm>>) target_semaphore(%arg26 : memref<!tpu.dma_semaphore, #tpu.memory_space<semaphore_mem>>)
      %mul3A_2224 = arith.constant 10 : i32
      %mul3A_2225 = arith.muli %add3A_609, %mul3A_2224 : i32
      %add3A_2226 = arith.constant 3 : i32
      %add3A_2227 = arith.addi %add3A_2226, %mul3A_2225 : i32
      %add3A_2228 = arith.constant 7 : i32
      %add3A_2229 = arith.addi %add3A_2227, %add3A_2228 : i32
      %sub3A_2230 = arith.constant 3 : i32
      %sub3A_2231 = arith.subi %add3A_2229, %sub3A_2230 : i32
      %jit3A_2232 = arith.constant 2 : i32
      %div3A_2233 = arith.divsi %sub3A_2231, %jit3A_2232 : i32
      %sign3A_2234 = arith.constant 0 : i32
      %sign3A_2235 = arith.cmpi sgt, %sub3A_2231, %sign3A_2234 : i32
      %sign3A_2236 = arith.extui %sign3A_2235 : i1 to i32
      %sign3A_2237 = arith.constant 0 : i32
      %sign3A_2238 = arith.cmpi slt, %sub3A_2231, %sign3A_2237 : i32
      %sign3A_2239 = arith.extui %sign3A_2238 : i1 to i32
      %sign3A_2240 = arith.subi %sign3A_2236, %sign3A_2239 : i32
      %sign3A_2241 = arith.constant 0 : i32
      %sign3A_2242 = arith.cmpi sgt, %jit3A_2232, %sign3A_2241 : i32
      %sign3A_2243 = arith.extui %sign3A_2242 : i1 to i32
      %sign3A_2244 = arith.constant 0 : i32
      %sign3A_2245 = arith.cmpi slt, %jit3A_2232, %sign3A_2244 : i32
      %sign3A_2246 = arith.extui %sign3A_2245 : i1 to i32
      %sign3A_2247 = arith.subi %sign3A_2243, %sign3A_2246 : i32
      %ne3A_2248 = arith.cmpi ne, %sign3A_2240, %sign3A_2247 : i32
      %rem3A_2249 = arith.remsi %sub3A_2231, %jit3A_2232 : i32
      %ne3A_2250 = arith.constant 0 : i32
      %ne3A_2251 = arith.cmpi ne, %rem3A_2249, %ne3A_2250 : i32
      %and3A_2252 = arith.andi %ne3A_2248, %ne3A_2251 : i1
      %sub3A_2253 = arith.constant 1 : i32
      %sub3A_2254 = arith.subi %div3A_2233, %sub3A_2253 : i32
      %select_n3A_2255 = arith.select %and3A_2252, %sub3A_2254, %div3A_2233 : i32
      %jit3A_2256 = arith.constant 2 : i32
      %eq3A_2257 = arith.constant 0 : i32
      %eq3A_2258 = arith.cmpi eq, %jit3A_2256, %eq3A_2257 : i32
      %jit3A_2259 = arith.constant 1 : i32
      %select_n3A_2260 = arith.select %eq3A_2258, %jit3A_2259, %jit3A_2256 : i32
      %rem3A_2261 = arith.remsi %sub3A_2231, %select_n3A_2260 : i32
      %ne3A_2262 = arith.constant 0 : i32
      %ne3A_2263 = arith.cmpi ne, %rem3A_2261, %ne3A_2262 : i32
      %lt3A_2264 = arith.constant 0 : i32
      %lt3A_2265 = arith.cmpi slt, %rem3A_2261, %lt3A_2264 : i32
      %lt3A_2266 = arith.constant 0 : i32
      %lt3A_2267 = arith.cmpi slt, %select_n3A_2260, %lt3A_2266 : i32
      %ne3A_2268 = arith.xori %lt3A_2265, %lt3A_2267 : i1
      %and3A_2269 = arith.andi %ne3A_2268, %ne3A_2263 : i1
      %add3A_2270 = arith.addi %rem3A_2261, %select_n3A_2260 : i32
      %select_n3A_2271 = arith.select %and3A_2269, %add3A_2270, %rem3A_2261 : i32
      %mul3A_2272 = arith.constant 64 : i32
      %mul3A_2273 = arith.muli %select_n3A_2271, %mul3A_2272 : i32
      %add3A_2274 = arith.addi %mul3A_2, %mul3A_2273 : i32
      %dma_wait3A_2275 = arith.constant 7 : i32
      %dma_wait3A_2276 = arith.constant 0 : i32
      %dma_wait3A_2277 = arith.constant 0 : i32
      %dma_wait3A_2278 = tpu.memref_slice %arg6[%dma_wait3A_2275, %dma_wait3A_2276, %dma_wait3A_2277] : memref<10x64x128xf32, #tpu.memory_space<vmem>> -> memref<1x64x128xf32, #tpu.memory_space<vmem>>
      %dma_wait3A_2279 = tpu.memref_squeeze %dma_wait3A_2278 : memref<1x64x128xf32, #tpu.memory_space<vmem>> -> memref<64x128xf32, #tpu.memory_space<vmem>>
      %dma_wait3A_2280 = arith.constant 0 : i32
      %dma_wait3A_2281 = tpu.memref_slice %arg4[%select_n3A_2255, %add3A_2274, %dma_wait3A_2280] : memref<50x4096x128xf32, #tpu.memory_space<hbm>> -> memref<1x64x128xf32, #tpu.memory_space<hbm>>
      %dma_wait3A_2282 = tpu.memref_squeeze %dma_wait3A_2281 : memref<1x64x128xf32, #tpu.memory_space<hbm>> -> memref<64x128xf32, #tpu.memory_space<hbm>>
      %dma_wait3A_2283 = arith.constant 0 : i32
      %dma_wait3A_2284 = tpu.memref_slice %arg4[%select_n3A_2255, %add3A_2274, %dma_wait3A_2283] : memref<50x4096x128xf32, #tpu.memory_space<hbm>> -> memref<1x64x128xf32, #tpu.memory_space<hbm>>
      %dma_wait3A_2285 = tpu.memref_squeeze %dma_wait3A_2284 : memref<1x64x128xf32, #tpu.memory_space<hbm>> -> memref<64x128xf32, #tpu.memory_space<hbm>>
      %dma_wait3A_2286 = arith.constant 0 : i32
      %dma_wait3A_2287 = arith.constant 0 : i32
      %dma_wait3A_2288 = tpu.memref_slice %arg6[%dma_wait3A_2275, %dma_wait3A_2286, %dma_wait3A_2287] : memref<10x64x128xf32, #tpu.memory_space<vmem>> -> memref<1x64x128xf32, #tpu.memory_space<vmem>>
      %dma_wait3A_2289 = tpu.memref_squeeze %dma_wait3A_2288 : memref<1x64x128xf32, #tpu.memory_space<vmem>> -> memref<64x128xf32, #tpu.memory_space<vmem>>
      tpu.wait_dma2 semaphore(%arg24 : memref<!tpu.dma_semaphore, #tpu.memory_space<semaphore_mem>>) src(%dma_wait3A_2289 : memref<64x128xf32, #tpu.memory_space<vmem>>) dst(%dma_wait3A_2285 : memref<64x128xf32, #tpu.memory_space<hbm>>)
      %sub3A_2290 = arith.constant 3 : i32
      %sub3A_2291 = arith.subi %add3A_2229, %sub3A_2290 : i32
      %add3A_2292 = arith.constant 10 : i32
      %add3A_2293 = arith.addi %sub3A_2291, %add3A_2292 : i32
      %jit3A_2294 = arith.constant 2 : i32
      %div3A_2295 = arith.divsi %add3A_2293, %jit3A_2294 : i32
      %sign3A_2296 = arith.constant 0 : i32
      %sign3A_2297 = arith.cmpi sgt, %add3A_2293, %sign3A_2296 : i32
      %sign3A_2298 = arith.extui %sign3A_2297 : i1 to i32
      %sign3A_2299 = arith.constant 0 : i32
      %sign3A_2300 = arith.cmpi slt, %add3A_2293, %sign3A_2299 : i32
      %sign3A_2301 = arith.extui %sign3A_2300 : i1 to i32
      %sign3A_2302 = arith.subi %sign3A_2298, %sign3A_2301 : i32
      %sign3A_2303 = arith.constant 0 : i32
      %sign3A_2304 = arith.cmpi sgt, %jit3A_2294, %sign3A_2303 : i32
      %sign3A_2305 = arith.extui %sign3A_2304 : i1 to i32
      %sign3A_2306 = arith.constant 0 : i32
      %sign3A_2307 = arith.cmpi slt, %jit3A_2294, %sign3A_2306 : i32
      %sign3A_2308 = arith.extui %sign3A_2307 : i1 to i32
      %sign3A_2309 = arith.subi %sign3A_2305, %sign3A_2308 : i32
      %ne3A_2310 = arith.cmpi ne, %sign3A_2302, %sign3A_2309 : i32
      %rem3A_2311 = arith.remsi %add3A_2293, %jit3A_2294 : i32
      %ne3A_2312 = arith.constant 0 : i32
      %ne3A_2313 = arith.cmpi ne, %rem3A_2311, %ne3A_2312 : i32
      %and3A_2314 = arith.andi %ne3A_2310, %ne3A_2313 : i1
      %sub3A_2315 = arith.constant 1 : i32
      %sub3A_2316 = arith.subi %div3A_2295, %sub3A_2315 : i32
      %select_n3A_2317 = arith.select %and3A_2314, %sub3A_2316, %div3A_2295 : i32
      %jit3A_2318 = arith.constant 2 : i32
      %eq3A_2319 = arith.constant 0 : i32
      %eq3A_2320 = arith.cmpi eq, %jit3A_2318, %eq3A_2319 : i32
      %jit3A_2321 = arith.constant 1 : i32
      %select_n3A_2322 = arith.select %eq3A_2320, %jit3A_2321, %jit3A_2318 : i32
      %rem3A_2323 = arith.remsi %add3A_2293, %select_n3A_2322 : i32
      %ne3A_2324 = arith.constant 0 : i32
      %ne3A_2325 = arith.cmpi ne, %rem3A_2323, %ne3A_2324 : i32
      %lt3A_2326 = arith.constant 0 : i32
      %lt3A_2327 = arith.cmpi slt, %rem3A_2323, %lt3A_2326 : i32
      %lt3A_2328 = arith.constant 0 : i32
      %lt3A_2329 = arith.cmpi slt, %select_n3A_2322, %lt3A_2328 : i32
      %ne3A_2330 = arith.xori %lt3A_2327, %lt3A_2329 : i1
      %and3A_2331 = arith.andi %ne3A_2330, %ne3A_2325 : i1
      %add3A_2332 = arith.addi %rem3A_2323, %select_n3A_2322 : i32
      %select_n3A_2333 = arith.select %and3A_2331, %add3A_2332, %rem3A_2323 : i32
      %mul3A_2334 = arith.constant 64 : i32
      %mul3A_2335 = arith.muli %select_n3A_2333, %mul3A_2334 : i32
      %dma_start3A_2336 = arith.constant 7 : i32
      %dma_start3A_2337 = arith.constant 0 : i32
      %dma_start3A_2338 = arith.constant 0 : i32
      %dma_start3A_2339 = tpu.memref_slice %arg6[%dma_start3A_2336, %dma_start3A_2337, %dma_start3A_2338] : memref<10x64x128xf32, #tpu.memory_space<vmem>> -> memref<1x64x128xf32, #tpu.memory_space<vmem>>
      %dma_start3A_2340 = tpu.memref_squeeze %dma_start3A_2339 : memref<1x64x128xf32, #tpu.memory_space<vmem>> -> memref<64x128xf32, #tpu.memory_space<vmem>>
      %dma_start3A_2341 = tpu.memref_slice %arg5[%select_n3A_2317, %mul3A_2335] : memref<50x128xi32, #tpu.memory_space<vmem>> -> memref<1x64xi32, #tpu.memory_space<vmem>>
      %dma_start3A_2342 = tpu.memref_squeeze %dma_start3A_2341 : memref<1x64xi32, #tpu.memory_space<vmem>> -> memref<64xi32, #tpu.memory_space<vmem>>
      %dma_start3A_2343 = arith.constant 0 : i32
      %dma_start3A_2344 = arith.constant 0 : i32
      %dma_start3A_2345 = tpu.memref_slice %arg3[%dma_start3A_2343, %dma_start3A_2344] : memref<100000x128xf32, #tpu.memory_space<hbm>> -> memref<100000x128xf32, #tpu.memory_space<hbm>>
      tpu.enqueue_indirect_dma source(%dma_start3A_2345 : memref<100000x128xf32, #tpu.memory_space<hbm>>) target(%dma_start3A_2340 : memref<64x128xf32, #tpu.memory_space<vmem>>) offsets(%dma_start3A_2342 : memref<64xi32, #tpu.memory_space<vmem>>) semaphore(%arg14 : memref<!tpu.dma_semaphore, #tpu.memory_space<semaphore_mem>>)
      %jit3A_2346 = arith.constant 2 : i32
      %div3A_2347 = arith.divsi %add3A_2229, %jit3A_2346 : i32
      %sign3A_2348 = arith.constant 0 : i32
      %sign3A_2349 = arith.cmpi sgt, %add3A_2229, %sign3A_2348 : i32
      %sign3A_2350 = arith.extui %sign3A_2349 : i1 to i32
      %sign3A_2351 = arith.constant 0 : i32
      %sign3A_2352 = arith.cmpi slt, %add3A_2229, %sign3A_2351 : i32
      %sign3A_2353 = arith.extui %sign3A_2352 : i1 to i32
      %sign3A_2354 = arith.subi %sign3A_2350, %sign3A_2353 : i32
      %sign3A_2355 = arith.constant 0 : i32
      %sign3A_2356 = arith.cmpi sgt, %jit3A_2346, %sign3A_2355 : i32
      %sign3A_2357 = arith.extui %sign3A_2356 : i1 to i32
      %sign3A_2358 = arith.constant 0 : i32
      %sign3A_2359 = arith.cmpi slt, %jit3A_2346, %sign3A_2358 : i32
      %sign3A_2360 = arith.extui %sign3A_2359 : i1 to i32
      %sign3A_2361 = arith.subi %sign3A_2357, %sign3A_2360 : i32
      %ne3A_2362 = arith.cmpi ne, %sign3A_2354, %sign3A_2361 : i32
      %rem3A_2363 = arith.remsi %add3A_2229, %jit3A_2346 : i32
      %ne3A_2364 = arith.constant 0 : i32
      %ne3A_2365 = arith.cmpi ne, %rem3A_2363, %ne3A_2364 : i32
      %and3A_2366 = arith.andi %ne3A_2362, %ne3A_2365 : i1
      %sub3A_2367 = arith.constant 1 : i32
      %sub3A_2368 = arith.subi %div3A_2347, %sub3A_2367 : i32
      %select_n3A_2369 = arith.select %and3A_2366, %sub3A_2368, %div3A_2347 : i32
      %jit3A_2370 = arith.constant 2 : i32
      %eq3A_2371 = arith.constant 0 : i32
      %eq3A_2372 = arith.cmpi eq, %jit3A_2370, %eq3A_2371 : i32
      %jit3A_2373 = arith.constant 1 : i32
      %select_n3A_2374 = arith.select %eq3A_2372, %jit3A_2373, %jit3A_2370 : i32
      %rem3A_2375 = arith.remsi %add3A_2229, %select_n3A_2374 : i32
      %ne3A_2376 = arith.constant 0 : i32
      %ne3A_2377 = arith.cmpi ne, %rem3A_2375, %ne3A_2376 : i32
      %lt3A_2378 = arith.constant 0 : i32
      %lt3A_2379 = arith.cmpi slt, %rem3A_2375, %lt3A_2378 : i32
      %lt3A_2380 = arith.constant 0 : i32
      %lt3A_2381 = arith.cmpi slt, %select_n3A_2374, %lt3A_2380 : i32
      %ne3A_2382 = arith.xori %lt3A_2379, %lt3A_2381 : i1
      %and3A_2383 = arith.andi %ne3A_2382, %ne3A_2377 : i1
      %add3A_2384 = arith.addi %rem3A_2375, %select_n3A_2374 : i32
      %select_n3A_2385 = arith.select %and3A_2383, %add3A_2384, %rem3A_2375 : i32
      %mul3A_2386 = arith.constant 64 : i32
      %mul3A_2387 = arith.muli %select_n3A_2385, %mul3A_2386 : i32
      %dma_wait3A_2388 = arith.constant 0 : i32
      %dma_wait3A_2389 = arith.constant 0 : i32
      %dma_wait3A_2390 = arith.constant 0 : i32
      %dma_wait3A_2391 = tpu.memref_slice %arg6[%dma_wait3A_2388, %dma_wait3A_2389, %dma_wait3A_2390] : memref<10x64x128xf32, #tpu.memory_space<vmem>> -> memref<1x64x128xf32, #tpu.memory_space<vmem>>
      %dma_wait3A_2392 = tpu.memref_squeeze %dma_wait3A_2391 : memref<1x64x128xf32, #tpu.memory_space<vmem>> -> memref<64x128xf32, #tpu.memory_space<vmem>>
      %dma_wait3A_2393 = tpu.memref_slice %arg5[%select_n3A_2369, %mul3A_2387] : memref<50x128xi32, #tpu.memory_space<vmem>> -> memref<1x64xi32, #tpu.memory_space<vmem>>
      %dma_wait3A_2394 = tpu.memref_squeeze %dma_wait3A_2393 : memref<1x64xi32, #tpu.memory_space<vmem>> -> memref<64xi32, #tpu.memory_space<vmem>>
      %dma_wait3A_2395 = arith.constant 0 : i32
      %dma_wait3A_2396 = arith.constant 0 : i32
      %dma_wait3A_2397 = tpu.memref_slice %arg3[%dma_wait3A_2395, %dma_wait3A_2396] : memref<100000x128xf32, #tpu.memory_space<hbm>> -> memref<100000x128xf32, #tpu.memory_space<hbm>>
      tpu.wait_indirect_dma semaphore(%arg7 : memref<!tpu.dma_semaphore, #tpu.memory_space<semaphore_mem>>) src(%dma_wait3A_2397 : memref<100000x128xf32, #tpu.memory_space<hbm>>) dst(%dma_wait3A_2392 : memref<64x128xf32, #tpu.memory_space<vmem>>)
      %jit3A_2398 = arith.constant 2 : i32
      %div3A_2399 = arith.divsi %add3A_2229, %jit3A_2398 : i32
      %sign3A_2400 = arith.constant 0 : i32
      %sign3A_2401 = arith.cmpi sgt, %add3A_2229, %sign3A_2400 : i32
      %sign3A_2402 = arith.extui %sign3A_2401 : i1 to i32
      %sign3A_2403 = arith.constant 0 : i32
      %sign3A_2404 = arith.cmpi slt, %add3A_2229, %sign3A_2403 : i32
      %sign3A_2405 = arith.extui %sign3A_2404 : i1 to i32
      %sign3A_2406 = arith.subi %sign3A_2402, %sign3A_2405 : i32
      %sign3A_2407 = arith.constant 0 : i32
      %sign3A_2408 = arith.cmpi sgt, %jit3A_2398, %sign3A_2407 : i32
      %sign3A_2409 = arith.extui %sign3A_2408 : i1 to i32
      %sign3A_2410 = arith.constant 0 : i32
      %sign3A_2411 = arith.cmpi slt, %jit3A_2398, %sign3A_2410 : i32
      %sign3A_2412 = arith.extui %sign3A_2411 : i1 to i32
      %sign3A_2413 = arith.subi %sign3A_2409, %sign3A_2412 : i32
      %ne3A_2414 = arith.cmpi ne, %sign3A_2406, %sign3A_2413 : i32
      %rem3A_2415 = arith.remsi %add3A_2229, %jit3A_2398 : i32
      %ne3A_2416 = arith.constant 0 : i32
      %ne3A_2417 = arith.cmpi ne, %rem3A_2415, %ne3A_2416 : i32
      %and3A_2418 = arith.andi %ne3A_2414, %ne3A_2417 : i1
      %sub3A_2419 = arith.constant 1 : i32
      %sub3A_2420 = arith.subi %div3A_2399, %sub3A_2419 : i32
      %select_n3A_2421 = arith.select %and3A_2418, %sub3A_2420, %div3A_2399 : i32
      %jit3A_2422 = arith.constant 2 : i32
      %eq3A_2423 = arith.constant 0 : i32
      %eq3A_2424 = arith.cmpi eq, %jit3A_2422, %eq3A_2423 : i32
      %jit3A_2425 = arith.constant 1 : i32
      %select_n3A_2426 = arith.select %eq3A_2424, %jit3A_2425, %jit3A_2422 : i32
      %rem3A_2427 = arith.remsi %add3A_2229, %select_n3A_2426 : i32
      %ne3A_2428 = arith.constant 0 : i32
      %ne3A_2429 = arith.cmpi ne, %rem3A_2427, %ne3A_2428 : i32
      %lt3A_2430 = arith.constant 0 : i32
      %lt3A_2431 = arith.cmpi slt, %rem3A_2427, %lt3A_2430 : i32
      %lt3A_2432 = arith.constant 0 : i32
      %lt3A_2433 = arith.cmpi slt, %select_n3A_2426, %lt3A_2432 : i32
      %ne3A_2434 = arith.xori %lt3A_2431, %lt3A_2433 : i1
      %and3A_2435 = arith.andi %ne3A_2434, %ne3A_2429 : i1
      %add3A_2436 = arith.addi %rem3A_2427, %select_n3A_2426 : i32
      %select_n3A_2437 = arith.select %and3A_2435, %add3A_2436, %rem3A_2427 : i32
      %mul3A_2438 = arith.constant 64 : i32
      %mul3A_2439 = arith.muli %select_n3A_2437, %mul3A_2438 : i32
      %add3A_2440 = arith.addi %mul3A_2, %mul3A_2439 : i32
      %dma_start3A_2441 = arith.constant 0 : i32
      %dma_start3A_2442 = arith.constant 0 : i32
      %dma_start3A_2443 = arith.constant 0 : i32
      %dma_start3A_2444 = tpu.memref_slice %arg6[%dma_start3A_2441, %dma_start3A_2442, %dma_start3A_2443] : memref<10x64x128xf32, #tpu.memory_space<vmem>> -> memref<1x64x128xf32, #tpu.memory_space<vmem>>
      %dma_start3A_2445 = tpu.memref_squeeze %dma_start3A_2444 : memref<1x64x128xf32, #tpu.memory_space<vmem>> -> memref<64x128xf32, #tpu.memory_space<vmem>>
      %dma_start3A_2446 = arith.constant 0 : i32
      %dma_start3A_2447 = tpu.memref_slice %arg4[%select_n3A_2421, %add3A_2440, %dma_start3A_2446] : memref<50x4096x128xf32, #tpu.memory_space<hbm>> -> memref<1x64x128xf32, #tpu.memory_space<hbm>>
      %dma_start3A_2448 = tpu.memref_squeeze %dma_start3A_2447 : memref<1x64x128xf32, #tpu.memory_space<hbm>> -> memref<64x128xf32, #tpu.memory_space<hbm>>
      %dma_start3A_2449 = arith.constant 0 : i32
      %dma_start3A_2450 = tpu.memref_slice %arg4[%select_n3A_2421, %add3A_2440, %dma_start3A_2449] : memref<50x4096x128xf32, #tpu.memory_space<hbm>> -> memref<1x64x128xf32, #tpu.memory_space<hbm>>
      %dma_start3A_2451 = tpu.memref_squeeze %dma_start3A_2450 : memref<1x64x128xf32, #tpu.memory_space<hbm>> -> memref<64x128xf32, #tpu.memory_space<hbm>>
      %dma_start3A_2452 = arith.constant 0 : i32
      %dma_start3A_2453 = arith.constant 0 : i32
      %dma_start3A_2454 = tpu.memref_slice %arg6[%dma_start3A_2441, %dma_start3A_2452, %dma_start3A_2453] : memref<10x64x128xf32, #tpu.memory_space<vmem>> -> memref<1x64x128xf32, #tpu.memory_space<vmem>>
      %dma_start3A_2455 = tpu.memref_squeeze %dma_start3A_2454 : memref<1x64x128xf32, #tpu.memory_space<vmem>> -> memref<64x128xf32, #tpu.memory_space<vmem>>
      tpu.enqueue_dma source(%dma_start3A_2455 : memref<64x128xf32, #tpu.memory_space<vmem>>) target(%dma_start3A_2451 : memref<64x128xf32, #tpu.memory_space<hbm>>) target_semaphore(%arg17 : memref<!tpu.dma_semaphore, #tpu.memory_space<semaphore_mem>>)
      %mul3A_2456 = arith.constant 10 : i32
      %mul3A_2457 = arith.muli %add3A_609, %mul3A_2456 : i32
      %add3A_2458 = arith.constant 3 : i32
      %add3A_2459 = arith.addi %add3A_2458, %mul3A_2457 : i32
      %add3A_2460 = arith.constant 8 : i32
      %add3A_2461 = arith.addi %add3A_2459, %add3A_2460 : i32
      %sub3A_2462 = arith.constant 3 : i32
      %sub3A_2463 = arith.subi %add3A_2461, %sub3A_2462 : i32
      %jit3A_2464 = arith.constant 2 : i32
      %div3A_2465 = arith.divsi %sub3A_2463, %jit3A_2464 : i32
      %sign3A_2466 = arith.constant 0 : i32
      %sign3A_2467 = arith.cmpi sgt, %sub3A_2463, %sign3A_2466 : i32
      %sign3A_2468 = arith.extui %sign3A_2467 : i1 to i32
      %sign3A_2469 = arith.constant 0 : i32
      %sign3A_2470 = arith.cmpi slt, %sub3A_2463, %sign3A_2469 : i32
      %sign3A_2471 = arith.extui %sign3A_2470 : i1 to i32
      %sign3A_2472 = arith.subi %sign3A_2468, %sign3A_2471 : i32
      %sign3A_2473 = arith.constant 0 : i32
      %sign3A_2474 = arith.cmpi sgt, %jit3A_2464, %sign3A_2473 : i32
      %sign3A_2475 = arith.extui %sign3A_2474 : i1 to i32
      %sign3A_2476 = arith.constant 0 : i32
      %sign3A_2477 = arith.cmpi slt, %jit3A_2464, %sign3A_2476 : i32
      %sign3A_2478 = arith.extui %sign3A_2477 : i1 to i32
      %sign3A_2479 = arith.subi %sign3A_2475, %sign3A_2478 : i32
      %ne3A_2480 = arith.cmpi ne, %sign3A_2472, %sign3A_2479 : i32
      %rem3A_2481 = arith.remsi %sub3A_2463, %jit3A_2464 : i32
      %ne3A_2482 = arith.constant 0 : i32
      %ne3A_2483 = arith.cmpi ne, %rem3A_2481, %ne3A_2482 : i32
      %and3A_2484 = arith.andi %ne3A_2480, %ne3A_2483 : i1
      %sub3A_2485 = arith.constant 1 : i32
      %sub3A_2486 = arith.subi %div3A_2465, %sub3A_2485 : i32
      %select_n3A_2487 = arith.select %and3A_2484, %sub3A_2486, %div3A_2465 : i32
      %jit3A_2488 = arith.constant 2 : i32
      %eq3A_2489 = arith.constant 0 : i32
      %eq3A_2490 = arith.cmpi eq, %jit3A_2488, %eq3A_2489 : i32
      %jit3A_2491 = arith.constant 1 : i32
      %select_n3A_2492 = arith.select %eq3A_2490, %jit3A_2491, %jit3A_2488 : i32
      %rem3A_2493 = arith.remsi %sub3A_2463, %select_n3A_2492 : i32
      %ne3A_2494 = arith.constant 0 : i32
      %ne3A_2495 = arith.cmpi ne, %rem3A_2493, %ne3A_2494 : i32
      %lt3A_2496 = arith.constant 0 : i32
      %lt3A_2497 = arith.cmpi slt, %rem3A_2493, %lt3A_2496 : i32
      %lt3A_2498 = arith.constant 0 : i32
      %lt3A_2499 = arith.cmpi slt, %select_n3A_2492, %lt3A_2498 : i32
      %ne3A_2500 = arith.xori %lt3A_2497, %lt3A_2499 : i1
      %and3A_2501 = arith.andi %ne3A_2500, %ne3A_2495 : i1
      %add3A_2502 = arith.addi %rem3A_2493, %select_n3A_2492 : i32
      %select_n3A_2503 = arith.select %and3A_2501, %add3A_2502, %rem3A_2493 : i32
      %mul3A_2504 = arith.constant 64 : i32
      %mul3A_2505 = arith.muli %select_n3A_2503, %mul3A_2504 : i32
      %add3A_2506 = arith.addi %mul3A_2, %mul3A_2505 : i32
      %dma_wait3A_2507 = arith.constant 8 : i32
      %dma_wait3A_2508 = arith.constant 0 : i32
      %dma_wait3A_2509 = arith.constant 0 : i32
      %dma_wait3A_2510 = tpu.memref_slice %arg6[%dma_wait3A_2507, %dma_wait3A_2508, %dma_wait3A_2509] : memref<10x64x128xf32, #tpu.memory_space<vmem>> -> memref<1x64x128xf32, #tpu.memory_space<vmem>>
      %dma_wait3A_2511 = tpu.memref_squeeze %dma_wait3A_2510 : memref<1x64x128xf32, #tpu.memory_space<vmem>> -> memref<64x128xf32, #tpu.memory_space<vmem>>
      %dma_wait3A_2512 = arith.constant 0 : i32
      %dma_wait3A_2513 = tpu.memref_slice %arg4[%select_n3A_2487, %add3A_2506, %dma_wait3A_2512] : memref<50x4096x128xf32, #tpu.memory_space<hbm>> -> memref<1x64x128xf32, #tpu.memory_space<hbm>>
      %dma_wait3A_2514 = tpu.memref_squeeze %dma_wait3A_2513 : memref<1x64x128xf32, #tpu.memory_space<hbm>> -> memref<64x128xf32, #tpu.memory_space<hbm>>
      %dma_wait3A_2515 = arith.constant 0 : i32
      %dma_wait3A_2516 = tpu.memref_slice %arg4[%select_n3A_2487, %add3A_2506, %dma_wait3A_2515] : memref<50x4096x128xf32, #tpu.memory_space<hbm>> -> memref<1x64x128xf32, #tpu.memory_space<hbm>>
      %dma_wait3A_2517 = tpu.memref_squeeze %dma_wait3A_2516 : memref<1x64x128xf32, #tpu.memory_space<hbm>> -> memref<64x128xf32, #tpu.memory_space<hbm>>
      %dma_wait3A_2518 = arith.constant 0 : i32
      %dma_wait3A_2519 = arith.constant 0 : i32
      %dma_wait3A_2520 = tpu.memref_slice %arg6[%dma_wait3A_2507, %dma_wait3A_2518, %dma_wait3A_2519] : memref<10x64x128xf32, #tpu.memory_space<vmem>> -> memref<1x64x128xf32, #tpu.memory_space<vmem>>
      %dma_wait3A_2521 = tpu.memref_squeeze %dma_wait3A_2520 : memref<1x64x128xf32, #tpu.memory_space<vmem>> -> memref<64x128xf32, #tpu.memory_space<vmem>>
      tpu.wait_dma2 semaphore(%arg25 : memref<!tpu.dma_semaphore, #tpu.memory_space<semaphore_mem>>) src(%dma_wait3A_2521 : memref<64x128xf32, #tpu.memory_space<vmem>>) dst(%dma_wait3A_2517 : memref<64x128xf32, #tpu.memory_space<hbm>>)
      %sub3A_2522 = arith.constant 3 : i32
      %sub3A_2523 = arith.subi %add3A_2461, %sub3A_2522 : i32
      %add3A_2524 = arith.constant 10 : i32
      %add3A_2525 = arith.addi %sub3A_2523, %add3A_2524 : i32
      %jit3A_2526 = arith.constant 2 : i32
      %div3A_2527 = arith.divsi %add3A_2525, %jit3A_2526 : i32
      %sign3A_2528 = arith.constant 0 : i32
      %sign3A_2529 = arith.cmpi sgt, %add3A_2525, %sign3A_2528 : i32
      %sign3A_2530 = arith.extui %sign3A_2529 : i1 to i32
      %sign3A_2531 = arith.constant 0 : i32
      %sign3A_2532 = arith.cmpi slt, %add3A_2525, %sign3A_2531 : i32
      %sign3A_2533 = arith.extui %sign3A_2532 : i1 to i32
      %sign3A_2534 = arith.subi %sign3A_2530, %sign3A_2533 : i32
      %sign3A_2535 = arith.constant 0 : i32
      %sign3A_2536 = arith.cmpi sgt, %jit3A_2526, %sign3A_2535 : i32
      %sign3A_2537 = arith.extui %sign3A_2536 : i1 to i32
      %sign3A_2538 = arith.constant 0 : i32
      %sign3A_2539 = arith.cmpi slt, %jit3A_2526, %sign3A_2538 : i32
      %sign3A_2540 = arith.extui %sign3A_2539 : i1 to i32
      %sign3A_2541 = arith.subi %sign3A_2537, %sign3A_2540 : i32
      %ne3A_2542 = arith.cmpi ne, %sign3A_2534, %sign3A_2541 : i32
      %rem3A_2543 = arith.remsi %add3A_2525, %jit3A_2526 : i32
      %ne3A_2544 = arith.constant 0 : i32
      %ne3A_2545 = arith.cmpi ne, %rem3A_2543, %ne3A_2544 : i32
      %and3A_2546 = arith.andi %ne3A_2542, %ne3A_2545 : i1
      %sub3A_2547 = arith.constant 1 : i32
      %sub3A_2548 = arith.subi %div3A_2527, %sub3A_2547 : i32
      %select_n3A_2549 = arith.select %and3A_2546, %sub3A_2548, %div3A_2527 : i32
      %jit3A_2550 = arith.constant 2 : i32
      %eq3A_2551 = arith.constant 0 : i32
      %eq3A_2552 = arith.cmpi eq, %jit3A_2550, %eq3A_2551 : i32
      %jit3A_2553 = arith.constant 1 : i32
      %select_n3A_2554 = arith.select %eq3A_2552, %jit3A_2553, %jit3A_2550 : i32
      %rem3A_2555 = arith.remsi %add3A_2525, %select_n3A_2554 : i32
      %ne3A_2556 = arith.constant 0 : i32
      %ne3A_2557 = arith.cmpi ne, %rem3A_2555, %ne3A_2556 : i32
      %lt3A_2558 = arith.constant 0 : i32
      %lt3A_2559 = arith.cmpi slt, %rem3A_2555, %lt3A_2558 : i32
      %lt3A_2560 = arith.constant 0 : i32
      %lt3A_2561 = arith.cmpi slt, %select_n3A_2554, %lt3A_2560 : i32
      %ne3A_2562 = arith.xori %lt3A_2559, %lt3A_2561 : i1
      %and3A_2563 = arith.andi %ne3A_2562, %ne3A_2557 : i1
      %add3A_2564 = arith.addi %rem3A_2555, %select_n3A_2554 : i32
      %select_n3A_2565 = arith.select %and3A_2563, %add3A_2564, %rem3A_2555 : i32
      %mul3A_2566 = arith.constant 64 : i32
      %mul3A_2567 = arith.muli %select_n3A_2565, %mul3A_2566 : i32
      %dma_start3A_2568 = arith.constant 8 : i32
      %dma_start3A_2569 = arith.constant 0 : i32
      %dma_start3A_2570 = arith.constant 0 : i32
      %dma_start3A_2571 = tpu.memref_slice %arg6[%dma_start3A_2568, %dma_start3A_2569, %dma_start3A_2570] : memref<10x64x128xf32, #tpu.memory_space<vmem>> -> memref<1x64x128xf32, #tpu.memory_space<vmem>>
      %dma_start3A_2572 = tpu.memref_squeeze %dma_start3A_2571 : memref<1x64x128xf32, #tpu.memory_space<vmem>> -> memref<64x128xf32, #tpu.memory_space<vmem>>
      %dma_start3A_2573 = tpu.memref_slice %arg5[%select_n3A_2549, %mul3A_2567] : memref<50x128xi32, #tpu.memory_space<vmem>> -> memref<1x64xi32, #tpu.memory_space<vmem>>
      %dma_start3A_2574 = tpu.memref_squeeze %dma_start3A_2573 : memref<1x64xi32, #tpu.memory_space<vmem>> -> memref<64xi32, #tpu.memory_space<vmem>>
      %dma_start3A_2575 = arith.constant 0 : i32
      %dma_start3A_2576 = arith.constant 0 : i32
      %dma_start3A_2577 = tpu.memref_slice %arg3[%dma_start3A_2575, %dma_start3A_2576] : memref<100000x128xf32, #tpu.memory_space<hbm>> -> memref<100000x128xf32, #tpu.memory_space<hbm>>
      tpu.enqueue_indirect_dma source(%dma_start3A_2577 : memref<100000x128xf32, #tpu.memory_space<hbm>>) target(%dma_start3A_2572 : memref<64x128xf32, #tpu.memory_space<vmem>>) offsets(%dma_start3A_2574 : memref<64xi32, #tpu.memory_space<vmem>>) semaphore(%arg15 : memref<!tpu.dma_semaphore, #tpu.memory_space<semaphore_mem>>)
      %jit3A_2578 = arith.constant 2 : i32
      %div3A_2579 = arith.divsi %add3A_2461, %jit3A_2578 : i32
      %sign3A_2580 = arith.constant 0 : i32
      %sign3A_2581 = arith.cmpi sgt, %add3A_2461, %sign3A_2580 : i32
      %sign3A_2582 = arith.extui %sign3A_2581 : i1 to i32
      %sign3A_2583 = arith.constant 0 : i32
      %sign3A_2584 = arith.cmpi slt, %add3A_2461, %sign3A_2583 : i32
      %sign3A_2585 = arith.extui %sign3A_2584 : i1 to i32
      %sign3A_2586 = arith.subi %sign3A_2582, %sign3A_2585 : i32
      %sign3A_2587 = arith.constant 0 : i32
      %sign3A_2588 = arith.cmpi sgt, %jit3A_2578, %sign3A_2587 : i32
      %sign3A_2589 = arith.extui %sign3A_2588 : i1 to i32
      %sign3A_2590 = arith.constant 0 : i32
      %sign3A_2591 = arith.cmpi slt, %jit3A_2578, %sign3A_2590 : i32
      %sign3A_2592 = arith.extui %sign3A_2591 : i1 to i32
      %sign3A_2593 = arith.subi %sign3A_2589, %sign3A_2592 : i32
      %ne3A_2594 = arith.cmpi ne, %sign3A_2586, %sign3A_2593 : i32
      %rem3A_2595 = arith.remsi %add3A_2461, %jit3A_2578 : i32
      %ne3A_2596 = arith.constant 0 : i32
      %ne3A_2597 = arith.cmpi ne, %rem3A_2595, %ne3A_2596 : i32
      %and3A_2598 = arith.andi %ne3A_2594, %ne3A_2597 : i1
      %sub3A_2599 = arith.constant 1 : i32
      %sub3A_2600 = arith.subi %div3A_2579, %sub3A_2599 : i32
      %select_n3A_2601 = arith.select %and3A_2598, %sub3A_2600, %div3A_2579 : i32
      %jit3A_2602 = arith.constant 2 : i32
      %eq3A_2603 = arith.constant 0 : i32
      %eq3A_2604 = arith.cmpi eq, %jit3A_2602, %eq3A_2603 : i32
      %jit3A_2605 = arith.constant 1 : i32
      %select_n3A_2606 = arith.select %eq3A_2604, %jit3A_2605, %jit3A_2602 : i32
      %rem3A_2607 = arith.remsi %add3A_2461, %select_n3A_2606 : i32
      %ne3A_2608 = arith.constant 0 : i32
      %ne3A_2609 = arith.cmpi ne, %rem3A_2607, %ne3A_2608 : i32
      %lt3A_2610 = arith.constant 0 : i32
      %lt3A_2611 = arith.cmpi slt, %rem3A_2607, %lt3A_2610 : i32
      %lt3A_2612 = arith.constant 0 : i32
      %lt3A_2613 = arith.cmpi slt, %select_n3A_2606, %lt3A_2612 : i32
      %ne3A_2614 = arith.xori %lt3A_2611, %lt3A_2613 : i1
      %and3A_2615 = arith.andi %ne3A_2614, %ne3A_2609 : i1
      %add3A_2616 = arith.addi %rem3A_2607, %select_n3A_2606 : i32
      %select_n3A_2617 = arith.select %and3A_2615, %add3A_2616, %rem3A_2607 : i32
      %mul3A_2618 = arith.constant 64 : i32
      %mul3A_2619 = arith.muli %select_n3A_2617, %mul3A_2618 : i32
      %dma_wait3A_2620 = arith.constant 1 : i32
      %dma_wait3A_2621 = arith.constant 0 : i32
      %dma_wait3A_2622 = arith.constant 0 : i32
      %dma_wait3A_2623 = tpu.memref_slice %arg6[%dma_wait3A_2620, %dma_wait3A_2621, %dma_wait3A_2622] : memref<10x64x128xf32, #tpu.memory_space<vmem>> -> memref<1x64x128xf32, #tpu.memory_space<vmem>>
      %dma_wait3A_2624 = tpu.memref_squeeze %dma_wait3A_2623 : memref<1x64x128xf32, #tpu.memory_space<vmem>> -> memref<64x128xf32, #tpu.memory_space<vmem>>
      %dma_wait3A_2625 = tpu.memref_slice %arg5[%select_n3A_2601, %mul3A_2619] : memref<50x128xi32, #tpu.memory_space<vmem>> -> memref<1x64xi32, #tpu.memory_space<vmem>>
      %dma_wait3A_2626 = tpu.memref_squeeze %dma_wait3A_2625 : memref<1x64xi32, #tpu.memory_space<vmem>> -> memref<64xi32, #tpu.memory_space<vmem>>
      %dma_wait3A_2627 = arith.constant 0 : i32
      %dma_wait3A_2628 = arith.constant 0 : i32
      %dma_wait3A_2629 = tpu.memref_slice %arg3[%dma_wait3A_2627, %dma_wait3A_2628] : memref<100000x128xf32, #tpu.memory_space<hbm>> -> memref<100000x128xf32, #tpu.memory_space<hbm>>
      tpu.wait_indirect_dma semaphore(%arg8 : memref<!tpu.dma_semaphore, #tpu.memory_space<semaphore_mem>>) src(%dma_wait3A_2629 : memref<100000x128xf32, #tpu.memory_space<hbm>>) dst(%dma_wait3A_2624 : memref<64x128xf32, #tpu.memory_space<vmem>>)
      %jit3A_2630 = arith.constant 2 : i32
      %div3A_2631 = arith.divsi %add3A_2461, %jit3A_2630 : i32
      %sign3A_2632 = arith.constant 0 : i32
      %sign3A_2633 = arith.cmpi sgt, %add3A_2461, %sign3A_2632 : i32
      %sign3A_2634 = arith.extui %sign3A_2633 : i1 to i32
      %sign3A_2635 = arith.constant 0 : i32
      %sign3A_2636 = arith.cmpi slt, %add3A_2461, %sign3A_2635 : i32
      %sign3A_2637 = arith.extui %sign3A_2636 : i1 to i32
      %sign3A_2638 = arith.subi %sign3A_2634, %sign3A_2637 : i32
      %sign3A_2639 = arith.constant 0 : i32
      %sign3A_2640 = arith.cmpi sgt, %jit3A_2630, %sign3A_2639 : i32
      %sign3A_2641 = arith.extui %sign3A_2640 : i1 to i32
      %sign3A_2642 = arith.constant 0 : i32
      %sign3A_2643 = arith.cmpi slt, %jit3A_2630, %sign3A_2642 : i32
      %sign3A_2644 = arith.extui %sign3A_2643 : i1 to i32
      %sign3A_2645 = arith.subi %sign3A_2641, %sign3A_2644 : i32
      %ne3A_2646 = arith.cmpi ne, %sign3A_2638, %sign3A_2645 : i32
      %rem3A_2647 = arith.remsi %add3A_2461, %jit3A_2630 : i32
      %ne3A_2648 = arith.constant 0 : i32
      %ne3A_2649 = arith.cmpi ne, %rem3A_2647, %ne3A_2648 : i32
      %and3A_2650 = arith.andi %ne3A_2646, %ne3A_2649 : i1
      %sub3A_2651 = arith.constant 1 : i32
      %sub3A_2652 = arith.subi %div3A_2631, %sub3A_2651 : i32
      %select_n3A_2653 = arith.select %and3A_2650, %sub3A_2652, %div3A_2631 : i32
      %jit3A_2654 = arith.constant 2 : i32
      %eq3A_2655 = arith.constant 0 : i32
      %eq3A_2656 = arith.cmpi eq, %jit3A_2654, %eq3A_2655 : i32
      %jit3A_2657 = arith.constant 1 : i32
      %select_n3A_2658 = arith.select %eq3A_2656, %jit3A_2657, %jit3A_2654 : i32
      %rem3A_2659 = arith.remsi %add3A_2461, %select_n3A_2658 : i32
      %ne3A_2660 = arith.constant 0 : i32
      %ne3A_2661 = arith.cmpi ne, %rem3A_2659, %ne3A_2660 : i32
      %lt3A_2662 = arith.constant 0 : i32
      %lt3A_2663 = arith.cmpi slt, %rem3A_2659, %lt3A_2662 : i32
      %lt3A_2664 = arith.constant 0 : i32
      %lt3A_2665 = arith.cmpi slt, %select_n3A_2658, %lt3A_2664 : i32
      %ne3A_2666 = arith.xori %lt3A_2663, %lt3A_2665 : i1
      %and3A_2667 = arith.andi %ne3A_2666, %ne3A_2661 : i1
      %add3A_2668 = arith.addi %rem3A_2659, %select_n3A_2658 : i32
      %select_n3A_2669 = arith.select %and3A_2667, %add3A_2668, %rem3A_2659 : i32
      %mul3A_2670 = arith.constant 64 : i32
      %mul3A_2671 = arith.muli %select_n3A_2669, %mul3A_2670 : i32
      %add3A_2672 = arith.addi %mul3A_2, %mul3A_2671 : i32
      %dma_start3A_2673 = arith.constant 1 : i32
      %dma_start3A_2674 = arith.constant 0 : i32
      %dma_start3A_2675 = arith.constant 0 : i32
      %dma_start3A_2676 = tpu.memref_slice %arg6[%dma_start3A_2673, %dma_start3A_2674, %dma_start3A_2675] : memref<10x64x128xf32, #tpu.memory_space<vmem>> -> memref<1x64x128xf32, #tpu.memory_space<vmem>>
      %dma_start3A_2677 = tpu.memref_squeeze %dma_start3A_2676 : memref<1x64x128xf32, #tpu.memory_space<vmem>> -> memref<64x128xf32, #tpu.memory_space<vmem>>
      %dma_start3A_2678 = arith.constant 0 : i32
      %dma_start3A_2679 = tpu.memref_slice %arg4[%select_n3A_2653, %add3A_2672, %dma_start3A_2678] : memref<50x4096x128xf32, #tpu.memory_space<hbm>> -> memref<1x64x128xf32, #tpu.memory_space<hbm>>
      %dma_start3A_2680 = tpu.memref_squeeze %dma_start3A_2679 : memref<1x64x128xf32, #tpu.memory_space<hbm>> -> memref<64x128xf32, #tpu.memory_space<hbm>>
      %dma_start3A_2681 = arith.constant 0 : i32
      %dma_start3A_2682 = tpu.memref_slice %arg4[%select_n3A_2653, %add3A_2672, %dma_start3A_2681] : memref<50x4096x128xf32, #tpu.memory_space<hbm>> -> memref<1x64x128xf32, #tpu.memory_space<hbm>>
      %dma_start3A_2683 = tpu.memref_squeeze %dma_start3A_2682 : memref<1x64x128xf32, #tpu.memory_space<hbm>> -> memref<64x128xf32, #tpu.memory_space<hbm>>
      %dma_start3A_2684 = arith.constant 0 : i32
      %dma_start3A_2685 = arith.constant 0 : i32
      %dma_start3A_2686 = tpu.memref_slice %arg6[%dma_start3A_2673, %dma_start3A_2684, %dma_start3A_2685] : memref<10x64x128xf32, #tpu.memory_space<vmem>> -> memref<1x64x128xf32, #tpu.memory_space<vmem>>
      %dma_start3A_2687 = tpu.memref_squeeze %dma_start3A_2686 : memref<1x64x128xf32, #tpu.memory_space<vmem>> -> memref<64x128xf32, #tpu.memory_space<vmem>>
      tpu.enqueue_dma source(%dma_start3A_2687 : memref<64x128xf32, #tpu.memory_space<vmem>>) target(%dma_start3A_2683 : memref<64x128xf32, #tpu.memory_space<hbm>>) target_semaphore(%arg18 : memref<!tpu.dma_semaphore, #tpu.memory_space<semaphore_mem>>)
      %mul3A_2688 = arith.constant 10 : i32
      %mul3A_2689 = arith.muli %add3A_609, %mul3A_2688 : i32
      %add3A_2690 = arith.constant 3 : i32
      %add3A_2691 = arith.addi %add3A_2690, %mul3A_2689 : i32
      %add3A_2692 = arith.constant 9 : i32
      %add3A_2693 = arith.addi %add3A_2691, %add3A_2692 : i32
      %sub3A_2694 = arith.constant 3 : i32
      %sub3A_2695 = arith.subi %add3A_2693, %sub3A_2694 : i32
      %jit3A_2696 = arith.constant 2 : i32
      %div3A_2697 = arith.divsi %sub3A_2695, %jit3A_2696 : i32
      %sign3A_2698 = arith.constant 0 : i32
      %sign3A_2699 = arith.cmpi sgt, %sub3A_2695, %sign3A_2698 : i32
      %sign3A_2700 = arith.extui %sign3A_2699 : i1 to i32
      %sign3A_2701 = arith.constant 0 : i32
      %sign3A_2702 = arith.cmpi slt, %sub3A_2695, %sign3A_2701 : i32
      %sign3A_2703 = arith.extui %sign3A_2702 : i1 to i32
      %sign3A_2704 = arith.subi %sign3A_2700, %sign3A_2703 : i32
      %sign3A_2705 = arith.constant 0 : i32
      %sign3A_2706 = arith.cmpi sgt, %jit3A_2696, %sign3A_2705 : i32
      %sign3A_2707 = arith.extui %sign3A_2706 : i1 to i32
      %sign3A_2708 = arith.constant 0 : i32
      %sign3A_2709 = arith.cmpi slt, %jit3A_2696, %sign3A_2708 : i32
      %sign3A_2710 = arith.extui %sign3A_2709 : i1 to i32
      %sign3A_2711 = arith.subi %sign3A_2707, %sign3A_2710 : i32
      %ne3A_2712 = arith.cmpi ne, %sign3A_2704, %sign3A_2711 : i32
      %rem3A_2713 = arith.remsi %sub3A_2695, %jit3A_2696 : i32
      %ne3A_2714 = arith.constant 0 : i32
      %ne3A_2715 = arith.cmpi ne, %rem3A_2713, %ne3A_2714 : i32
      %and3A_2716 = arith.andi %ne3A_2712, %ne3A_2715 : i1
      %sub3A_2717 = arith.constant 1 : i32
      %sub3A_2718 = arith.subi %div3A_2697, %sub3A_2717 : i32
      %select_n3A_2719 = arith.select %and3A_2716, %sub3A_2718, %div3A_2697 : i32
      %jit3A_2720 = arith.constant 2 : i32
      %eq3A_2721 = arith.constant 0 : i32
      %eq3A_2722 = arith.cmpi eq, %jit3A_2720, %eq3A_2721 : i32
      %jit3A_2723 = arith.constant 1 : i32
      %select_n3A_2724 = arith.select %eq3A_2722, %jit3A_2723, %jit3A_2720 : i32
      %rem3A_2725 = arith.remsi %sub3A_2695, %select_n3A_2724 : i32
      %ne3A_2726 = arith.constant 0 : i32
      %ne3A_2727 = arith.cmpi ne, %rem3A_2725, %ne3A_2726 : i32
      %lt3A_2728 = arith.constant 0 : i32
      %lt3A_2729 = arith.cmpi slt, %rem3A_2725, %lt3A_2728 : i32
      %lt3A_2730 = arith.constant 0 : i32
      %lt3A_2731 = arith.cmpi slt, %select_n3A_2724, %lt3A_2730 : i32
      %ne3A_2732 = arith.xori %lt3A_2729, %lt3A_2731 : i1
      %and3A_2733 = arith.andi %ne3A_2732, %ne3A_2727 : i1
      %add3A_2734 = arith.addi %rem3A_2725, %select_n3A_2724 : i32
      %select_n3A_2735 = arith.select %and3A_2733, %add3A_2734, %rem3A_2725 : i32
      %mul3A_2736 = arith.constant 64 : i32
      %mul3A_2737 = arith.muli %select_n3A_2735, %mul3A_2736 : i32
      %add3A_2738 = arith.addi %mul3A_2, %mul3A_2737 : i32
      %dma_wait3A_2739 = arith.constant 9 : i32
      %dma_wait3A_2740 = arith.constant 0 : i32
      %dma_wait3A_2741 = arith.constant 0 : i32
      %dma_wait3A_2742 = tpu.memref_slice %arg6[%dma_wait3A_2739, %dma_wait3A_2740, %dma_wait3A_2741] : memref<10x64x128xf32, #tpu.memory_space<vmem>> -> memref<1x64x128xf32, #tpu.memory_space<vmem>>
      %dma_wait3A_2743 = tpu.memref_squeeze %dma_wait3A_2742 : memref<1x64x128xf32, #tpu.memory_space<vmem>> -> memref<64x128xf32, #tpu.memory_space<vmem>>
      %dma_wait3A_2744 = arith.constant 0 : i32
      %dma_wait3A_2745 = tpu.memref_slice %arg4[%select_n3A_2719, %add3A_2738, %dma_wait3A_2744] : memref<50x4096x128xf32, #tpu.memory_space<hbm>> -> memref<1x64x128xf32, #tpu.memory_space<hbm>>
      %dma_wait3A_2746 = tpu.memref_squeeze %dma_wait3A_2745 : memref<1x64x128xf32, #tpu.memory_space<hbm>> -> memref<64x128xf32, #tpu.memory_space<hbm>>
      %dma_wait3A_2747 = arith.constant 0 : i32
      %dma_wait3A_2748 = tpu.memref_slice %arg4[%select_n3A_2719, %add3A_2738, %dma_wait3A_2747] : memref<50x4096x128xf32, #tpu.memory_space<hbm>> -> memref<1x64x128xf32, #tpu.memory_space<hbm>>
      %dma_wait3A_2749 = tpu.memref_squeeze %dma_wait3A_2748 : memref<1x64x128xf32, #tpu.memory_space<hbm>> -> memref<64x128xf32, #tpu.memory_space<hbm>>
      %dma_wait3A_2750 = arith.constant 0 : i32
      %dma_wait3A_2751 = arith.constant 0 : i32
      %dma_wait3A_2752 = tpu.memref_slice %arg6[%dma_wait3A_2739, %dma_wait3A_2750, %dma_wait3A_2751] : memref<10x64x128xf32, #tpu.memory_space<vmem>> -> memref<1x64x128xf32, #tpu.memory_space<vmem>>
      %dma_wait3A_2753 = tpu.memref_squeeze %dma_wait3A_2752 : memref<1x64x128xf32, #tpu.memory_space<vmem>> -> memref<64x128xf32, #tpu.memory_space<vmem>>
      tpu.wait_dma2 semaphore(%arg26 : memref<!tpu.dma_semaphore, #tpu.memory_space<semaphore_mem>>) src(%dma_wait3A_2753 : memref<64x128xf32, #tpu.memory_space<vmem>>) dst(%dma_wait3A_2749 : memref<64x128xf32, #tpu.memory_space<hbm>>)
      %sub3A_2754 = arith.constant 3 : i32
      %sub3A_2755 = arith.subi %add3A_2693, %sub3A_2754 : i32
      %add3A_2756 = arith.constant 10 : i32
      %add3A_2757 = arith.addi %sub3A_2755, %add3A_2756 : i32
      %jit3A_2758 = arith.constant 2 : i32
      %div3A_2759 = arith.divsi %add3A_2757, %jit3A_2758 : i32
      %sign3A_2760 = arith.constant 0 : i32
      %sign3A_2761 = arith.cmpi sgt, %add3A_2757, %sign3A_2760 : i32
      %sign3A_2762 = arith.extui %sign3A_2761 : i1 to i32
      %sign3A_2763 = arith.constant 0 : i32
      %sign3A_2764 = arith.cmpi slt, %add3A_2757, %sign3A_2763 : i32
      %sign3A_2765 = arith.extui %sign3A_2764 : i1 to i32
      %sign3A_2766 = arith.subi %sign3A_2762, %sign3A_2765 : i32
      %sign3A_2767 = arith.constant 0 : i32
      %sign3A_2768 = arith.cmpi sgt, %jit3A_2758, %sign3A_2767 : i32
      %sign3A_2769 = arith.extui %sign3A_2768 : i1 to i32
      %sign3A_2770 = arith.constant 0 : i32
      %sign3A_2771 = arith.cmpi slt, %jit3A_2758, %sign3A_2770 : i32
      %sign3A_2772 = arith.extui %sign3A_2771 : i1 to i32
      %sign3A_2773 = arith.subi %sign3A_2769, %sign3A_2772 : i32
      %ne3A_2774 = arith.cmpi ne, %sign3A_2766, %sign3A_2773 : i32
      %rem3A_2775 = arith.remsi %add3A_2757, %jit3A_2758 : i32
      %ne3A_2776 = arith.constant 0 : i32
      %ne3A_2777 = arith.cmpi ne, %rem3A_2775, %ne3A_2776 : i32
      %and3A_2778 = arith.andi %ne3A_2774, %ne3A_2777 : i1
      %sub3A_2779 = arith.constant 1 : i32
      %sub3A_2780 = arith.subi %div3A_2759, %sub3A_2779 : i32
      %select_n3A_2781 = arith.select %and3A_2778, %sub3A_2780, %div3A_2759 : i32
      %jit3A_2782 = arith.constant 2 : i32
      %eq3A_2783 = arith.constant 0 : i32
      %eq3A_2784 = arith.cmpi eq, %jit3A_2782, %eq3A_2783 : i32
      %jit3A_2785 = arith.constant 1 : i32
      %select_n3A_2786 = arith.select %eq3A_2784, %jit3A_2785, %jit3A_2782 : i32
      %rem3A_2787 = arith.remsi %add3A_2757, %select_n3A_2786 : i32
      %ne3A_2788 = arith.constant 0 : i32
      %ne3A_2789 = arith.cmpi ne, %rem3A_2787, %ne3A_2788 : i32
      %lt3A_2790 = arith.constant 0 : i32
      %lt3A_2791 = arith.cmpi slt, %rem3A_2787, %lt3A_2790 : i32
      %lt3A_2792 = arith.constant 0 : i32
      %lt3A_2793 = arith.cmpi slt, %select_n3A_2786, %lt3A_2792 : i32
      %ne3A_2794 = arith.xori %lt3A_2791, %lt3A_2793 : i1
      %and3A_2795 = arith.andi %ne3A_2794, %ne3A_2789 : i1
      %add3A_2796 = arith.addi %rem3A_2787, %select_n3A_2786 : i32
      %select_n3A_2797 = arith.select %and3A_2795, %add3A_2796, %rem3A_2787 : i32
      %mul3A_2798 = arith.constant 64 : i32
      %mul3A_2799 = arith.muli %select_n3A_2797, %mul3A_2798 : i32
      %dma_start3A_2800 = arith.constant 9 : i32
      %dma_start3A_2801 = arith.constant 0 : i32
      %dma_start3A_2802 = arith.constant 0 : i32
      %dma_start3A_2803 = tpu.memref_slice %arg6[%dma_start3A_2800, %dma_start3A_2801, %dma_start3A_2802] : memref<10x64x128xf32, #tpu.memory_space<vmem>> -> memref<1x64x128xf32, #tpu.memory_space<vmem>>
      %dma_start3A_2804 = tpu.memref_squeeze %dma_start3A_2803 : memref<1x64x128xf32, #tpu.memory_space<vmem>> -> memref<64x128xf32, #tpu.memory_space<vmem>>
      %dma_start3A_2805 = tpu.memref_slice %arg5[%select_n3A_2781, %mul3A_2799] : memref<50x128xi32, #tpu.memory_space<vmem>> -> memref<1x64xi32, #tpu.memory_space<vmem>>
      %dma_start3A_2806 = tpu.memref_squeeze %dma_start3A_2805 : memref<1x64xi32, #tpu.memory_space<vmem>> -> memref<64xi32, #tpu.memory_space<vmem>>
      %dma_start3A_2807 = arith.constant 0 : i32
      %dma_start3A_2808 = arith.constant 0 : i32
      %dma_start3A_2809 = tpu.memref_slice %arg3[%dma_start3A_2807, %dma_start3A_2808] : memref<100000x128xf32, #tpu.memory_space<hbm>> -> memref<100000x128xf32, #tpu.memory_space<hbm>>
      tpu.enqueue_indirect_dma source(%dma_start3A_2809 : memref<100000x128xf32, #tpu.memory_space<hbm>>) target(%dma_start3A_2804 : memref<64x128xf32, #tpu.memory_space<vmem>>) offsets(%dma_start3A_2806 : memref<64xi32, #tpu.memory_space<vmem>>) semaphore(%arg16 : memref<!tpu.dma_semaphore, #tpu.memory_space<semaphore_mem>>)
      %jit3A_2810 = arith.constant 2 : i32
      %div3A_2811 = arith.divsi %add3A_2693, %jit3A_2810 : i32
      %sign3A_2812 = arith.constant 0 : i32
      %sign3A_2813 = arith.cmpi sgt, %add3A_2693, %sign3A_2812 : i32
      %sign3A_2814 = arith.extui %sign3A_2813 : i1 to i32
      %sign3A_2815 = arith.constant 0 : i32
      %sign3A_2816 = arith.cmpi slt, %add3A_2693, %sign3A_2815 : i32
      %sign3A_2817 = arith.extui %sign3A_2816 : i1 to i32
      %sign3A_2818 = arith.subi %sign3A_2814, %sign3A_2817 : i32
      %sign3A_2819 = arith.constant 0 : i32
      %sign3A_2820 = arith.cmpi sgt, %jit3A_2810, %sign3A_2819 : i32
      %sign3A_2821 = arith.extui %sign3A_2820 : i1 to i32
      %sign3A_2822 = arith.constant 0 : i32
      %sign3A_2823 = arith.cmpi slt, %jit3A_2810, %sign3A_2822 : i32
      %sign3A_2824 = arith.extui %sign3A_2823 : i1 to i32
      %sign3A_2825 = arith.subi %sign3A_2821, %sign3A_2824 : i32
      %ne3A_2826 = arith.cmpi ne, %sign3A_2818, %sign3A_2825 : i32
      %rem3A_2827 = arith.remsi %add3A_2693, %jit3A_2810 : i32
      %ne3A_2828 = arith.constant 0 : i32
      %ne3A_2829 = arith.cmpi ne, %rem3A_2827, %ne3A_2828 : i32
      %and3A_2830 = arith.andi %ne3A_2826, %ne3A_2829 : i1
      %sub3A_2831 = arith.constant 1 : i32
      %sub3A_2832 = arith.subi %div3A_2811, %sub3A_2831 : i32
      %select_n3A_2833 = arith.select %and3A_2830, %sub3A_2832, %div3A_2811 : i32
      %jit3A_2834 = arith.constant 2 : i32
      %eq3A_2835 = arith.constant 0 : i32
      %eq3A_2836 = arith.cmpi eq, %jit3A_2834, %eq3A_2835 : i32
      %jit3A_2837 = arith.constant 1 : i32
      %select_n3A_2838 = arith.select %eq3A_2836, %jit3A_2837, %jit3A_2834 : i32
      %rem3A_2839 = arith.remsi %add3A_2693, %select_n3A_2838 : i32
      %ne3A_2840 = arith.constant 0 : i32
      %ne3A_2841 = arith.cmpi ne, %rem3A_2839, %ne3A_2840 : i32
      %lt3A_2842 = arith.constant 0 : i32
      %lt3A_2843 = arith.cmpi slt, %rem3A_2839, %lt3A_2842 : i32
      %lt3A_2844 = arith.constant 0 : i32
      %lt3A_2845 = arith.cmpi slt, %select_n3A_2838, %lt3A_2844 : i32
      %ne3A_2846 = arith.xori %lt3A_2843, %lt3A_2845 : i1
      %and3A_2847 = arith.andi %ne3A_2846, %ne3A_2841 : i1
      %add3A_2848 = arith.addi %rem3A_2839, %select_n3A_2838 : i32
      %select_n3A_2849 = arith.select %and3A_2847, %add3A_2848, %rem3A_2839 : i32
      %mul3A_2850 = arith.constant 64 : i32
      %mul3A_2851 = arith.muli %select_n3A_2849, %mul3A_2850 : i32
      %dma_wait3A_2852 = arith.constant 2 : i32
      %dma_wait3A_2853 = arith.constant 0 : i32
      %dma_wait3A_2854 = arith.constant 0 : i32
      %dma_wait3A_2855 = tpu.memref_slice %arg6[%dma_wait3A_2852, %dma_wait3A_2853, %dma_wait3A_2854] : memref<10x64x128xf32, #tpu.memory_space<vmem>> -> memref<1x64x128xf32, #tpu.memory_space<vmem>>
      %dma_wait3A_2856 = tpu.memref_squeeze %dma_wait3A_2855 : memref<1x64x128xf32, #tpu.memory_space<vmem>> -> memref<64x128xf32, #tpu.memory_space<vmem>>
      %dma_wait3A_2857 = tpu.memref_slice %arg5[%select_n3A_2833, %mul3A_2851] : memref<50x128xi32, #tpu.memory_space<vmem>> -> memref<1x64xi32, #tpu.memory_space<vmem>>
      %dma_wait3A_2858 = tpu.memref_squeeze %dma_wait3A_2857 : memref<1x64xi32, #tpu.memory_space<vmem>> -> memref<64xi32, #tpu.memory_space<vmem>>
      %dma_wait3A_2859 = arith.constant 0 : i32
      %dma_wait3A_2860 = arith.constant 0 : i32
      %dma_wait3A_2861 = tpu.memref_slice %arg3[%dma_wait3A_2859, %dma_wait3A_2860] : memref<100000x128xf32, #tpu.memory_space<hbm>> -> memref<100000x128xf32, #tpu.memory_space<hbm>>
      tpu.wait_indirect_dma semaphore(%arg9 : memref<!tpu.dma_semaphore, #tpu.memory_space<semaphore_mem>>) src(%dma_wait3A_2861 : memref<100000x128xf32, #tpu.memory_space<hbm>>) dst(%dma_wait3A_2856 : memref<64x128xf32, #tpu.memory_space<vmem>>)
      %jit3A_2862 = arith.constant 2 : i32
      %div3A_2863 = arith.divsi %add3A_2693, %jit3A_2862 : i32
      %sign3A_2864 = arith.constant 0 : i32
      %sign3A_2865 = arith.cmpi sgt, %add3A_2693, %sign3A_2864 : i32
      %sign3A_2866 = arith.extui %sign3A_2865 : i1 to i32
      %sign3A_2867 = arith.constant 0 : i32
      %sign3A_2868 = arith.cmpi slt, %add3A_2693, %sign3A_2867 : i32
      %sign3A_2869 = arith.extui %sign3A_2868 : i1 to i32
      %sign3A_2870 = arith.subi %sign3A_2866, %sign3A_2869 : i32
      %sign3A_2871 = arith.constant 0 : i32
      %sign3A_2872 = arith.cmpi sgt, %jit3A_2862, %sign3A_2871 : i32
      %sign3A_2873 = arith.extui %sign3A_2872 : i1 to i32
      %sign3A_2874 = arith.constant 0 : i32
      %sign3A_2875 = arith.cmpi slt, %jit3A_2862, %sign3A_2874 : i32
      %sign3A_2876 = arith.extui %sign3A_2875 : i1 to i32
      %sign3A_2877 = arith.subi %sign3A_2873, %sign3A_2876 : i32
      %ne3A_2878 = arith.cmpi ne, %sign3A_2870, %sign3A_2877 : i32
      %rem3A_2879 = arith.remsi %add3A_2693, %jit3A_2862 : i32
      %ne3A_2880 = arith.constant 0 : i32
      %ne3A_2881 = arith.cmpi ne, %rem3A_2879, %ne3A_2880 : i32
      %and3A_2882 = arith.andi %ne3A_2878, %ne3A_2881 : i1
      %sub3A_2883 = arith.constant 1 : i32
      %sub3A_2884 = arith.subi %div3A_2863, %sub3A_2883 : i32
      %select_n3A_2885 = arith.select %and3A_2882, %sub3A_2884, %div3A_2863 : i32
      %jit3A_2886 = arith.constant 2 : i32
      %eq3A_2887 = arith.constant 0 : i32
      %eq3A_2888 = arith.cmpi eq, %jit3A_2886, %eq3A_2887 : i32
      %jit3A_2889 = arith.constant 1 : i32
      %select_n3A_2890 = arith.select %eq3A_2888, %jit3A_2889, %jit3A_2886 : i32
      %rem3A_2891 = arith.remsi %add3A_2693, %select_n3A_2890 : i32
      %ne3A_2892 = arith.constant 0 : i32
      %ne3A_2893 = arith.cmpi ne, %rem3A_2891, %ne3A_2892 : i32
      %lt3A_2894 = arith.constant 0 : i32
      %lt3A_2895 = arith.cmpi slt, %rem3A_2891, %lt3A_2894 : i32
      %lt3A_2896 = arith.constant 0 : i32
      %lt3A_2897 = arith.cmpi slt, %select_n3A_2890, %lt3A_2896 : i32
      %ne3A_2898 = arith.xori %lt3A_2895, %lt3A_2897 : i1
      %and3A_2899 = arith.andi %ne3A_2898, %ne3A_2893 : i1
      %add3A_2900 = arith.addi %rem3A_2891, %select_n3A_2890 : i32
      %select_n3A_2901 = arith.select %and3A_2899, %add3A_2900, %rem3A_2891 : i32
      %mul3A_2902 = arith.constant 64 : i32
      %mul3A_2903 = arith.muli %select_n3A_2901, %mul3A_2902 : i32
      %add3A_2904 = arith.addi %mul3A_2, %mul3A_2903 : i32
      %dma_start3A_2905 = arith.constant 2 : i32
      %dma_start3A_2906 = arith.constant 0 : i32
      %dma_start3A_2907 = arith.constant 0 : i32
      %dma_start3A_2908 = tpu.memref_slice %arg6[%dma_start3A_2905, %dma_start3A_2906, %dma_start3A_2907] : memref<10x64x128xf32, #tpu.memory_space<vmem>> -> memref<1x64x128xf32, #tpu.memory_space<vmem>>
      %dma_start3A_2909 = tpu.memref_squeeze %dma_start3A_2908 : memref<1x64x128xf32, #tpu.memory_space<vmem>> -> memref<64x128xf32, #tpu.memory_space<vmem>>
      %dma_start3A_2910 = arith.constant 0 : i32
      %dma_start3A_2911 = tpu.memref_slice %arg4[%select_n3A_2885, %add3A_2904, %dma_start3A_2910] : memref<50x4096x128xf32, #tpu.memory_space<hbm>> -> memref<1x64x128xf32, #tpu.memory_space<hbm>>
      %dma_start3A_2912 = tpu.memref_squeeze %dma_start3A_2911 : memref<1x64x128xf32, #tpu.memory_space<hbm>> -> memref<64x128xf32, #tpu.memory_space<hbm>>
      %dma_start3A_2913 = arith.constant 0 : i32
      %dma_start3A_2914 = tpu.memref_slice %arg4[%select_n3A_2885, %add3A_2904, %dma_start3A_2913] : memref<50x4096x128xf32, #tpu.memory_space<hbm>> -> memref<1x64x128xf32, #tpu.memory_space<hbm>>
      %dma_start3A_2915 = tpu.memref_squeeze %dma_start3A_2914 : memref<1x64x128xf32, #tpu.memory_space<hbm>> -> memref<64x128xf32, #tpu.memory_space<hbm>>
      %dma_start3A_2916 = arith.constant 0 : i32
      %dma_start3A_2917 = arith.constant 0 : i32
      %dma_start3A_2918 = tpu.memref_slice %arg6[%dma_start3A_2905, %dma_start3A_2916, %dma_start3A_2917] : memref<10x64x128xf32, #tpu.memory_space<vmem>> -> memref<1x64x128xf32, #tpu.memory_space<vmem>>
      %dma_start3A_2919 = tpu.memref_squeeze %dma_start3A_2918 : memref<1x64x128xf32, #tpu.memory_space<vmem>> -> memref<64x128xf32, #tpu.memory_space<vmem>>
      tpu.enqueue_dma source(%dma_start3A_2919 : memref<64x128xf32, #tpu.memory_space<vmem>>) target(%dma_start3A_2915 : memref<64x128xf32, #tpu.memory_space<hbm>>) target_semaphore(%arg19 : memref<!tpu.dma_semaphore, #tpu.memory_space<semaphore_mem>>)
    }
    %scan3A_214 = arith.constant 9 : i32
    %add3A_215 = arith.constant 0 : i32
    %add3A_216 = arith.addi %mul3A_2, %add3A_215 : i32
    %dma_wait3A_217 = arith.constant 0 : i32
    %dma_wait3A_218 = arith.constant 45 : i32
    %dma_wait3A_219 = arith.constant 0 : i32
    %dma_wait3A_220 = arith.constant 0 : i32
    %dma_wait3A_221 = tpu.memref_slice %arg6[%dma_wait3A_217, %dma_wait3A_219, %dma_wait3A_220] : memref<10x64x128xf32, #tpu.memory_space<vmem>> -> memref<1x64x128xf32, #tpu.memory_space<vmem>>
    %dma_wait3A_222 = tpu.memref_squeeze %dma_wait3A_221 : memref<1x64x128xf32, #tpu.memory_space<vmem>> -> memref<64x128xf32, #tpu.memory_space<vmem>>
    %dma_wait3A_223 = arith.constant 0 : i32
    %dma_wait3A_224 = tpu.memref_slice %arg4[%dma_wait3A_218, %add3A_216, %dma_wait3A_223] : memref<50x4096x128xf32, #tpu.memory_space<hbm>> -> memref<1x64x128xf32, #tpu.memory_space<hbm>>
    %dma_wait3A_225 = tpu.memref_squeeze %dma_wait3A_224 : memref<1x64x128xf32, #tpu.memory_space<hbm>> -> memref<64x128xf32, #tpu.memory_space<hbm>>
    %dma_wait3A_226 = arith.constant 0 : i32
    %dma_wait3A_227 = tpu.memref_slice %arg4[%dma_wait3A_218, %add3A_216, %dma_wait3A_226] : memref<50x4096x128xf32, #tpu.memory_space<hbm>> -> memref<1x64x128xf32, #tpu.memory_space<hbm>>
    %dma_wait3A_228 = tpu.memref_squeeze %dma_wait3A_227 : memref<1x64x128xf32, #tpu.memory_space<hbm>> -> memref<64x128xf32, #tpu.memory_space<hbm>>
    %dma_wait3A_229 = arith.constant 0 : i32
    %dma_wait3A_230 = arith.constant 0 : i32
    %dma_wait3A_231 = tpu.memref_slice %arg6[%dma_wait3A_217, %dma_wait3A_229, %dma_wait3A_230] : memref<10x64x128xf32, #tpu.memory_space<vmem>> -> memref<1x64x128xf32, #tpu.memory_space<vmem>>
    %dma_wait3A_232 = tpu.memref_squeeze %dma_wait3A_231 : memref<1x64x128xf32, #tpu.memory_space<vmem>> -> memref<64x128xf32, #tpu.memory_space<vmem>>
    tpu.wait_dma2 semaphore(%arg17 : memref<!tpu.dma_semaphore, #tpu.memory_space<semaphore_mem>>) src(%dma_wait3A_232 : memref<64x128xf32, #tpu.memory_space<vmem>>) dst(%dma_wait3A_228 : memref<64x128xf32, #tpu.memory_space<hbm>>)
    %dma_wait3A_233 = arith.constant 46 : i32
    %dma_wait3A_234 = arith.constant 3 : i32
    %dma_wait3A_235 = arith.constant 0 : i32
    %dma_wait3A_236 = arith.constant 0 : i32
    %dma_wait3A_237 = tpu.memref_slice %arg6[%dma_wait3A_234, %dma_wait3A_235, %dma_wait3A_236] : memref<10x64x128xf32, #tpu.memory_space<vmem>> -> memref<1x64x128xf32, #tpu.memory_space<vmem>>
    %dma_wait3A_238 = tpu.memref_squeeze %dma_wait3A_237 : memref<1x64x128xf32, #tpu.memory_space<vmem>> -> memref<64x128xf32, #tpu.memory_space<vmem>>
    %dma_wait3A_239 = arith.constant 64 : i32
    %dma_wait3A_240 = tpu.memref_slice %arg5[%dma_wait3A_233, %dma_wait3A_239] : memref<50x128xi32, #tpu.memory_space<vmem>> -> memref<1x64xi32, #tpu.memory_space<vmem>>
    %dma_wait3A_241 = tpu.memref_squeeze %dma_wait3A_240 : memref<1x64xi32, #tpu.memory_space<vmem>> -> memref<64xi32, #tpu.memory_space<vmem>>
    %dma_wait3A_242 = arith.constant 0 : i32
    %dma_wait3A_243 = arith.constant 0 : i32
    %dma_wait3A_244 = tpu.memref_slice %arg3[%dma_wait3A_242, %dma_wait3A_243] : memref<100000x128xf32, #tpu.memory_space<hbm>> -> memref<100000x128xf32, #tpu.memory_space<hbm>>
    tpu.wait_indirect_dma semaphore(%arg10 : memref<!tpu.dma_semaphore, #tpu.memory_space<semaphore_mem>>) src(%dma_wait3A_244 : memref<100000x128xf32, #tpu.memory_space<hbm>>) dst(%dma_wait3A_238 : memref<64x128xf32, #tpu.memory_space<vmem>>)
    %add3A_245 = arith.constant 64 : i32
    %add3A_246 = arith.addi %mul3A_2, %add3A_245 : i32
    %dma_start3A_247 = arith.constant 3 : i32
    %dma_start3A_248 = arith.constant 46 : i32
    %dma_start3A_249 = arith.constant 0 : i32
    %dma_start3A_250 = arith.constant 0 : i32
    %dma_start3A_251 = tpu.memref_slice %arg6[%dma_start3A_247, %dma_start3A_249, %dma_start3A_250] : memref<10x64x128xf32, #tpu.memory_space<vmem>> -> memref<1x64x128xf32, #tpu.memory_space<vmem>>
    %dma_start3A_252 = tpu.memref_squeeze %dma_start3A_251 : memref<1x64x128xf32, #tpu.memory_space<vmem>> -> memref<64x128xf32, #tpu.memory_space<vmem>>
    %dma_start3A_253 = arith.constant 0 : i32
    %dma_start3A_254 = tpu.memref_slice %arg4[%dma_start3A_248, %add3A_246, %dma_start3A_253] : memref<50x4096x128xf32, #tpu.memory_space<hbm>> -> memref<1x64x128xf32, #tpu.memory_space<hbm>>
    %dma_start3A_255 = tpu.memref_squeeze %dma_start3A_254 : memref<1x64x128xf32, #tpu.memory_space<hbm>> -> memref<64x128xf32, #tpu.memory_space<hbm>>
    %dma_start3A_256 = arith.constant 0 : i32
    %dma_start3A_257 = tpu.memref_slice %arg4[%dma_start3A_248, %add3A_246, %dma_start3A_256] : memref<50x4096x128xf32, #tpu.memory_space<hbm>> -> memref<1x64x128xf32, #tpu.memory_space<hbm>>
    %dma_start3A_258 = tpu.memref_squeeze %dma_start3A_257 : memref<1x64x128xf32, #tpu.memory_space<hbm>> -> memref<64x128xf32, #tpu.memory_space<hbm>>
    %dma_start3A_259 = arith.constant 0 : i32
    %dma_start3A_260 = arith.constant 0 : i32
    %dma_start3A_261 = tpu.memref_slice %arg6[%dma_start3A_247, %dma_start3A_259, %dma_start3A_260] : memref<10x64x128xf32, #tpu.memory_space<vmem>> -> memref<1x64x128xf32, #tpu.memory_space<vmem>>
    %dma_start3A_262 = tpu.memref_squeeze %dma_start3A_261 : memref<1x64x128xf32, #tpu.memory_space<vmem>> -> memref<64x128xf32, #tpu.memory_space<vmem>>
    tpu.enqueue_dma source(%dma_start3A_262 : memref<64x128xf32, #tpu.memory_space<vmem>>) target(%dma_start3A_258 : memref<64x128xf32, #tpu.memory_space<hbm>>) target_semaphore(%arg20 : memref<!tpu.dma_semaphore, #tpu.memory_space<semaphore_mem>>)
    %add3A_263 = arith.constant 64 : i32
    %add3A_264 = arith.addi %mul3A_2, %add3A_263 : i32
    %dma_wait3A_265 = arith.constant 1 : i32
    %dma_wait3A_266 = arith.constant 45 : i32
    %dma_wait3A_267 = arith.constant 0 : i32
    %dma_wait3A_268 = arith.constant 0 : i32
    %dma_wait3A_269 = tpu.memref_slice %arg6[%dma_wait3A_265, %dma_wait3A_267, %dma_wait3A_268] : memref<10x64x128xf32, #tpu.memory_space<vmem>> -> memref<1x64x128xf32, #tpu.memory_space<vmem>>
    %dma_wait3A_270 = tpu.memref_squeeze %dma_wait3A_269 : memref<1x64x128xf32, #tpu.memory_space<vmem>> -> memref<64x128xf32, #tpu.memory_space<vmem>>
    %dma_wait3A_271 = arith.constant 0 : i32
    %dma_wait3A_272 = tpu.memref_slice %arg4[%dma_wait3A_266, %add3A_264, %dma_wait3A_271] : memref<50x4096x128xf32, #tpu.memory_space<hbm>> -> memref<1x64x128xf32, #tpu.memory_space<hbm>>
    %dma_wait3A_273 = tpu.memref_squeeze %dma_wait3A_272 : memref<1x64x128xf32, #tpu.memory_space<hbm>> -> memref<64x128xf32, #tpu.memory_space<hbm>>
    %dma_wait3A_274 = arith.constant 0 : i32
    %dma_wait3A_275 = tpu.memref_slice %arg4[%dma_wait3A_266, %add3A_264, %dma_wait3A_274] : memref<50x4096x128xf32, #tpu.memory_space<hbm>> -> memref<1x64x128xf32, #tpu.memory_space<hbm>>
    %dma_wait3A_276 = tpu.memref_squeeze %dma_wait3A_275 : memref<1x64x128xf32, #tpu.memory_space<hbm>> -> memref<64x128xf32, #tpu.memory_space<hbm>>
    %dma_wait3A_277 = arith.constant 0 : i32
    %dma_wait3A_278 = arith.constant 0 : i32
    %dma_wait3A_279 = tpu.memref_slice %arg6[%dma_wait3A_265, %dma_wait3A_277, %dma_wait3A_278] : memref<10x64x128xf32, #tpu.memory_space<vmem>> -> memref<1x64x128xf32, #tpu.memory_space<vmem>>
    %dma_wait3A_280 = tpu.memref_squeeze %dma_wait3A_279 : memref<1x64x128xf32, #tpu.memory_space<vmem>> -> memref<64x128xf32, #tpu.memory_space<vmem>>
    tpu.wait_dma2 semaphore(%arg18 : memref<!tpu.dma_semaphore, #tpu.memory_space<semaphore_mem>>) src(%dma_wait3A_280 : memref<64x128xf32, #tpu.memory_space<vmem>>) dst(%dma_wait3A_276 : memref<64x128xf32, #tpu.memory_space<hbm>>)
    %dma_wait3A_281 = arith.constant 47 : i32
    %dma_wait3A_282 = arith.constant 4 : i32
    %dma_wait3A_283 = arith.constant 0 : i32
    %dma_wait3A_284 = arith.constant 0 : i32
    %dma_wait3A_285 = tpu.memref_slice %arg6[%dma_wait3A_282, %dma_wait3A_283, %dma_wait3A_284] : memref<10x64x128xf32, #tpu.memory_space<vmem>> -> memref<1x64x128xf32, #tpu.memory_space<vmem>>
    %dma_wait3A_286 = tpu.memref_squeeze %dma_wait3A_285 : memref<1x64x128xf32, #tpu.memory_space<vmem>> -> memref<64x128xf32, #tpu.memory_space<vmem>>
    %dma_wait3A_287 = arith.constant 0 : i32
    %dma_wait3A_288 = tpu.memref_slice %arg5[%dma_wait3A_281, %dma_wait3A_287] : memref<50x128xi32, #tpu.memory_space<vmem>> -> memref<1x64xi32, #tpu.memory_space<vmem>>
    %dma_wait3A_289 = tpu.memref_squeeze %dma_wait3A_288 : memref<1x64xi32, #tpu.memory_space<vmem>> -> memref<64xi32, #tpu.memory_space<vmem>>
    %dma_wait3A_290 = arith.constant 0 : i32
    %dma_wait3A_291 = arith.constant 0 : i32
    %dma_wait3A_292 = tpu.memref_slice %arg3[%dma_wait3A_290, %dma_wait3A_291] : memref<100000x128xf32, #tpu.memory_space<hbm>> -> memref<100000x128xf32, #tpu.memory_space<hbm>>
    tpu.wait_indirect_dma semaphore(%arg11 : memref<!tpu.dma_semaphore, #tpu.memory_space<semaphore_mem>>) src(%dma_wait3A_292 : memref<100000x128xf32, #tpu.memory_space<hbm>>) dst(%dma_wait3A_286 : memref<64x128xf32, #tpu.memory_space<vmem>>)
    %add3A_293 = arith.constant 0 : i32
    %add3A_294 = arith.addi %mul3A_2, %add3A_293 : i32
    %dma_start3A_295 = arith.constant 4 : i32
    %dma_start3A_296 = arith.constant 47 : i32
    %dma_start3A_297 = arith.constant 0 : i32
    %dma_start3A_298 = arith.constant 0 : i32
    %dma_start3A_299 = tpu.memref_slice %arg6[%dma_start3A_295, %dma_start3A_297, %dma_start3A_298] : memref<10x64x128xf32, #tpu.memory_space<vmem>> -> memref<1x64x128xf32, #tpu.memory_space<vmem>>
    %dma_start3A_300 = tpu.memref_squeeze %dma_start3A_299 : memref<1x64x128xf32, #tpu.memory_space<vmem>> -> memref<64x128xf32, #tpu.memory_space<vmem>>
    %dma_start3A_301 = arith.constant 0 : i32
    %dma_start3A_302 = tpu.memref_slice %arg4[%dma_start3A_296, %add3A_294, %dma_start3A_301] : memref<50x4096x128xf32, #tpu.memory_space<hbm>> -> memref<1x64x128xf32, #tpu.memory_space<hbm>>
    %dma_start3A_303 = tpu.memref_squeeze %dma_start3A_302 : memref<1x64x128xf32, #tpu.memory_space<hbm>> -> memref<64x128xf32, #tpu.memory_space<hbm>>
    %dma_start3A_304 = arith.constant 0 : i32
    %dma_start3A_305 = tpu.memref_slice %arg4[%dma_start3A_296, %add3A_294, %dma_start3A_304] : memref<50x4096x128xf32, #tpu.memory_space<hbm>> -> memref<1x64x128xf32, #tpu.memory_space<hbm>>
    %dma_start3A_306 = tpu.memref_squeeze %dma_start3A_305 : memref<1x64x128xf32, #tpu.memory_space<hbm>> -> memref<64x128xf32, #tpu.memory_space<hbm>>
    %dma_start3A_307 = arith.constant 0 : i32
    %dma_start3A_308 = arith.constant 0 : i32
    %dma_start3A_309 = tpu.memref_slice %arg6[%dma_start3A_295, %dma_start3A_307, %dma_start3A_308] : memref<10x64x128xf32, #tpu.memory_space<vmem>> -> memref<1x64x128xf32, #tpu.memory_space<vmem>>
    %dma_start3A_310 = tpu.memref_squeeze %dma_start3A_309 : memref<1x64x128xf32, #tpu.memory_space<vmem>> -> memref<64x128xf32, #tpu.memory_space<vmem>>
    tpu.enqueue_dma source(%dma_start3A_310 : memref<64x128xf32, #tpu.memory_space<vmem>>) target(%dma_start3A_306 : memref<64x128xf32, #tpu.memory_space<hbm>>) target_semaphore(%arg21 : memref<!tpu.dma_semaphore, #tpu.memory_space<semaphore_mem>>)
    %add3A_311 = arith.constant 0 : i32
    %add3A_312 = arith.addi %mul3A_2, %add3A_311 : i32
    %dma_wait3A_313 = arith.constant 2 : i32
    %dma_wait3A_314 = arith.constant 46 : i32
    %dma_wait3A_315 = arith.constant 0 : i32
    %dma_wait3A_316 = arith.constant 0 : i32
    %dma_wait3A_317 = tpu.memref_slice %arg6[%dma_wait3A_313, %dma_wait3A_315, %dma_wait3A_316] : memref<10x64x128xf32, #tpu.memory_space<vmem>> -> memref<1x64x128xf32, #tpu.memory_space<vmem>>
    %dma_wait3A_318 = tpu.memref_squeeze %dma_wait3A_317 : memref<1x64x128xf32, #tpu.memory_space<vmem>> -> memref<64x128xf32, #tpu.memory_space<vmem>>
    %dma_wait3A_319 = arith.constant 0 : i32
    %dma_wait3A_320 = tpu.memref_slice %arg4[%dma_wait3A_314, %add3A_312, %dma_wait3A_319] : memref<50x4096x128xf32, #tpu.memory_space<hbm>> -> memref<1x64x128xf32, #tpu.memory_space<hbm>>
    %dma_wait3A_321 = tpu.memref_squeeze %dma_wait3A_320 : memref<1x64x128xf32, #tpu.memory_space<hbm>> -> memref<64x128xf32, #tpu.memory_space<hbm>>
    %dma_wait3A_322 = arith.constant 0 : i32
    %dma_wait3A_323 = tpu.memref_slice %arg4[%dma_wait3A_314, %add3A_312, %dma_wait3A_322] : memref<50x4096x128xf32, #tpu.memory_space<hbm>> -> memref<1x64x128xf32, #tpu.memory_space<hbm>>
    %dma_wait3A_324 = tpu.memref_squeeze %dma_wait3A_323 : memref<1x64x128xf32, #tpu.memory_space<hbm>> -> memref<64x128xf32, #tpu.memory_space<hbm>>
    %dma_wait3A_325 = arith.constant 0 : i32
    %dma_wait3A_326 = arith.constant 0 : i32
    %dma_wait3A_327 = tpu.memref_slice %arg6[%dma_wait3A_313, %dma_wait3A_325, %dma_wait3A_326] : memref<10x64x128xf32, #tpu.memory_space<vmem>> -> memref<1x64x128xf32, #tpu.memory_space<vmem>>
    %dma_wait3A_328 = tpu.memref_squeeze %dma_wait3A_327 : memref<1x64x128xf32, #tpu.memory_space<vmem>> -> memref<64x128xf32, #tpu.memory_space<vmem>>
    tpu.wait_dma2 semaphore(%arg19 : memref<!tpu.dma_semaphore, #tpu.memory_space<semaphore_mem>>) src(%dma_wait3A_328 : memref<64x128xf32, #tpu.memory_space<vmem>>) dst(%dma_wait3A_324 : memref<64x128xf32, #tpu.memory_space<hbm>>)
    %dma_wait3A_329 = arith.constant 47 : i32
    %dma_wait3A_330 = arith.constant 5 : i32
    %dma_wait3A_331 = arith.constant 0 : i32
    %dma_wait3A_332 = arith.constant 0 : i32
    %dma_wait3A_333 = tpu.memref_slice %arg6[%dma_wait3A_330, %dma_wait3A_331, %dma_wait3A_332] : memref<10x64x128xf32, #tpu.memory_space<vmem>> -> memref<1x64x128xf32, #tpu.memory_space<vmem>>
    %dma_wait3A_334 = tpu.memref_squeeze %dma_wait3A_333 : memref<1x64x128xf32, #tpu.memory_space<vmem>> -> memref<64x128xf32, #tpu.memory_space<vmem>>
    %dma_wait3A_335 = arith.constant 64 : i32
    %dma_wait3A_336 = tpu.memref_slice %arg5[%dma_wait3A_329, %dma_wait3A_335] : memref<50x128xi32, #tpu.memory_space<vmem>> -> memref<1x64xi32, #tpu.memory_space<vmem>>
    %dma_wait3A_337 = tpu.memref_squeeze %dma_wait3A_336 : memref<1x64xi32, #tpu.memory_space<vmem>> -> memref<64xi32, #tpu.memory_space<vmem>>
    %dma_wait3A_338 = arith.constant 0 : i32
    %dma_wait3A_339 = arith.constant 0 : i32
    %dma_wait3A_340 = tpu.memref_slice %arg3[%dma_wait3A_338, %dma_wait3A_339] : memref<100000x128xf32, #tpu.memory_space<hbm>> -> memref<100000x128xf32, #tpu.memory_space<hbm>>
    tpu.wait_indirect_dma semaphore(%arg12 : memref<!tpu.dma_semaphore, #tpu.memory_space<semaphore_mem>>) src(%dma_wait3A_340 : memref<100000x128xf32, #tpu.memory_space<hbm>>) dst(%dma_wait3A_334 : memref<64x128xf32, #tpu.memory_space<vmem>>)
    %add3A_341 = arith.constant 64 : i32
    %add3A_342 = arith.addi %mul3A_2, %add3A_341 : i32
    %dma_start3A_343 = arith.constant 5 : i32
    %dma_start3A_344 = arith.constant 47 : i32
    %dma_start3A_345 = arith.constant 0 : i32
    %dma_start3A_346 = arith.constant 0 : i32
    %dma_start3A_347 = tpu.memref_slice %arg6[%dma_start3A_343, %dma_start3A_345, %dma_start3A_346] : memref<10x64x128xf32, #tpu.memory_space<vmem>> -> memref<1x64x128xf32, #tpu.memory_space<vmem>>
    %dma_start3A_348 = tpu.memref_squeeze %dma_start3A_347 : memref<1x64x128xf32, #tpu.memory_space<vmem>> -> memref<64x128xf32, #tpu.memory_space<vmem>>
    %dma_start3A_349 = arith.constant 0 : i32
    %dma_start3A_350 = tpu.memref_slice %arg4[%dma_start3A_344, %add3A_342, %dma_start3A_349] : memref<50x4096x128xf32, #tpu.memory_space<hbm>> -> memref<1x64x128xf32, #tpu.memory_space<hbm>>
    %dma_start3A_351 = tpu.memref_squeeze %dma_start3A_350 : memref<1x64x128xf32, #tpu.memory_space<hbm>> -> memref<64x128xf32, #tpu.memory_space<hbm>>
    %dma_start3A_352 = arith.constant 0 : i32
    %dma_start3A_353 = tpu.memref_slice %arg4[%dma_start3A_344, %add3A_342, %dma_start3A_352] : memref<50x4096x128xf32, #tpu.memory_space<hbm>> -> memref<1x64x128xf32, #tpu.memory_space<hbm>>
    %dma_start3A_354 = tpu.memref_squeeze %dma_start3A_353 : memref<1x64x128xf32, #tpu.memory_space<hbm>> -> memref<64x128xf32, #tpu.memory_space<hbm>>
    %dma_start3A_355 = arith.constant 0 : i32
    %dma_start3A_356 = arith.constant 0 : i32
    %dma_start3A_357 = tpu.memref_slice %arg6[%dma_start3A_343, %dma_start3A_355, %dma_start3A_356] : memref<10x64x128xf32, #tpu.memory_space<vmem>> -> memref<1x64x128xf32, #tpu.memory_space<vmem>>
    %dma_start3A_358 = tpu.memref_squeeze %dma_start3A_357 : memref<1x64x128xf32, #tpu.memory_space<vmem>> -> memref<64x128xf32, #tpu.memory_space<vmem>>
    tpu.enqueue_dma source(%dma_start3A_358 : memref<64x128xf32, #tpu.memory_space<vmem>>) target(%dma_start3A_354 : memref<64x128xf32, #tpu.memory_space<hbm>>) target_semaphore(%arg22 : memref<!tpu.dma_semaphore, #tpu.memory_space<semaphore_mem>>)
    %add3A_359 = arith.constant 64 : i32
    %add3A_360 = arith.addi %mul3A_2, %add3A_359 : i32
    %dma_wait3A_361 = arith.constant 3 : i32
    %dma_wait3A_362 = arith.constant 46 : i32
    %dma_wait3A_363 = arith.constant 0 : i32
    %dma_wait3A_364 = arith.constant 0 : i32
    %dma_wait3A_365 = tpu.memref_slice %arg6[%dma_wait3A_361, %dma_wait3A_363, %dma_wait3A_364] : memref<10x64x128xf32, #tpu.memory_space<vmem>> -> memref<1x64x128xf32, #tpu.memory_space<vmem>>
    %dma_wait3A_366 = tpu.memref_squeeze %dma_wait3A_365 : memref<1x64x128xf32, #tpu.memory_space<vmem>> -> memref<64x128xf32, #tpu.memory_space<vmem>>
    %dma_wait3A_367 = arith.constant 0 : i32
    %dma_wait3A_368 = tpu.memref_slice %arg4[%dma_wait3A_362, %add3A_360, %dma_wait3A_367] : memref<50x4096x128xf32, #tpu.memory_space<hbm>> -> memref<1x64x128xf32, #tpu.memory_space<hbm>>
    %dma_wait3A_369 = tpu.memref_squeeze %dma_wait3A_368 : memref<1x64x128xf32, #tpu.memory_space<hbm>> -> memref<64x128xf32, #tpu.memory_space<hbm>>
    %dma_wait3A_370 = arith.constant 0 : i32
    %dma_wait3A_371 = tpu.memref_slice %arg4[%dma_wait3A_362, %add3A_360, %dma_wait3A_370] : memref<50x4096x128xf32, #tpu.memory_space<hbm>> -> memref<1x64x128xf32, #tpu.memory_space<hbm>>
    %dma_wait3A_372 = tpu.memref_squeeze %dma_wait3A_371 : memref<1x64x128xf32, #tpu.memory_space<hbm>> -> memref<64x128xf32, #tpu.memory_space<hbm>>
    %dma_wait3A_373 = arith.constant 0 : i32
    %dma_wait3A_374 = arith.constant 0 : i32
    %dma_wait3A_375 = tpu.memref_slice %arg6[%dma_wait3A_361, %dma_wait3A_373, %dma_wait3A_374] : memref<10x64x128xf32, #tpu.memory_space<vmem>> -> memref<1x64x128xf32, #tpu.memory_space<vmem>>
    %dma_wait3A_376 = tpu.memref_squeeze %dma_wait3A_375 : memref<1x64x128xf32, #tpu.memory_space<vmem>> -> memref<64x128xf32, #tpu.memory_space<vmem>>
    tpu.wait_dma2 semaphore(%arg20 : memref<!tpu.dma_semaphore, #tpu.memory_space<semaphore_mem>>) src(%dma_wait3A_376 : memref<64x128xf32, #tpu.memory_space<vmem>>) dst(%dma_wait3A_372 : memref<64x128xf32, #tpu.memory_space<hbm>>)
    %dma_wait3A_377 = arith.constant 48 : i32
    %dma_wait3A_378 = arith.constant 6 : i32
    %dma_wait3A_379 = arith.constant 0 : i32
    %dma_wait3A_380 = arith.constant 0 : i32
    %dma_wait3A_381 = tpu.memref_slice %arg6[%dma_wait3A_378, %dma_wait3A_379, %dma_wait3A_380] : memref<10x64x128xf32, #tpu.memory_space<vmem>> -> memref<1x64x128xf32, #tpu.memory_space<vmem>>
    %dma_wait3A_382 = tpu.memref_squeeze %dma_wait3A_381 : memref<1x64x128xf32, #tpu.memory_space<vmem>> -> memref<64x128xf32, #tpu.memory_space<vmem>>
    %dma_wait3A_383 = arith.constant 0 : i32
    %dma_wait3A_384 = tpu.memref_slice %arg5[%dma_wait3A_377, %dma_wait3A_383] : memref<50x128xi32, #tpu.memory_space<vmem>> -> memref<1x64xi32, #tpu.memory_space<vmem>>
    %dma_wait3A_385 = tpu.memref_squeeze %dma_wait3A_384 : memref<1x64xi32, #tpu.memory_space<vmem>> -> memref<64xi32, #tpu.memory_space<vmem>>
    %dma_wait3A_386 = arith.constant 0 : i32
    %dma_wait3A_387 = arith.constant 0 : i32
    %dma_wait3A_388 = tpu.memref_slice %arg3[%dma_wait3A_386, %dma_wait3A_387] : memref<100000x128xf32, #tpu.memory_space<hbm>> -> memref<100000x128xf32, #tpu.memory_space<hbm>>
    tpu.wait_indirect_dma semaphore(%arg13 : memref<!tpu.dma_semaphore, #tpu.memory_space<semaphore_mem>>) src(%dma_wait3A_388 : memref<100000x128xf32, #tpu.memory_space<hbm>>) dst(%dma_wait3A_382 : memref<64x128xf32, #tpu.memory_space<vmem>>)
    %add3A_389 = arith.constant 0 : i32
    %add3A_390 = arith.addi %mul3A_2, %add3A_389 : i32
    %dma_start3A_391 = arith.constant 6 : i32
    %dma_start3A_392 = arith.constant 48 : i32
    %dma_start3A_393 = arith.constant 0 : i32
    %dma_start3A_394 = arith.constant 0 : i32
    %dma_start3A_395 = tpu.memref_slice %arg6[%dma_start3A_391, %dma_start3A_393, %dma_start3A_394] : memref<10x64x128xf32, #tpu.memory_space<vmem>> -> memref<1x64x128xf32, #tpu.memory_space<vmem>>
    %dma_start3A_396 = tpu.memref_squeeze %dma_start3A_395 : memref<1x64x128xf32, #tpu.memory_space<vmem>> -> memref<64x128xf32, #tpu.memory_space<vmem>>
    %dma_start3A_397 = arith.constant 0 : i32
    %dma_start3A_398 = tpu.memref_slice %arg4[%dma_start3A_392, %add3A_390, %dma_start3A_397] : memref<50x4096x128xf32, #tpu.memory_space<hbm>> -> memref<1x64x128xf32, #tpu.memory_space<hbm>>
    %dma_start3A_399 = tpu.memref_squeeze %dma_start3A_398 : memref<1x64x128xf32, #tpu.memory_space<hbm>> -> memref<64x128xf32, #tpu.memory_space<hbm>>
    %dma_start3A_400 = arith.constant 0 : i32
    %dma_start3A_401 = tpu.memref_slice %arg4[%dma_start3A_392, %add3A_390, %dma_start3A_400] : memref<50x4096x128xf32, #tpu.memory_space<hbm>> -> memref<1x64x128xf32, #tpu.memory_space<hbm>>
    %dma_start3A_402 = tpu.memref_squeeze %dma_start3A_401 : memref<1x64x128xf32, #tpu.memory_space<hbm>> -> memref<64x128xf32, #tpu.memory_space<hbm>>
    %dma_start3A_403 = arith.constant 0 : i32
    %dma_start3A_404 = arith.constant 0 : i32
    %dma_start3A_405 = tpu.memref_slice %arg6[%dma_start3A_391, %dma_start3A_403, %dma_start3A_404] : memref<10x64x128xf32, #tpu.memory_space<vmem>> -> memref<1x64x128xf32, #tpu.memory_space<vmem>>
    %dma_start3A_406 = tpu.memref_squeeze %dma_start3A_405 : memref<1x64x128xf32, #tpu.memory_space<vmem>> -> memref<64x128xf32, #tpu.memory_space<vmem>>
    tpu.enqueue_dma source(%dma_start3A_406 : memref<64x128xf32, #tpu.memory_space<vmem>>) target(%dma_start3A_402 : memref<64x128xf32, #tpu.memory_space<hbm>>) target_semaphore(%arg23 : memref<!tpu.dma_semaphore, #tpu.memory_space<semaphore_mem>>)
    %add3A_407 = arith.constant 0 : i32
    %add3A_408 = arith.addi %mul3A_2, %add3A_407 : i32
    %dma_wait3A_409 = arith.constant 4 : i32
    %dma_wait3A_410 = arith.constant 47 : i32
    %dma_wait3A_411 = arith.constant 0 : i32
    %dma_wait3A_412 = arith.constant 0 : i32
    %dma_wait3A_413 = tpu.memref_slice %arg6[%dma_wait3A_409, %dma_wait3A_411, %dma_wait3A_412] : memref<10x64x128xf32, #tpu.memory_space<vmem>> -> memref<1x64x128xf32, #tpu.memory_space<vmem>>
    %dma_wait3A_414 = tpu.memref_squeeze %dma_wait3A_413 : memref<1x64x128xf32, #tpu.memory_space<vmem>> -> memref<64x128xf32, #tpu.memory_space<vmem>>
    %dma_wait3A_415 = arith.constant 0 : i32
    %dma_wait3A_416 = tpu.memref_slice %arg4[%dma_wait3A_410, %add3A_408, %dma_wait3A_415] : memref<50x4096x128xf32, #tpu.memory_space<hbm>> -> memref<1x64x128xf32, #tpu.memory_space<hbm>>
    %dma_wait3A_417 = tpu.memref_squeeze %dma_wait3A_416 : memref<1x64x128xf32, #tpu.memory_space<hbm>> -> memref<64x128xf32, #tpu.memory_space<hbm>>
    %dma_wait3A_418 = arith.constant 0 : i32
    %dma_wait3A_419 = tpu.memref_slice %arg4[%dma_wait3A_410, %add3A_408, %dma_wait3A_418] : memref<50x4096x128xf32, #tpu.memory_space<hbm>> -> memref<1x64x128xf32, #tpu.memory_space<hbm>>
    %dma_wait3A_420 = tpu.memref_squeeze %dma_wait3A_419 : memref<1x64x128xf32, #tpu.memory_space<hbm>> -> memref<64x128xf32, #tpu.memory_space<hbm>>
    %dma_wait3A_421 = arith.constant 0 : i32
    %dma_wait3A_422 = arith.constant 0 : i32
    %dma_wait3A_423 = tpu.memref_slice %arg6[%dma_wait3A_409, %dma_wait3A_421, %dma_wait3A_422] : memref<10x64x128xf32, #tpu.memory_space<vmem>> -> memref<1x64x128xf32, #tpu.memory_space<vmem>>
    %dma_wait3A_424 = tpu.memref_squeeze %dma_wait3A_423 : memref<1x64x128xf32, #tpu.memory_space<vmem>> -> memref<64x128xf32, #tpu.memory_space<vmem>>
    tpu.wait_dma2 semaphore(%arg21 : memref<!tpu.dma_semaphore, #tpu.memory_space<semaphore_mem>>) src(%dma_wait3A_424 : memref<64x128xf32, #tpu.memory_space<vmem>>) dst(%dma_wait3A_420 : memref<64x128xf32, #tpu.memory_space<hbm>>)
    %dma_wait3A_425 = arith.constant 48 : i32
    %dma_wait3A_426 = arith.constant 7 : i32
    %dma_wait3A_427 = arith.constant 0 : i32
    %dma_wait3A_428 = arith.constant 0 : i32
    %dma_wait3A_429 = tpu.memref_slice %arg6[%dma_wait3A_426, %dma_wait3A_427, %dma_wait3A_428] : memref<10x64x128xf32, #tpu.memory_space<vmem>> -> memref<1x64x128xf32, #tpu.memory_space<vmem>>
    %dma_wait3A_430 = tpu.memref_squeeze %dma_wait3A_429 : memref<1x64x128xf32, #tpu.memory_space<vmem>> -> memref<64x128xf32, #tpu.memory_space<vmem>>
    %dma_wait3A_431 = arith.constant 64 : i32
    %dma_wait3A_432 = tpu.memref_slice %arg5[%dma_wait3A_425, %dma_wait3A_431] : memref<50x128xi32, #tpu.memory_space<vmem>> -> memref<1x64xi32, #tpu.memory_space<vmem>>
    %dma_wait3A_433 = tpu.memref_squeeze %dma_wait3A_432 : memref<1x64xi32, #tpu.memory_space<vmem>> -> memref<64xi32, #tpu.memory_space<vmem>>
    %dma_wait3A_434 = arith.constant 0 : i32
    %dma_wait3A_435 = arith.constant 0 : i32
    %dma_wait3A_436 = tpu.memref_slice %arg3[%dma_wait3A_434, %dma_wait3A_435] : memref<100000x128xf32, #tpu.memory_space<hbm>> -> memref<100000x128xf32, #tpu.memory_space<hbm>>
    tpu.wait_indirect_dma semaphore(%arg14 : memref<!tpu.dma_semaphore, #tpu.memory_space<semaphore_mem>>) src(%dma_wait3A_436 : memref<100000x128xf32, #tpu.memory_space<hbm>>) dst(%dma_wait3A_430 : memref<64x128xf32, #tpu.memory_space<vmem>>)
    %add3A_437 = arith.constant 64 : i32
    %add3A_438 = arith.addi %mul3A_2, %add3A_437 : i32
    %dma_start3A_439 = arith.constant 7 : i32
    %dma_start3A_440 = arith.constant 48 : i32
    %dma_start3A_441 = arith.constant 0 : i32
    %dma_start3A_442 = arith.constant 0 : i32
    %dma_start3A_443 = tpu.memref_slice %arg6[%dma_start3A_439, %dma_start3A_441, %dma_start3A_442] : memref<10x64x128xf32, #tpu.memory_space<vmem>> -> memref<1x64x128xf32, #tpu.memory_space<vmem>>
    %dma_start3A_444 = tpu.memref_squeeze %dma_start3A_443 : memref<1x64x128xf32, #tpu.memory_space<vmem>> -> memref<64x128xf32, #tpu.memory_space<vmem>>
    %dma_start3A_445 = arith.constant 0 : i32
    %dma_start3A_446 = tpu.memref_slice %arg4[%dma_start3A_440, %add3A_438, %dma_start3A_445] : memref<50x4096x128xf32, #tpu.memory_space<hbm>> -> memref<1x64x128xf32, #tpu.memory_space<hbm>>
    %dma_start3A_447 = tpu.memref_squeeze %dma_start3A_446 : memref<1x64x128xf32, #tpu.memory_space<hbm>> -> memref<64x128xf32, #tpu.memory_space<hbm>>
    %dma_start3A_448 = arith.constant 0 : i32
    %dma_start3A_449 = tpu.memref_slice %arg4[%dma_start3A_440, %add3A_438, %dma_start3A_448] : memref<50x4096x128xf32, #tpu.memory_space<hbm>> -> memref<1x64x128xf32, #tpu.memory_space<hbm>>
    %dma_start3A_450 = tpu.memref_squeeze %dma_start3A_449 : memref<1x64x128xf32, #tpu.memory_space<hbm>> -> memref<64x128xf32, #tpu.memory_space<hbm>>
    %dma_start3A_451 = arith.constant 0 : i32
    %dma_start3A_452 = arith.constant 0 : i32
    %dma_start3A_453 = tpu.memref_slice %arg6[%dma_start3A_439, %dma_start3A_451, %dma_start3A_452] : memref<10x64x128xf32, #tpu.memory_space<vmem>> -> memref<1x64x128xf32, #tpu.memory_space<vmem>>
    %dma_start3A_454 = tpu.memref_squeeze %dma_start3A_453 : memref<1x64x128xf32, #tpu.memory_space<vmem>> -> memref<64x128xf32, #tpu.memory_space<vmem>>
    tpu.enqueue_dma source(%dma_start3A_454 : memref<64x128xf32, #tpu.memory_space<vmem>>) target(%dma_start3A_450 : memref<64x128xf32, #tpu.memory_space<hbm>>) target_semaphore(%arg24 : memref<!tpu.dma_semaphore, #tpu.memory_space<semaphore_mem>>)
    %add3A_455 = arith.constant 64 : i32
    %add3A_456 = arith.addi %mul3A_2, %add3A_455 : i32
    %dma_wait3A_457 = arith.constant 5 : i32
    %dma_wait3A_458 = arith.constant 47 : i32
    %dma_wait3A_459 = arith.constant 0 : i32
    %dma_wait3A_460 = arith.constant 0 : i32
    %dma_wait3A_461 = tpu.memref_slice %arg6[%dma_wait3A_457, %dma_wait3A_459, %dma_wait3A_460] : memref<10x64x128xf32, #tpu.memory_space<vmem>> -> memref<1x64x128xf32, #tpu.memory_space<vmem>>
    %dma_wait3A_462 = tpu.memref_squeeze %dma_wait3A_461 : memref<1x64x128xf32, #tpu.memory_space<vmem>> -> memref<64x128xf32, #tpu.memory_space<vmem>>
    %dma_wait3A_463 = arith.constant 0 : i32
    %dma_wait3A_464 = tpu.memref_slice %arg4[%dma_wait3A_458, %add3A_456, %dma_wait3A_463] : memref<50x4096x128xf32, #tpu.memory_space<hbm>> -> memref<1x64x128xf32, #tpu.memory_space<hbm>>
    %dma_wait3A_465 = tpu.memref_squeeze %dma_wait3A_464 : memref<1x64x128xf32, #tpu.memory_space<hbm>> -> memref<64x128xf32, #tpu.memory_space<hbm>>
    %dma_wait3A_466 = arith.constant 0 : i32
    %dma_wait3A_467 = tpu.memref_slice %arg4[%dma_wait3A_458, %add3A_456, %dma_wait3A_466] : memref<50x4096x128xf32, #tpu.memory_space<hbm>> -> memref<1x64x128xf32, #tpu.memory_space<hbm>>
    %dma_wait3A_468 = tpu.memref_squeeze %dma_wait3A_467 : memref<1x64x128xf32, #tpu.memory_space<hbm>> -> memref<64x128xf32, #tpu.memory_space<hbm>>
    %dma_wait3A_469 = arith.constant 0 : i32
    %dma_wait3A_470 = arith.constant 0 : i32
    %dma_wait3A_471 = tpu.memref_slice %arg6[%dma_wait3A_457, %dma_wait3A_469, %dma_wait3A_470] : memref<10x64x128xf32, #tpu.memory_space<vmem>> -> memref<1x64x128xf32, #tpu.memory_space<vmem>>
    %dma_wait3A_472 = tpu.memref_squeeze %dma_wait3A_471 : memref<1x64x128xf32, #tpu.memory_space<vmem>> -> memref<64x128xf32, #tpu.memory_space<vmem>>
    tpu.wait_dma2 semaphore(%arg22 : memref<!tpu.dma_semaphore, #tpu.memory_space<semaphore_mem>>) src(%dma_wait3A_472 : memref<64x128xf32, #tpu.memory_space<vmem>>) dst(%dma_wait3A_468 : memref<64x128xf32, #tpu.memory_space<hbm>>)
    %dma_wait3A_473 = arith.constant 49 : i32
    %dma_wait3A_474 = arith.constant 8 : i32
    %dma_wait3A_475 = arith.constant 0 : i32
    %dma_wait3A_476 = arith.constant 0 : i32
    %dma_wait3A_477 = tpu.memref_slice %arg6[%dma_wait3A_474, %dma_wait3A_475, %dma_wait3A_476] : memref<10x64x128xf32, #tpu.memory_space<vmem>> -> memref<1x64x128xf32, #tpu.memory_space<vmem>>
    %dma_wait3A_478 = tpu.memref_squeeze %dma_wait3A_477 : memref<1x64x128xf32, #tpu.memory_space<vmem>> -> memref<64x128xf32, #tpu.memory_space<vmem>>
    %dma_wait3A_479 = arith.constant 0 : i32
    %dma_wait3A_480 = tpu.memref_slice %arg5[%dma_wait3A_473, %dma_wait3A_479] : memref<50x128xi32, #tpu.memory_space<vmem>> -> memref<1x64xi32, #tpu.memory_space<vmem>>
    %dma_wait3A_481 = tpu.memref_squeeze %dma_wait3A_480 : memref<1x64xi32, #tpu.memory_space<vmem>> -> memref<64xi32, #tpu.memory_space<vmem>>
    %dma_wait3A_482 = arith.constant 0 : i32
    %dma_wait3A_483 = arith.constant 0 : i32
    %dma_wait3A_484 = tpu.memref_slice %arg3[%dma_wait3A_482, %dma_wait3A_483] : memref<100000x128xf32, #tpu.memory_space<hbm>> -> memref<100000x128xf32, #tpu.memory_space<hbm>>
    tpu.wait_indirect_dma semaphore(%arg15 : memref<!tpu.dma_semaphore, #tpu.memory_space<semaphore_mem>>) src(%dma_wait3A_484 : memref<100000x128xf32, #tpu.memory_space<hbm>>) dst(%dma_wait3A_478 : memref<64x128xf32, #tpu.memory_space<vmem>>)
    %add3A_485 = arith.constant 0 : i32
    %add3A_486 = arith.addi %mul3A_2, %add3A_485 : i32
    %dma_start3A_487 = arith.constant 8 : i32
    %dma_start3A_488 = arith.constant 49 : i32
    %dma_start3A_489 = arith.constant 0 : i32
    %dma_start3A_490 = arith.constant 0 : i32
    %dma_start3A_491 = tpu.memref_slice %arg6[%dma_start3A_487, %dma_start3A_489, %dma_start3A_490] : memref<10x64x128xf32, #tpu.memory_space<vmem>> -> memref<1x64x128xf32, #tpu.memory_space<vmem>>
    %dma_start3A_492 = tpu.memref_squeeze %dma_start3A_491 : memref<1x64x128xf32, #tpu.memory_space<vmem>> -> memref<64x128xf32, #tpu.memory_space<vmem>>
    %dma_start3A_493 = arith.constant 0 : i32
    %dma_start3A_494 = tpu.memref_slice %arg4[%dma_start3A_488, %add3A_486, %dma_start3A_493] : memref<50x4096x128xf32, #tpu.memory_space<hbm>> -> memref<1x64x128xf32, #tpu.memory_space<hbm>>
    %dma_start3A_495 = tpu.memref_squeeze %dma_start3A_494 : memref<1x64x128xf32, #tpu.memory_space<hbm>> -> memref<64x128xf32, #tpu.memory_space<hbm>>
    %dma_start3A_496 = arith.constant 0 : i32
    %dma_start3A_497 = tpu.memref_slice %arg4[%dma_start3A_488, %add3A_486, %dma_start3A_496] : memref<50x4096x128xf32, #tpu.memory_space<hbm>> -> memref<1x64x128xf32, #tpu.memory_space<hbm>>
    %dma_start3A_498 = tpu.memref_squeeze %dma_start3A_497 : memref<1x64x128xf32, #tpu.memory_space<hbm>> -> memref<64x128xf32, #tpu.memory_space<hbm>>
    %dma_start3A_499 = arith.constant 0 : i32
    %dma_start3A_500 = arith.constant 0 : i32
    %dma_start3A_501 = tpu.memref_slice %arg6[%dma_start3A_487, %dma_start3A_499, %dma_start3A_500] : memref<10x64x128xf32, #tpu.memory_space<vmem>> -> memref<1x64x128xf32, #tpu.memory_space<vmem>>
    %dma_start3A_502 = tpu.memref_squeeze %dma_start3A_501 : memref<1x64x128xf32, #tpu.memory_space<vmem>> -> memref<64x128xf32, #tpu.memory_space<vmem>>
    tpu.enqueue_dma source(%dma_start3A_502 : memref<64x128xf32, #tpu.memory_space<vmem>>) target(%dma_start3A_498 : memref<64x128xf32, #tpu.memory_space<hbm>>) target_semaphore(%arg25 : memref<!tpu.dma_semaphore, #tpu.memory_space<semaphore_mem>>)
    %add3A_503 = arith.constant 0 : i32
    %add3A_504 = arith.addi %mul3A_2, %add3A_503 : i32
    %dma_wait3A_505 = arith.constant 6 : i32
    %dma_wait3A_506 = arith.constant 48 : i32
    %dma_wait3A_507 = arith.constant 0 : i32
    %dma_wait3A_508 = arith.constant 0 : i32
    %dma_wait3A_509 = tpu.memref_slice %arg6[%dma_wait3A_505, %dma_wait3A_507, %dma_wait3A_508] : memref<10x64x128xf32, #tpu.memory_space<vmem>> -> memref<1x64x128xf32, #tpu.memory_space<vmem>>
    %dma_wait3A_510 = tpu.memref_squeeze %dma_wait3A_509 : memref<1x64x128xf32, #tpu.memory_space<vmem>> -> memref<64x128xf32, #tpu.memory_space<vmem>>
    %dma_wait3A_511 = arith.constant 0 : i32
    %dma_wait3A_512 = tpu.memref_slice %arg4[%dma_wait3A_506, %add3A_504, %dma_wait3A_511] : memref<50x4096x128xf32, #tpu.memory_space<hbm>> -> memref<1x64x128xf32, #tpu.memory_space<hbm>>
    %dma_wait3A_513 = tpu.memref_squeeze %dma_wait3A_512 : memref<1x64x128xf32, #tpu.memory_space<hbm>> -> memref<64x128xf32, #tpu.memory_space<hbm>>
    %dma_wait3A_514 = arith.constant 0 : i32
    %dma_wait3A_515 = tpu.memref_slice %arg4[%dma_wait3A_506, %add3A_504, %dma_wait3A_514] : memref<50x4096x128xf32, #tpu.memory_space<hbm>> -> memref<1x64x128xf32, #tpu.memory_space<hbm>>
    %dma_wait3A_516 = tpu.memref_squeeze %dma_wait3A_515 : memref<1x64x128xf32, #tpu.memory_space<hbm>> -> memref<64x128xf32, #tpu.memory_space<hbm>>
    %dma_wait3A_517 = arith.constant 0 : i32
    %dma_wait3A_518 = arith.constant 0 : i32
    %dma_wait3A_519 = tpu.memref_slice %arg6[%dma_wait3A_505, %dma_wait3A_517, %dma_wait3A_518] : memref<10x64x128xf32, #tpu.memory_space<vmem>> -> memref<1x64x128xf32, #tpu.memory_space<vmem>>
    %dma_wait3A_520 = tpu.memref_squeeze %dma_wait3A_519 : memref<1x64x128xf32, #tpu.memory_space<vmem>> -> memref<64x128xf32, #tpu.memory_space<vmem>>
    tpu.wait_dma2 semaphore(%arg23 : memref<!tpu.dma_semaphore, #tpu.memory_space<semaphore_mem>>) src(%dma_wait3A_520 : memref<64x128xf32, #tpu.memory_space<vmem>>) dst(%dma_wait3A_516 : memref<64x128xf32, #tpu.memory_space<hbm>>)
    %dma_wait3A_521 = arith.constant 49 : i32
    %dma_wait3A_522 = arith.constant 9 : i32
    %dma_wait3A_523 = arith.constant 0 : i32
    %dma_wait3A_524 = arith.constant 0 : i32
    %dma_wait3A_525 = tpu.memref_slice %arg6[%dma_wait3A_522, %dma_wait3A_523, %dma_wait3A_524] : memref<10x64x128xf32, #tpu.memory_space<vmem>> -> memref<1x64x128xf32, #tpu.memory_space<vmem>>
    %dma_wait3A_526 = tpu.memref_squeeze %dma_wait3A_525 : memref<1x64x128xf32, #tpu.memory_space<vmem>> -> memref<64x128xf32, #tpu.memory_space<vmem>>
    %dma_wait3A_527 = arith.constant 64 : i32
    %dma_wait3A_528 = tpu.memref_slice %arg5[%dma_wait3A_521, %dma_wait3A_527] : memref<50x128xi32, #tpu.memory_space<vmem>> -> memref<1x64xi32, #tpu.memory_space<vmem>>
    %dma_wait3A_529 = tpu.memref_squeeze %dma_wait3A_528 : memref<1x64xi32, #tpu.memory_space<vmem>> -> memref<64xi32, #tpu.memory_space<vmem>>
    %dma_wait3A_530 = arith.constant 0 : i32
    %dma_wait3A_531 = arith.constant 0 : i32
    %dma_wait3A_532 = tpu.memref_slice %arg3[%dma_wait3A_530, %dma_wait3A_531] : memref<100000x128xf32, #tpu.memory_space<hbm>> -> memref<100000x128xf32, #tpu.memory_space<hbm>>
    tpu.wait_indirect_dma semaphore(%arg16 : memref<!tpu.dma_semaphore, #tpu.memory_space<semaphore_mem>>) src(%dma_wait3A_532 : memref<100000x128xf32, #tpu.memory_space<hbm>>) dst(%dma_wait3A_526 : memref<64x128xf32, #tpu.memory_space<vmem>>)
    %add3A_533 = arith.constant 64 : i32
    %add3A_534 = arith.addi %mul3A_2, %add3A_533 : i32
    %dma_start3A_535 = arith.constant 9 : i32
    %dma_start3A_536 = arith.constant 49 : i32
    %dma_start3A_537 = arith.constant 0 : i32
    %dma_start3A_538 = arith.constant 0 : i32
    %dma_start3A_539 = tpu.memref_slice %arg6[%dma_start3A_535, %dma_start3A_537, %dma_start3A_538] : memref<10x64x128xf32, #tpu.memory_space<vmem>> -> memref<1x64x128xf32, #tpu.memory_space<vmem>>
    %dma_start3A_540 = tpu.memref_squeeze %dma_start3A_539 : memref<1x64x128xf32, #tpu.memory_space<vmem>> -> memref<64x128xf32, #tpu.memory_space<vmem>>
    %dma_start3A_541 = arith.constant 0 : i32
    %dma_start3A_542 = tpu.memref_slice %arg4[%dma_start3A_536, %add3A_534, %dma_start3A_541] : memref<50x4096x128xf32, #tpu.memory_space<hbm>> -> memref<1x64x128xf32, #tpu.memory_space<hbm>>
    %dma_start3A_543 = tpu.memref_squeeze %dma_start3A_542 : memref<1x64x128xf32, #tpu.memory_space<hbm>> -> memref<64x128xf32, #tpu.memory_space<hbm>>
    %dma_start3A_544 = arith.constant 0 : i32
    %dma_start3A_545 = tpu.memref_slice %arg4[%dma_start3A_536, %add3A_534, %dma_start3A_544] : memref<50x4096x128xf32, #tpu.memory_space<hbm>> -> memref<1x64x128xf32, #tpu.memory_space<hbm>>
    %dma_start3A_546 = tpu.memref_squeeze %dma_start3A_545 : memref<1x64x128xf32, #tpu.memory_space<hbm>> -> memref<64x128xf32, #tpu.memory_space<hbm>>
    %dma_start3A_547 = arith.constant 0 : i32
    %dma_start3A_548 = arith.constant 0 : i32
    %dma_start3A_549 = tpu.memref_slice %arg6[%dma_start3A_535, %dma_start3A_547, %dma_start3A_548] : memref<10x64x128xf32, #tpu.memory_space<vmem>> -> memref<1x64x128xf32, #tpu.memory_space<vmem>>
    %dma_start3A_550 = tpu.memref_squeeze %dma_start3A_549 : memref<1x64x128xf32, #tpu.memory_space<vmem>> -> memref<64x128xf32, #tpu.memory_space<vmem>>
    tpu.enqueue_dma source(%dma_start3A_550 : memref<64x128xf32, #tpu.memory_space<vmem>>) target(%dma_start3A_546 : memref<64x128xf32, #tpu.memory_space<hbm>>) target_semaphore(%arg26 : memref<!tpu.dma_semaphore, #tpu.memory_space<semaphore_mem>>)
    %add3A_551 = arith.constant 64 : i32
    %add3A_552 = arith.addi %mul3A_2, %add3A_551 : i32
    %dma_wait3A_553 = arith.constant 7 : i32
    %dma_wait3A_554 = arith.constant 48 : i32
    %dma_wait3A_555 = arith.constant 0 : i32
    %dma_wait3A_556 = arith.constant 0 : i32
    %dma_wait3A_557 = tpu.memref_slice %arg6[%dma_wait3A_553, %dma_wait3A_555, %dma_wait3A_556] : memref<10x64x128xf32, #tpu.memory_space<vmem>> -> memref<1x64x128xf32, #tpu.memory_space<vmem>>
    %dma_wait3A_558 = tpu.memref_squeeze %dma_wait3A_557 : memref<1x64x128xf32, #tpu.memory_space<vmem>> -> memref<64x128xf32, #tpu.memory_space<vmem>>
    %dma_wait3A_559 = arith.constant 0 : i32
    %dma_wait3A_560 = tpu.memref_slice %arg4[%dma_wait3A_554, %add3A_552, %dma_wait3A_559] : memref<50x4096x128xf32, #tpu.memory_space<hbm>> -> memref<1x64x128xf32, #tpu.memory_space<hbm>>
    %dma_wait3A_561 = tpu.memref_squeeze %dma_wait3A_560 : memref<1x64x128xf32, #tpu.memory_space<hbm>> -> memref<64x128xf32, #tpu.memory_space<hbm>>
    %dma_wait3A_562 = arith.constant 0 : i32
    %dma_wait3A_563 = tpu.memref_slice %arg4[%dma_wait3A_554, %add3A_552, %dma_wait3A_562] : memref<50x4096x128xf32, #tpu.memory_space<hbm>> -> memref<1x64x128xf32, #tpu.memory_space<hbm>>
    %dma_wait3A_564 = tpu.memref_squeeze %dma_wait3A_563 : memref<1x64x128xf32, #tpu.memory_space<hbm>> -> memref<64x128xf32, #tpu.memory_space<hbm>>
    %dma_wait3A_565 = arith.constant 0 : i32
    %dma_wait3A_566 = arith.constant 0 : i32
    %dma_wait3A_567 = tpu.memref_slice %arg6[%dma_wait3A_553, %dma_wait3A_565, %dma_wait3A_566] : memref<10x64x128xf32, #tpu.memory_space<vmem>> -> memref<1x64x128xf32, #tpu.memory_space<vmem>>
    %dma_wait3A_568 = tpu.memref_squeeze %dma_wait3A_567 : memref<1x64x128xf32, #tpu.memory_space<vmem>> -> memref<64x128xf32, #tpu.memory_space<vmem>>
    tpu.wait_dma2 semaphore(%arg24 : memref<!tpu.dma_semaphore, #tpu.memory_space<semaphore_mem>>) src(%dma_wait3A_568 : memref<64x128xf32, #tpu.memory_space<vmem>>) dst(%dma_wait3A_564 : memref<64x128xf32, #tpu.memory_space<hbm>>)
    %add3A_569 = arith.constant 0 : i32
    %add3A_570 = arith.addi %mul3A_2, %add3A_569 : i32
    %dma_wait3A_571 = arith.constant 8 : i32
    %dma_wait3A_572 = arith.constant 49 : i32
    %dma_wait3A_573 = arith.constant 0 : i32
    %dma_wait3A_574 = arith.constant 0 : i32
    %dma_wait3A_575 = tpu.memref_slice %arg6[%dma_wait3A_571, %dma_wait3A_573, %dma_wait3A_574] : memref<10x64x128xf32, #tpu.memory_space<vmem>> -> memref<1x64x128xf32, #tpu.memory_space<vmem>>
    %dma_wait3A_576 = tpu.memref_squeeze %dma_wait3A_575 : memref<1x64x128xf32, #tpu.memory_space<vmem>> -> memref<64x128xf32, #tpu.memory_space<vmem>>
    %dma_wait3A_577 = arith.constant 0 : i32
    %dma_wait3A_578 = tpu.memref_slice %arg4[%dma_wait3A_572, %add3A_570, %dma_wait3A_577] : memref<50x4096x128xf32, #tpu.memory_space<hbm>> -> memref<1x64x128xf32, #tpu.memory_space<hbm>>
    %dma_wait3A_579 = tpu.memref_squeeze %dma_wait3A_578 : memref<1x64x128xf32, #tpu.memory_space<hbm>> -> memref<64x128xf32, #tpu.memory_space<hbm>>
    %dma_wait3A_580 = arith.constant 0 : i32
    %dma_wait3A_581 = tpu.memref_slice %arg4[%dma_wait3A_572, %add3A_570, %dma_wait3A_580] : memref<50x4096x128xf32, #tpu.memory_space<hbm>> -> memref<1x64x128xf32, #tpu.memory_space<hbm>>
    %dma_wait3A_582 = tpu.memref_squeeze %dma_wait3A_581 : memref<1x64x128xf32, #tpu.memory_space<hbm>> -> memref<64x128xf32, #tpu.memory_space<hbm>>
    %dma_wait3A_583 = arith.constant 0 : i32
    %dma_wait3A_584 = arith.constant 0 : i32
    %dma_wait3A_585 = tpu.memref_slice %arg6[%dma_wait3A_571, %dma_wait3A_583, %dma_wait3A_584] : memref<10x64x128xf32, #tpu.memory_space<vmem>> -> memref<1x64x128xf32, #tpu.memory_space<vmem>>
    %dma_wait3A_586 = tpu.memref_squeeze %dma_wait3A_585 : memref<1x64x128xf32, #tpu.memory_space<vmem>> -> memref<64x128xf32, #tpu.memory_space<vmem>>
    tpu.wait_dma2 semaphore(%arg25 : memref<!tpu.dma_semaphore, #tpu.memory_space<semaphore_mem>>) src(%dma_wait3A_586 : memref<64x128xf32, #tpu.memory_space<vmem>>) dst(%dma_wait3A_582 : memref<64x128xf32, #tpu.memory_space<hbm>>)
    %add3A_587 = arith.constant 64 : i32
    %add3A_588 = arith.addi %mul3A_2, %add3A_587 : i32
    %dma_wait3A_589 = arith.constant 9 : i32
    %dma_wait3A_590 = arith.constant 49 : i32
    %dma_wait3A_591 = arith.constant 0 : i32
    %dma_wait3A_592 = arith.constant 0 : i32
    %dma_wait3A_593 = tpu.memref_slice %arg6[%dma_wait3A_589, %dma_wait3A_591, %dma_wait3A_592] : memref<10x64x128xf32, #tpu.memory_space<vmem>> -> memref<1x64x128xf32, #tpu.memory_space<vmem>>
    %dma_wait3A_594 = tpu.memref_squeeze %dma_wait3A_593 : memref<1x64x128xf32, #tpu.memory_space<vmem>> -> memref<64x128xf32, #tpu.memory_space<vmem>>
    %dma_wait3A_595 = arith.constant 0 : i32
    %dma_wait3A_596 = tpu.memref_slice %arg4[%dma_wait3A_590, %add3A_588, %dma_wait3A_595] : memref<50x4096x128xf32, #tpu.memory_space<hbm>> -> memref<1x64x128xf32, #tpu.memory_space<hbm>>
    %dma_wait3A_597 = tpu.memref_squeeze %dma_wait3A_596 : memref<1x64x128xf32, #tpu.memory_space<hbm>> -> memref<64x128xf32, #tpu.memory_space<hbm>>
    %dma_wait3A_598 = arith.constant 0 : i32
    %dma_wait3A_599 = tpu.memref_slice %arg4[%dma_wait3A_590, %add3A_588, %dma_wait3A_598] : memref<50x4096x128xf32, #tpu.memory_space<hbm>> -> memref<1x64x128xf32, #tpu.memory_space<hbm>>
    %dma_wait3A_600 = tpu.memref_squeeze %dma_wait3A_599 : memref<1x64x128xf32, #tpu.memory_space<hbm>> -> memref<64x128xf32, #tpu.memory_space<hbm>>
    %dma_wait3A_601 = arith.constant 0 : i32
    %dma_wait3A_602 = arith.constant 0 : i32
    %dma_wait3A_603 = tpu.memref_slice %arg6[%dma_wait3A_589, %dma_wait3A_601, %dma_wait3A_602] : memref<10x64x128xf32, #tpu.memory_space<vmem>> -> memref<1x64x128xf32, #tpu.memory_space<vmem>>
    %dma_wait3A_604 = tpu.memref_squeeze %dma_wait3A_603 : memref<1x64x128xf32, #tpu.memory_space<vmem>> -> memref<64x128xf32, #tpu.memory_space<vmem>>
    tpu.wait_dma2 semaphore(%arg26 : memref<!tpu.dma_semaphore, #tpu.memory_space<semaphore_mem>>) src(%dma_wait3A_604 : memref<64x128xf32, #tpu.memory_space<vmem>>) dst(%dma_wait3A_600 : memref<64x128xf32, #tpu.memory_space<hbm>>)
    return
  }
}

</mosaic_0001>

<sc_bundles>
// kernel: kernel.3.cloned.1.call-start
scs
__scs_entry_jumppad:
0x0: {  	(pc) =	sbr.rel $0x88, $3  }
0x1: {  	(tag) =	ssettag $0x0;
	lr =	simm.s32 $0x1  }
0x2: {  	[smem:$0x3F9F] =	sst lr;
	_ =	strace $0xD0000000  }
0x3: {  	_ = 	snop  }
0x4: {  	_ = 	snop  }
0x5: {  	_ = 	snop  }
0x6: {  	_ = 	snop  }
0x7: {  	_ = 	snop  }
__scs_overlays_trampoline_lowered:
0x8: {  	[smem:$0x3FAE] =	sst s0  }
0x9: {  	[smem:$0x3FAF] =	sst s1  }
0xa: {  	[smem:$0x3FB0] =	sst s2  }
0xb: {  	[smem:$0x3FB1] =	sst s3  }
0xc: {  	[smem:$0x3FB2] =	sst s4  }
0xd: {  	[smem:$0x3FB3] =	sst s5  }
0xe: {  	[smem:$0x3FB4] =	sst s6  }
0xf: {  	[smem:$0x3FB5] =	sst s7  }
0x10: {  	[smem:$0x3FB6] =	sst s8  }
0x11: {  	[smem:$0x3FB7] =	sst s9;
	s0 =	simm.s32 @!p0 $0x0  }
0x12: {  	s1 =	sld [smem:$0x3F9D];
	s0 =	simm.s32 @p0 $0x1  }
0x13: {  	[smem:$0x3FB8] =	sst s0;
	s0 =	simm.s32 @!p1 $0x0  }
0x14: {  	s2 =	sld [smem:$0x3F9C];
	s0 =	simm.s32 @p1 $0x1  }
0x15: {  	[smem:$0x3FB9] =	sst s0;
	s0 =	simm.s32 @!p2 $0x0  }
0x16: {  	s3 =	sld [smem:$0x3FDB];
	s0 =	simm.s32 @p2 $0x1  }
0x17: {  	s4 =	simm.s32 $0x1BF5;
	[smem:$0x3FBB] =	sst s0  }
0x18: {  	s0 =	sld [smem:$0x3F9E];
	_ =	swait.ge [sflag:s4], $0x0  }
0x19: {  	s7 =	sld [smem:$0x3F9F]  }
0x1a: {  	s8 =	sadd.s32 $0xFFFFE003, lr  }
0x1b: {  	s9 =	sadd.s32 $0xFFFFFEF7, lr;
	s5 =	simm.s32 $0xFFFFFFFF;
	p2 =	slt.u32 s8, $0xFFFFF086  }
0x1c: {  	p1 =	slt.u32 s9, $0xF7A;
	s5 =	simm.s32 @!p2 $0x0  }
0x1d: {  	s5 =	simm.s32 @p1 $0x1;
	p0 =	seq.s32 s7, s2  }
0x1e: {  	s7 =	smul.u32 @!p0 $0xF7A, s2;
	p2 =	seq.s32 @!p0 s5, $0x0  }
0x1f: {  	s9 =	smul.u32 $0xF7A, s1;
	s8 =	simm.s32 @!p0 $0x1BF5;
	p2 =	por !p2, p0  }
0x20: {  	[sflag:s8] =	ssyncset.s32 @!p0 $0xFFFFF086;
	s6 =	sadd.s32 @!p0 s3, s7;
	s7 =	simm.s32 @!p0 $0x108  }
0x21: {  	s3 =	sadd.s32 s3, s9;
	s6 =	sadd.s32 @!p0 $0x88, s6;
	s7 =	simm.s32 @p2 $0x1082  }
0x22: {  	[simem:s7], [sflag:s8] =	dma.local @!p0 [hbm:s6], $0xF7A  }
0x23: {  	s9 =	sor.u32 $0xD0000000, s2;
	s6 =	simm.s32 $0x108;
	_ =	swait.ge @!p0 [sflag:s8], $0x0  }
0x24: {  	s3 =	sadd.s32 $0x88, s3;
	s6 =	simm.s32 @!p1 $0x1082;
	[sflag:s4] =	ssyncset.s32 $0xFFFFF086  }
0x25: {  	[simem:s6], [sflag:s4] =	dma.local [hbm:s3], $0xF7A  }
0x26: {  	[smem:$0x3F9F] =	sst s1;
	(tag) =	ssettag s2;
	_ =	strace s9  }
0x27: {  	s1 =	sld [smem:$0x3FAF]  }
0x28: {  	s2 =	sld [smem:$0x3FB0]  }
0x29: {  	s4 =	sld [smem:$0x3FB2]  }
0x2a: {  	p0 =	seq.s32 s5, $0x0;
	s5 =	sld [smem:$0x3FB3]  }
0x2b: {  	s6 =	sld [smem:$0x3FB4]  }
0x2c: {  	s7 =	sld [smem:$0x3FB5]  }
0x2d: {  	s3 =	simm.s32 $0x108;
	s8 =	sld [smem:$0x3FB6]  }
0x2e: {  	s3 =	simm.s32 @!p0 $0x1082;
	s9 =	sld [smem:$0x3FB7]  }
0x2f: {  	lr =	sadd.s32 s0, s3;
	s0 =	sld [smem:$0x3FAE]  }
0x30: {  	s3 =	sld [smem:$0x3FB1]  }
0x31: {  	[smem:$0x3FBA] =	sst s10  }
0x32: {  	s10 =	sld [smem:$0x3FB8];
	_ =	sdelay $0x3  }
0x33: {  	p0 =	seq.s32 s10, $0x1;
	s10 =	sld [smem:$0x3FBA];
	_ =	sdelay $0x3  }
0x34: {  	[smem:$0x3FBA] =	sst s10  }
0x35: {  	s10 =	sld [smem:$0x3FB9];
	_ =	sdelay $0x3  }
0x36: {  	p1 =	seq.s32 s10, $0x1;
	s10 =	sld [smem:$0x3FBA];
	_ =	sdelay $0x3  }
0x37: {  	[smem:$0x3FBA] =	sst s10  }
0x38: {  	s10 =	sld [smem:$0x3FBB]  }
0x39: {  	_ = 	snop;
	(pc) =	sbr.ind lr, $3  }
0x3a: {  	_ = 	snop  }
0x3b: {  	_ = 	snop  }
0x3c: {  	p2 =	seq.s32 s10, $0x1;
	s10 =	sld [smem:$0x3FBA]  }
0x3d: {  	_ =	shalt  }
0x3e: {  	_ =	shalt  }
0x3f: {  	_ =	shalt  }
0x40: {  	_ =	shalt  }
0x41: {  	_ =	shalt  }
0x42: {  	_ =	shalt  }
0x43: {  	_ =	shalt  }
0x44: {  	_ =	shalt  }
0x45: {  	_ =	shalt  }
0x46: {  	_ =	shalt  }
0x47: {  	_ =	shalt  }
0x48: {  	_ =	shalt  }
0x49: {  	_ =	shalt  }
0x4a: {  	_ =	shalt  }
0x4b: {  	_ =	shalt  }
0x4c: {  	_ =	shalt  }
0x4d: {  	_ =	shalt  }
0x4e: {  	_ =	shalt  }
0x4f: {  	_ =	shalt  }
0x50: {  	_ =	shalt  }
0x51: {  	_ =	shalt  }
0x52: {  	_ =	shalt  }
0x53: {  	_ =	shalt  }
0x54: {  	_ =	shalt  }
0x55: {  	_ =	shalt  }
0x56: {  	_ =	shalt  }
0x57: {  	_ =	shalt  }
0x58: {  	_ =	shalt  }
0x59: {  	_ =	shalt  }
0x5a: {  	_ =	shalt  }
0x5b: {  	_ =	shalt  }
0x5c: {  	_ =	shalt  }
0x5d: {  	_ =	shalt  }
0x5e: {  	_ =	shalt  }
0x5f: {  	_ =	shalt  }
0x60: {  	_ =	shalt  }
0x61: {  	_ =	shalt  }
0x62: {  	_ =	shalt  }
0x63: {  	_ =	shalt  }
0x64: {  	_ =	shalt  }
0x65: {  	_ =	shalt  }
0x66: {  	_ =	shalt  }
0x67: {  	_ =	shalt  }
0x68: {  	_ =	shalt  }
0x69: {  	_ =	shalt  }
0x6a: {  	_ =	shalt  }
0x6b: {  	_ =	shalt  }
0x6c: {  	_ =	shalt  }
0x6d: {  	_ =	shalt  }
0x6e: {  	_ =	shalt  }
0x6f: {  	_ =	shalt  }
0x70: {  	_ =	shalt  }
0x71: {  	_ =	shalt  }
0x72: {  	_ =	shalt  }
0x73: {  	_ =	shalt  }
0x74: {  	_ =	shalt  }
0x75: {  	_ =	shalt  }
0x76: {  	_ =	shalt  }
0x77: {  	_ =	shalt  }
0x78: {  	_ =	shalt  }
0x79: {  	_ =	shalt  }
0x7a: {  	_ =	shalt  }
0x7b: {  	_ =	shalt  }
0x7c: {  	_ =	shalt  }
0x7d: {  	_ =	shalt  }
0x7e: {  	_ =	shalt  }
0x7f: {  	_ =	shalt  }
0x80: {  	_ =	shalt  }
0x81: {  	_ =	shalt  }
0x82: {  	_ =	shalt  }
0x83: {  	_ =	shalt  }
0x84: {  	_ =	shalt  }
0x85: {  	_ =	shalt  }
0x86: {  	_ =	shalt  }
0x87: {  	_ =	shalt  }
.Lfunc_end0:
.L_simem_size_0:
called_computation_lowered:
.L_overlay_start_0:
0x88: {  	s2 =	sld [smem:$0x3FD9]  }
0x89: {  	s3 =	sld [smem:$0x3FFE];
	_ =	sdelay $0x1  }
0x8a: {  	s1 =	srdreg.scid  }
0x8b: {  	s0 =	sand.u32 $0x1, s1  }
0x8c: {  	s17 =	sshll.u32 s0, $0xA;
	s2 =	sadd.s32 s3, s2  }
0x8d: {  	s2 =	sadd.s32 s2, s17  }
0x8e: {  	[smem:$0x3FC6] =	sst s2  }
0x8f: {  	_ = 	snop  }
0x90: {  	s2 =	sld [smem:$0x3FC8]  }
0x91: {  	s18 =	sld [smem:$0x3FD0];
	(tm) =	ssettm $0x1  }
0x92: {  	s4 =	sld [smem:$0x3FFB];
	_ =	sdelay $0x3  }
0x93: {  	_ =	strace s4  }
0x94: {  	s4 =	sld [smem:$0x3FFC];
	_ =	sdelay $0x3  }
0x95: {  	_ =	strace s4  }
0x96: {  	s4 =	sld [smem:$0x3FFD];
	_ =	sdelay $0x3  }
0x97: {  	_ =	strace s4  }
0x98: {  	_ =	strace $0x8FFFFFFF  }
0x99: {  	s19 =	sld [smem:$0x3FDB];
	_ =	sdelay $0x1  }
0x9a: {  	s5 =	simm.s32 $_scs_section_size  }
0x9b: {  	s6 =	simm.s32 $_size__tile_overlayer_lowered;
	s7 =	simm.s32 $_tile_overlayer_lowered  }
0x9c: {  	s22 =	simm.s32 $0x1BFF;
	s21 =	sshll.u32 s7, $0x1;
	s4 =	sadd.s32 s5, s19  }
0x9d: {  	s8 =	simm.s32 $0x0;
	s20 =	sshll.u32 s6, $0x1;
	s6 =	sadd.s32 s21, s4  }
0x9e: {  	[timem:s8], [sflag:s22] =	dma.local [hbm:s6], s20  }
0x9f: {  	_ =	swait.ge [sflag:s22], s20  }
0xa0: {  	s5 =	ssub.s32 $0x0, s20;
	[sflag:s22] =	ssyncset.done $0x0  }
0xa1: {  	[sflag:s22] =	ssyncadd.s32 s5;
	_ =	sdelay $0x1  }
0xa2: {  	s23 =	simm.s32 $0x1B8B  }
0xa3: {  	_ =	swait.ge [sflag:s23], $0x1  }
0xa4: {  	[sflag:s23] =	ssyncset.done $0x0  }
0xa5: {  	s25 =	simm.s32 $0x1B8E;
	s24 =	sld [smem:$0x3FFE];
	[sflag:s23] =	ssyncadd.s32 $0xFFFFFFFF  }
0xa6: {  	s26 =	simm.s32 $execute0_lowered;
	[smem:$0x3FD2] =	sst s25  }
0xa7: {  	s6 =	sshll.u32 s26, $0x1;
	_ =	strace $0x80000046;
	[dreg:$0x1] =	wrdreg $0xFFFFFFFF  }
0xa8: {  	s28 =	simm.s32 $_size_execute0_lowered;
	s4 =	sadd.s32 s4, s6;
	[dreg:$0x0] =	wrdreg $0x0  }
0xa9: {  	s6 =	sshll.u32 s28, $0x1;
	[dreg:$0x2] =	wrdreg s4  }
0xaa: {  	[dreg:$0x3] =	wrdreg s6  }
0xab: {  	[dreg:$0x4] =	wrdreg $0xC0  }
0xac: {  	_ =	task [dreg:s8], $0x5FFFF  }
0xad: {  	[dreg:$0x1] =	wrdreg $0xFFFFFFFF  }
0xae: {  	[dreg:$0x0] =	wrdreg $0x60  }
0xaf: {  	[dreg:$0x2] =	wrdreg s24  }
0xb0: {  	[dreg:$0x3] =	wrdreg s2  }
0xb1: {  	[dreg:$0x4] =	wrdreg s18  }
0xb2: {  	[dreg:$0x5] =	wrdreg $0x9  }
0xb3: {  	_ =	task.clear_ibuf [dreg:s8], $0x6FFFF;
	_ =	strace $0x90000046  }
0xb4: {  	s29 =	simm.s32 $0x9;
	_ =	strace $0x80000048  }
0xb5: {  	_ =	swait.ge [sflag:s29], $0x1  }
0xb6: {  	[sflag:s29] =	ssyncadd.s32 $0xFFFFFFFF  }
0xb7: {  	_ =	strace $0x90000048  }
0xb8: {  	_ =	sfence  }
0xb9: {  	s30 =	sld [smem:$0x0];
	_ =	sdelay $0x2  }
0xba: {  	s31 =	sshll.u32 s1, $0xD;
	s1 =	sshrl.u32 s1, $0x2  }
0xbb: {  	s3 =	sand.u32 $0x4000, s31;
	s1 =	sadd.s32 s1, s30  }
0xbc: {  	s0 =	sor.u32 s3, s0;
	s1 =	sshll.u32 s1, $0x11  }
0xbd: {  	s0 =	sor.u32 s1, s0  }
0xbe: {  	s0 =	sadd.s32 $0x8F2B, s0  }
0xbf: {  	[sflag:s0] =	ssyncadd.remote.s32 $0x1  }
0xc0: {  	_ =	sfence.sel $0xFFFF  }
0xc1: {  	[dreg:$0x0] =	wrdreg $0xFFFFFFFF;
	(pc) =	sbr.abs _section_cstart, $3  }
0xc2: {  	[dreg:$0x1] =	wrdreg $0xFFFFFFFF  }
0xc3: {  	_ =	task.clear_ibuf [dreg:s8], $0x2FFFF;
	_ =	strace $0x9FFFFFFF  }
0xc4: {  	(tm) =	ssettm $0x7FFFFFFF  }
0xc5: {  	_ =	shalt  }
tec
execute0_lowered:
.L_overlay_start_1:
0x0: {  	(tag) =	ssettag $0x1  }
0x1: {  	s0 =	rddreg [dreg:$0x0]  }
0x2: {  	s2 =	rddreg [dreg:$0x1];
	s1 =	srdreg.scid  }
0x3: {  	s8 =	stileid.u32;
	s4 =	rddreg [dreg:$0x2];
	s3 =	simm.s32 $0x0  }
0x4: {  	s1 =	sand.u32 $0x1, s1;
	s5 =	sshll.u32 s8, $0x1;
	[smem:$0x7FF] =	sst s3  }
0x5: {  	s12 =	sshll.u32 s8, $0xC;
	s5 =	sor.u32 s1, s5;
	s7 =	ssub.s32 $0x2, s1  }
0x6: {  	s10 =	sshll.u32 s1, $0xE;
	s13 =	sadd.s32 s12, s4;
	s1 =	sshll.u32 s1, $0xB  }
0x7: {  	s6 =	smul.u32 $0x380, s5;
	s5 =	sshll.u32 s5, $0xB;
	s1 =	sadd.s32 s1, s13  }
0x8: {  	_ =	strace $0x80000047;
	s9 =	sadd.s32 s4, s5;
	[dreg:$0x4] =	wrdreg s1  }
0x9: {  	s30 =	simm.s32 $0x1C00;
	s23 =	sadd.s32 $0x400, s9;
	[dreg:$0xd] =	wrdreg s9  }
0xa: {  	s12 =	simm.s32 $0x8;
	s24 =	sadd.s32 $0x10000, s9;
	[dreg:$0xe] =	wrdreg s23  }
0xb: {  	s22 =	sshrl.u32 s7, $0x1;
	s25 =	sadd.s32 $0x2E0400, s9;
	[dreg:$0xf] =	wrdreg s24  }
0xc: {  	s13 =	simm.s32 $0x10;
	s26 =	sadd.s32 $0x2F0000, s9;
	[dreg:$0x10] =	wrdreg s25  }
0xd: {  	s5 =	sshll.u32 s8, $0xF;
	s28 =	sadd.s32 $0x2F0400, s9;
	[dreg:$0x11] =	wrdreg s26  }
0xe: {  	s8 =	simm.s32 $0x3;
	s29 =	sadd.s32 $0x300000, s9;
	[dreg:$0x12] =	wrdreg s28  }
0xf: {  	s0 =	sadd.s32 s6, s0;
	s31 =	sadd.s32 $0x300400, s9;
	[dreg:$0x13] =	wrdreg s29  }
0x10: {  	s6 =	ssub.s32 s7, s22;
	s11 =	sadd.s32 $0x310000, s9;
	[dreg:$0x14] =	wrdreg s31  }
0x11: {  	s15 =	sadd.s32 $0x310400, s9;
	s7 =	simm.s32 $0x2;
	[dreg:$0x15] =	wrdreg s11  }
0x12: {  	s9 =	simm.s32 $0x3;
	s0 =	sadd.s32 $0x400, s0;
	[dreg:$0x16] =	wrdreg s15  }
0x13: {  	s31 =	smax.u32 s6, $0x1;
	s6 =	simm.s32 $0x1;
	s11 =	simm.s32 $0xF  }
0x14: {  	s15 =	simm.s32 $0x11;
	[dreg:$0xc] =	wrdreg s0;
	s0 =	sor.u32 s10, s5  }
0x15: {  	[dreg:$0x17] =	wrdreg s31;
	s10 =	simm.s32 $0x7;
	s14 =	sor.u32 $0x82000, s0  }
0x16: {  	s18 =	sor.u32 $0x202000, s0;
	s20 =	sor.u32 $0x200000, s0;
	s21 =	sor.u32 $0x182000, s0  }
0x17: {  	s25 =	sor.u32 $0x180000, s0;
	s28 =	sor.u32 $0x102000, s0;
	s0 =	sor.u32 $0x100000, s0  }
0x18: {  	s16 =	sshrl.u32 s14, $0x3;
	s19 =	sshrl.u32 s18, $0x3;
	s5 =	sshrl.u32 s20, $0x3  }
0x19: {  	s23 =	sshrl.u32 s21, $0x3;
	s26 =	sshrl.u32 s25, $0x3;
	s0 =	sshrl.u32 s0, $0x3  }
0x1a: {  	s25 =	simm.s32 $0x1C00;
	s14 =	simm.s32 $0x9;
	s17 =	sadd.s32 s16, s4  }
0x1b: {  	s18 =	simm.s32 $0x13;
	s1 =	sadd.s32 s19, s4;
	[dreg:$0x5] =	wrdreg s17  }
0x1c: {  	s22 =	sadd.s32 s5, s4;
	s24 =	sadd.s32 s23, s4;
	[dreg:$0x6] =	wrdreg s1  }
0x1d: {  	s5 =	sshrl.u32 s28, $0x3;
	s0 =	sadd.s32 s0, s4;
	[dreg:$0x7] =	wrdreg s22  }
0x1e: {  	s16 =	simm.s32 $0x12;
	s19 =	simm.s32 $0x14;
	[dreg:$0x8] =	wrdreg s24  }
0x1f: {  	s1 =	sadd.s32 s26, s4;
	s29 =	sadd.s32 s5, s4;
	[dreg:$0xb] =	wrdreg s0  }
0x20: {  	s17 =	simm.s32 $0x40;
	s5 =	simm.s32 $0xA;
	[dreg:$0x9] =	wrdreg s1  }
0x21: {  	s0 =	simm.s32 $0x0;
	[dreg:$0xa] =	wrdreg s29;
	s1 =	simm.s32 $0x3C00  }
.LBB2_1:
0x22: {  	[dreg:$0x18] =	wrdreg s0  }
0x23: {  	s21 =	rddreg [dreg:$0xc];
	s24 =	simm.s32 $0x15  }
0x24: {  	[tilespmem:s3], [sflag:$0x15] =	stream.linear.gather [hbm4b:s21+s3], $0x1900, $0x38;
	[tilespmem:$0x15C00] =	vst v63  }
0x25: {  	_ =	swait.ge [sflag:s24], $0x1900  }
0x26: {  	[sflag:s24] =	ssyncset.done $0x0  }
0x27: {  	[sflag:s24] =	ssyncadd.s32 $0xFFFFE700  }
0x28: {  	[tilespmem:s25], [sflag:$0x1] =	stream.indirect.gather [hbm4b:s2+s17], $0x80, s3, s17, $0xb8;
	[tilespmem:$0x15C00] =	vst v63  }
0x29: {  	_ = 	snop  }
0x2a: {  	[tilespmem:s1], [sflag:$0x2] =	stream.indirect.gather [hbm4b:s2+s17], $0x80, s17, s17, $0xb8;
	[tilespmem:$0x15C00] =	vst v63  }
0x2b: {  	s26 =	simm.s32 $0x80;
	s20 =	simm.s32 $0x5C00  }
0x2c: {  	[tilespmem:s20], [sflag:$0x3] =	stream.indirect.gather [hbm4b:s2+s17], $0x80, s26, s17, $0xb8;
	[tilespmem:$0x15C00] =	vst v63  }
0x2d: {  	s28 =	simm.s32 $0xC0;
	s23 =	simm.s32 $0x7C00  }
0x2e: {  	[tilespmem:s23], [sflag:$0x4] =	stream.indirect.gather [hbm4b:s2+s17], $0x80, s28, s17, $0xb8;
	[tilespmem:$0x15C00] =	vst v63  }
0x2f: {  	s29 =	simm.s32 $0x100;
	s24 =	simm.s32 $0x9C00  }
0x30: {  	[tilespmem:s24], [sflag:$0x5] =	stream.indirect.gather [hbm4b:s2+s17], $0x80, s29, s17, $0xb8;
	[tilespmem:$0x15C00] =	vst v63  }
0x31: {  	s31 =	simm.s32 $0x140;
	s26 =	simm.s32 $0xBC00  }
0x32: {  	[tilespmem:s26], [sflag:$0x6] =	stream.indirect.gather [hbm4b:s2+s17], $0x80, s31, s17, $0xb8;
	[tilespmem:$0x15C00] =	vst v63  }
0x33: {  	s0 =	simm.s32 $0x180;
	s28 =	simm.s32 $0xDC00  }
0x34: {  	[tilespmem:s28], [sflag:$0x7] =	stream.indirect.gather [hbm4b:s2+s17], $0x80, s0, s17, $0xb8;
	[tilespmem:$0x15C00] =	vst v63  }
0x35: {  	s4 =	simm.s32 $0x1C0;
	s29 =	simm.s32 $0xFC00  }
0x36: {  	[tilespmem:s29], [sflag:$0x8] =	stream.indirect.gather [hbm4b:s2+s17], $0x80, s4, s17, $0xb8;
	[tilespmem:$0x15C00] =	vst v63  }
0x37: {  	s22 =	simm.s32 $0x11C00;
	s21 =	simm.s32 $0x200  }
0x38: {  	[tilespmem:s22], [sflag:$0x9] =	stream.indirect.gather [hbm4b:s2+s17], $0x80, s21, s17, $0xb8;
	[tilespmem:$0x15C00] =	vst v63  }
0x39: {  	s31 =	simm.s32 $0x240;
	s4 =	simm.s32 $0x13C00  }
0x3a: {  	[tilespmem:s4], [sflag:$0xA] =	stream.indirect.gather [hbm4b:s2+s17], $0x80, s31, s17, $0xb8;
	[tilespmem:$0x15C00] =	vst v63  }
0x3b: {  	_ =	swait.ge [sflag:s6], $0x2000  }
0x3c: {  	[sflag:s6] =	ssyncset.done $0x0  }
0x3d: {  	s0 =	rddreg [dreg:$0xd];
	[sflag:s6] =	ssyncadd.s32 $0xFFFFE000  }
0x3e: {  	[hbm4b:s0+s3] =	stream.linear.scatter [tilespmem:s25], [sflag:$0xB], $0x2000, $0x38;
	[tilespmem:$0x15C00] =	vst v63  }
0x3f: {  	_ =	swait.ge [sflag:s7], $0x2000  }
0x40: {  	[sflag:s7] =	ssyncset.done $0x0  }
0x41: {  	s31 =	rddreg [dreg:$0xe];
	[sflag:s7] =	ssyncadd.s32 $0xFFFFE000  }
0x42: {  	[hbm4b:s31+s3] =	stream.linear.scatter [tilespmem:s1], [sflag:$0xC], $0x2000, $0x38;
	[tilespmem:$0x15C00] =	vst v63  }
0x43: {  	_ =	swait.ge [sflag:s8], $0x2000  }
0x44: {  	[sflag:s8] =	ssyncset.done $0x0  }
0x45: {  	s21 =	simm.s32 $0xB;
	s0 =	rddreg [dreg:$0xf];
	[sflag:s8] =	ssyncadd.s32 $0xFFFFE000  }
0x46: {  	[hbm4b:s0+s3] =	stream.linear.scatter [tilespmem:s20], [sflag:$0xD], $0x2000, $0x38;
	[tilespmem:$0x15C00] =	vst v63  }
0x47: {  	_ =	swait.ge [sflag:s21], $0x2000  }
0x48: {  	[sflag:s21] =	ssyncset.done $0x0  }
0x49: {  	s31 =	simm.s32 $0x280;
	[sflag:s21] =	ssyncadd.s32 $0xFFFFE000;
	s21 =	simm.s32 $0x4  }
0x4a: {  	[tilespmem:s25], [sflag:$0x1] =	stream.indirect.gather [hbm4b:s2+s17], $0x80, s31, s17, $0xb8;
	[tilespmem:$0x15C00] =	vst v63  }
0x4b: {  	_ =	swait.ge [sflag:s21], $0x2000  }
0x4c: {  	s31 =	rddreg [dreg:$0x5];
	[sflag:s21] =	ssyncset.done $0x0  }
0x4d: {  	[sflag:s21] =	ssyncadd.s32 $0xFFFFE000;
	s21 =	sadd.s32 $0x0, s31;
	s31 =	simm.s32 $0xC  }
0x4e: {  	[hbm4b:s21+s3] =	stream.linear.scatter [tilespmem:s23], [sflag:$0xE], $0x2000, $0x38;
	[tilespmem:$0x15C00] =	vst v63  }
0x4f: {  	_ =	swait.ge [sflag:s31], $0x2000  }
0x50: {  	[sflag:s31] =	ssyncset.done $0x0  }
0x51: {  	s0 =	simm.s32 $0x2C0;
	s21 =	simm.s32 $0x5;
	[sflag:s31] =	ssyncadd.s32 $0xFFFFE000  }
0x52: {  	[tilespmem:s1], [sflag:$0x2] =	stream.indirect.gather [hbm4b:s2+s17], $0x80, s0, s17, $0xb8;
	[tilespmem:$0x15C00] =	vst v63  }
0x53: {  	_ =	swait.ge [sflag:s21], $0x2000  }
0x54: {  	s31 =	rddreg [dreg:$0xb];
	[sflag:s21] =	ssyncset.done $0x0  }
0x55: {  	[sflag:s21] =	ssyncadd.s32 $0xFFFFE000;
	s21 =	sadd.s32 $0x0, s31;
	s31 =	simm.s32 $0xD  }
0x56: {  	[hbm4b:s21+s3] =	stream.linear.scatter [tilespmem:s24], [sflag:$0xF], $0x2000, $0x38;
	[tilespmem:$0x15C00] =	vst v63  }
0x57: {  	_ =	swait.ge [sflag:s31], $0x2000  }
0x58: {  	[sflag:s31] =	ssyncset.done $0x0  }
0x59: {  	s0 =	simm.s32 $0x300;
	[sflag:s31] =	ssyncadd.s32 $0xFFFFE000;
	s31 =	simm.s32 $0x6  }
0x5a: {  	[tilespmem:s20], [sflag:$0x3] =	stream.indirect.gather [hbm4b:s2+s17], $0x80, s0, s17, $0xb8;
	[tilespmem:$0x15C00] =	vst v63  }
0x5b: {  	_ =	swait.ge [sflag:s31], $0x2000  }
0x5c: {  	s20 =	rddreg [dreg:$0xa];
	[sflag:s31] =	ssyncset.done $0x0  }
0x5d: {  	[sflag:s31] =	ssyncadd.s32 $0xFFFFE000;
	s21 =	sadd.s32 $0x0, s20  }
0x5e: {  	[hbm4b:s21+s3] =	stream.linear.scatter [tilespmem:s26], [sflag:$0x10], $0x2000, $0x38;
	[tilespmem:$0x15C00] =	vst v63  }
0x5f: {  	s21 =	simm.s32 $0xE  }
0x60: {  	_ =	swait.ge [sflag:s21], $0x2000  }
0x61: {  	[sflag:s21] =	ssyncset.done $0x0  }
0x62: {  	s31 =	simm.s32 $0x340;
	[sflag:s21] =	ssyncadd.s32 $0xFFFFE000  }
0x63: {  	[tilespmem:s23], [sflag:$0x4] =	stream.indirect.gather [hbm4b:s2+s17], $0x80, s31, s17, $0xb8;
	[tilespmem:$0x15C00] =	vst v63  }
0x64: {  	_ =	swait.ge [sflag:s10], $0x2000  }
0x65: {  	s0 =	rddreg [dreg:$0x9];
	[sflag:s10] =	ssyncset.done $0x0  }
0x66: {  	[sflag:s10] =	ssyncadd.s32 $0xFFFFE000;
	s21 =	sadd.s32 $0x0, s0  }
0x67: {  	[hbm4b:s21+s3] =	stream.linear.scatter [tilespmem:s28], [sflag:$0x11], $0x2000, $0x38;
	[tilespmem:$0x15C00] =	vst v63  }
0x68: {  	_ =	swait.ge [sflag:s11], $0x2000  }
0x69: {  	[sflag:s11] =	ssyncset.done $0x0  }
0x6a: {  	s20 =	simm.s32 $0x380;
	[sflag:s11] =	ssyncadd.s32 $0xFFFFE000  }
0x6b: {  	[tilespmem:s24], [sflag:$0x5] =	stream.indirect.gather [hbm4b:s2+s17], $0x80, s20, s17, $0xb8;
	[tilespmem:$0x15C00] =	vst v63  }
0x6c: {  	_ =	swait.ge [sflag:s12], $0x2000  }
0x6d: {  	s23 =	rddreg [dreg:$0x8];
	[sflag:s12] =	ssyncset.done $0x0  }
0x6e: {  	[sflag:s12] =	ssyncadd.s32 $0xFFFFE000;
	s21 =	sadd.s32 $0x0, s23  }
0x6f: {  	[hbm4b:s21+s3] =	stream.linear.scatter [tilespmem:s29], [sflag:$0x12], $0x2000, $0x38;
	[tilespmem:$0x15C00] =	vst v63  }
0x70: {  	_ =	swait.ge [sflag:s13], $0x2000  }
0x71: {  	[sflag:s13] =	ssyncset.done $0x0  }
0x72: {  	s24 =	simm.s32 $0x3C0;
	[sflag:s13] =	ssyncadd.s32 $0xFFFFE000  }
0x73: {  	[tilespmem:s26], [sflag:$0x6] =	stream.indirect.gather [hbm4b:s2+s17], $0x80, s24, s17, $0xb8;
	[tilespmem:$0x15C00] =	vst v63  }
0x74: {  	_ =	swait.ge [sflag:s14], $0x2000  }
0x75: {  	s31 =	rddreg [dreg:$0x7];
	[sflag:s14] =	ssyncset.done $0x0  }
0x76: {  	[sflag:s14] =	ssyncadd.s32 $0xFFFFE000;
	s21 =	sadd.s32 $0x0, s31  }
0x77: {  	[hbm4b:s21+s3] =	stream.linear.scatter [tilespmem:s22], [sflag:$0x13], $0x2000, $0x38;
	[tilespmem:$0x15C00] =	vst v63  }
0x78: {  	_ =	swait.ge [sflag:s15], $0x2000  }
0x79: {  	[sflag:s15] =	ssyncset.done $0x0  }
0x7a: {  	s0 =	simm.s32 $0x400;
	[sflag:s15] =	ssyncadd.s32 $0xFFFFE000  }
0x7b: {  	[tilespmem:s28], [sflag:$0x7] =	stream.indirect.gather [hbm4b:s2+s17], $0x80, s0, s17, $0xb8;
	[tilespmem:$0x15C00] =	vst v63  }
0x7c: {  	_ =	swait.ge [sflag:s5], $0x2000  }
0x7d: {  	s20 =	rddreg [dreg:$0x6];
	[sflag:s5] =	ssyncset.done $0x0  }
0x7e: {  	[sflag:s5] =	ssyncadd.s32 $0xFFFFE000;
	s21 =	sadd.s32 $0x0, s20  }
0x7f: {  	[hbm4b:s21+s3] =	stream.linear.scatter [tilespmem:s4], [sflag:$0x14], $0x2000, $0x38;
	[tilespmem:$0x15C00] =	vst v63  }
0x80: {  	_ =	swait.ge [sflag:s16], $0x2000  }
0x81: {  	[sflag:s16] =	ssyncset.done $0x0  }
0x82: {  	s23 =	simm.s32 $0x440;
	[sflag:s16] =	ssyncadd.s32 $0xFFFFE000  }
0x83: {  	[tilespmem:s29], [sflag:$0x8] =	stream.indirect.gather [hbm4b:s2+s17], $0x80, s23, s17, $0xb8;
	[tilespmem:$0x15C00] =	vst v63  }
0x84: {  	_ =	swait.ge [sflag:s6], $0x2000  }
0x85: {  	s24 =	rddreg [dreg:$0x4]  }
0x86: {  	[sflag:s6] =	ssyncset.done $0x0;
	s26 =	sadd.s32 $0x0, s24  }
0x87: {  	[sflag:s6] =	ssyncadd.s32 $0xFFFFE000;
	s21 =	sadd.s32 $0x50000, s26  }
0x88: {  	[hbm4b:s21+s3] =	stream.linear.scatter [tilespmem:s25], [sflag:$0xB], $0x2000, $0x38;
	[tilespmem:$0x15C00] =	vst v63  }
0x89: {  	_ =	swait.ge [sflag:s18], $0x2000  }
0x8a: {  	[sflag:s18] =	ssyncset.done $0x0  }
0x8b: {  	s28 =	simm.s32 $0x480;
	[sflag:s18] =	ssyncadd.s32 $0xFFFFE000  }
0x8c: {  	[tilespmem:s22], [sflag:$0x9] =	stream.indirect.gather [hbm4b:s2+s17], $0x80, s28, s17, $0xb8;
	[tilespmem:$0x15C00] =	vst v63  }
0x8d: {  	_ =	swait.ge [sflag:s7], $0x2000  }
0x8e: {  	[sflag:s7] =	ssyncset.done $0x0  }
0x8f: {  	s29 =	sadd.s32 $0x50400, s26;
	[sflag:s7] =	ssyncadd.s32 $0xFFFFE000  }
0x90: {  	[hbm4b:s29+s3] =	stream.linear.scatter [tilespmem:s1], [sflag:$0xC], $0x2000, $0x38;
	[tilespmem:$0x15C00] =	vst v63  }
0x91: {  	_ =	swait.ge [sflag:s19], $0x2000  }
0x92: {  	[sflag:s19] =	ssyncset.done $0x0  }
0x93: {  	s31 =	simm.s32 $0x4C0;
	[sflag:s19] =	ssyncadd.s32 $0xFFFFE000  }
0x94: {  	[tilespmem:s4], [sflag:$0xA] =	stream.indirect.gather [hbm4b:s2+s17], $0x80, s31, s17, $0xb8;
	[tilespmem:$0x15C00] =	vst v63  }
0x95: {  	s23 =	simm.s32 $0x500;
	s21 =	simm.s32 $0x50000;
	_ =	swait.ge [sflag:s8], $0x2000  }
0x96: {  	s25 =	sadd.s32 $0x60000, s26;
	s7 =	simm.s32 $0x1;
	[sflag:s8] =	ssyncset.done $0x0  }
0x97: {  	s1 =	simm.s32 $0x3C00;
	[sflag:s8] =	ssyncadd.s32 $0xFFFFE000;
	s8 =	simm.s32 $0x2  }
.LBB2_2:
0x98: {  	s24 =	simm.s32 $0x5C00;
	s0 =	simm.s32 $0xB  }
0x99: {  	[hbm4b:s25+s3] =	stream.linear.scatter [tilespmem:s24], [sflag:$0xD], $0x2000, $0x38;
	[tilespmem:$0x15C00] =	vst v63  }
0x9a: {  	_ =	swait.ge [sflag:s0], $0x2000  }
0x9b: {  	[sflag:s0] =	ssyncset.done $0x0  }
0x9c: {  	s26 =	simm.s32 $0x4;
	[sflag:s0] =	ssyncadd.s32 $0xFFFFE000  }
0x9d: {  	[tilespmem:s30], [sflag:$0x1] =	stream.indirect.gather [hbm4b:s2+s17], $0x80, s23, s17, $0xb8;
	[tilespmem:$0x15C00] =	vst v63  }
0x9e: {  	s4 =	simm.s32 $0xC;
	_ =	swait.ge [sflag:s26], $0x2000  }
0x9f: {  	s25 =	smov.u32 s21;
	s28 =	rddreg [dreg:$0x5];
	[sflag:s26] =	ssyncset.done $0x0  }
0xa0: {  	[sflag:s26] =	ssyncadd.s32 $0xFFFFE000;
	s28 =	sadd.s32 s25, s28;
	s26 =	simm.s32 $0x7C00  }
0xa1: {  	[hbm4b:s28+s3] =	stream.linear.scatter [tilespmem:s26], [sflag:$0xE], $0x2000, $0x38;
	[tilespmem:$0x15C00] =	vst v63  }
0xa2: {  	_ =	swait.ge [sflag:s4], $0x2000  }
0xa3: {  	[sflag:s4] =	ssyncset.done $0x0  }
0xa4: {  	s6 =	sadd.s32 $0x40, s23;
	s20 =	simm.s32 $0x5;
	[sflag:s4] =	ssyncadd.s32 $0xFFFFE000  }
0xa5: {  	[tilespmem:s1], [sflag:$0x2] =	stream.indirect.gather [hbm4b:s2+s17], $0x80, s6, s17, $0xb8;
	[tilespmem:$0x15C00] =	vst v63  }
0xa6: {  	_ =	swait.ge [sflag:s20], $0x2000  }
0xa7: {  	s29 =	simm.s32 $0x9C00;
	s22 =	rddreg [dreg:$0xb];
	[sflag:s20] =	ssyncset.done $0x0  }
0xa8: {  	s4 =	simm.s32 $0xD;
	[sflag:s20] =	ssyncadd.s32 $0xFFFFE000;
	s28 =	sadd.s32 s25, s22  }
0xa9: {  	[hbm4b:s28+s3] =	stream.linear.scatter [tilespmem:s29], [sflag:$0xF], $0x2000, $0x38;
	[tilespmem:$0x15C00] =	vst v63  }
0xaa: {  	_ =	swait.ge [sflag:s4], $0x2000  }
0xab: {  	[sflag:s4] =	ssyncset.done $0x0  }
0xac: {  	s6 =	sadd.s32 $0x80, s23;
	s22 =	simm.s32 $0x6;
	[sflag:s4] =	ssyncadd.s32 $0xFFFFE000  }
0xad: {  	[tilespmem:s24], [sflag:$0x3] =	stream.indirect.gather [hbm4b:s2+s17], $0x80, s6, s17, $0xb8;
	[tilespmem:$0x15C00] =	vst v63  }
0xae: {  	_ =	swait.ge [sflag:s22], $0x2000  }
0xaf: {  	s24 =	rddreg [dreg:$0xa];
	[sflag:s22] =	ssyncset.done $0x0  }
0xb0: {  	s31 =	simm.s32 $0xBC00;
	[sflag:s22] =	ssyncadd.s32 $0xFFFFE000;
	s28 =	sadd.s32 s25, s24  }
0xb1: {  	[hbm4b:s28+s3] =	stream.linear.scatter [tilespmem:s31], [sflag:$0x10], $0x2000, $0x38;
	[tilespmem:$0x15C00] =	vst v63  }
0xb2: {  	s28 =	simm.s32 $0xE  }
0xb3: {  	_ =	swait.ge [sflag:s28], $0x2000  }
0xb4: {  	[sflag:s28] =	ssyncset.done $0x0  }
0xb5: {  	s4 =	sadd.s32 $0xC0, s23;
	[sflag:s28] =	ssyncadd.s32 $0xFFFFE000  }
0xb6: {  	[tilespmem:s26], [sflag:$0x4] =	stream.indirect.gather [hbm4b:s2+s17], $0x80, s4, s17, $0xb8;
	[tilespmem:$0x15C00] =	vst v63  }
0xb7: {  	_ =	swait.ge [sflag:s10], $0x2000  }
0xb8: {  	s6 =	rddreg [dreg:$0x9];
	[sflag:s10] =	ssyncset.done $0x0  }
0xb9: {  	s0 =	simm.s32 $0xDC00;
	[sflag:s10] =	ssyncadd.s32 $0xFFFFE000;
	s28 =	sadd.s32 s25, s6  }
0xba: {  	[hbm4b:s28+s3] =	stream.linear.scatter [tilespmem:s0], [sflag:$0x11], $0x2000, $0x38;
	[tilespmem:$0x15C00] =	vst v63  }
0xbb: {  	_ =	swait.ge [sflag:s11], $0x2000  }
0xbc: {  	[sflag:s11] =	ssyncset.done $0x0  }
0xbd: {  	s22 =	sadd.s32 $0x100, s23;
	[sflag:s11] =	ssyncadd.s32 $0xFFFFE000  }
0xbe: {  	[tilespmem:s29], [sflag:$0x5] =	stream.indirect.gather [hbm4b:s2+s17], $0x80, s22, s17, $0xb8;
	[tilespmem:$0x15C00] =	vst v63  }
0xbf: {  	_ =	swait.ge [sflag:s12], $0x2000  }
0xc0: {  	s4 =	rddreg [dreg:$0x8];
	[sflag:s12] =	ssyncset.done $0x0  }
0xc1: {  	s22 =	simm.s32 $0xFC00;
	[sflag:s12] =	ssyncadd.s32 $0xFFFFE000;
	s28 =	sadd.s32 s25, s4  }
0xc2: {  	[hbm4b:s28+s3] =	stream.linear.scatter [tilespmem:s22], [sflag:$0x12], $0x2000, $0x38;
	[tilespmem:$0x15C00] =	vst v63  }
0xc3: {  	_ =	swait.ge [sflag:s13], $0x2000  }
0xc4: {  	[sflag:s13] =	ssyncset.done $0x0  }
0xc5: {  	s6 =	sadd.s32 $0x140, s23;
	[sflag:s13] =	ssyncadd.s32 $0xFFFFE000  }
0xc6: {  	[tilespmem:s31], [sflag:$0x6] =	stream.indirect.gather [hbm4b:s2+s17], $0x80, s6, s17, $0xb8;
	[tilespmem:$0x15C00] =	vst v63  }
0xc7: {  	_ =	swait.ge [sflag:s14], $0x2000  }
0xc8: {  	s4 =	rddreg [dreg:$0x7];
	[sflag:s14] =	ssyncset.done $0x0  }
0xc9: {  	[sflag:s14] =	ssyncadd.s32 $0xFFFFE000;
	s28 =	sadd.s32 s25, s4;
	s4 =	simm.s32 $0x11C00  }
0xca: {  	[hbm4b:s28+s3] =	stream.linear.scatter [tilespmem:s4], [sflag:$0x13], $0x2000, $0x38;
	[tilespmem:$0x15C00] =	vst v63  }
0xcb: {  	_ =	swait.ge [sflag:s15], $0x2000  }
0xcc: {  	[sflag:s15] =	ssyncset.done $0x0  }
0xcd: {  	s6 =	sadd.s32 $0x180, s23;
	[sflag:s15] =	ssyncadd.s32 $0xFFFFE000  }
0xce: {  	[tilespmem:s0], [sflag:$0x7] =	stream.indirect.gather [hbm4b:s2+s17], $0x80, s6, s17, $0xb8;
	[tilespmem:$0x15C00] =	vst v63  }
0xcf: {  	_ =	swait.ge [sflag:s5], $0x2000  }
0xd0: {  	s6 =	rddreg [dreg:$0x6];
	[sflag:s5] =	ssyncset.done $0x0  }
0xd1: {  	[sflag:s5] =	ssyncadd.s32 $0xFFFFE000;
	s28 =	sadd.s32 s25, s6;
	s6 =	simm.s32 $0x13C00  }
0xd2: {  	[hbm4b:s28+s3] =	stream.linear.scatter [tilespmem:s6], [sflag:$0x14], $0x2000, $0x38;
	[tilespmem:$0x15C00] =	vst v63  }
0xd3: {  	_ =	swait.ge [sflag:s16], $0x2000  }
0xd4: {  	[sflag:s16] =	ssyncset.done $0x0  }
0xd5: {  	s28 =	sadd.s32 $0x1C0, s23;
	[sflag:s16] =	ssyncadd.s32 $0xFFFFE000  }
0xd6: {  	[tilespmem:s22], [sflag:$0x8] =	stream.indirect.gather [hbm4b:s2+s17], $0x80, s28, s17, $0xb8;
	[tilespmem:$0x15C00] =	vst v63  }
0xd7: {  	_ =	swait.ge [sflag:s7], $0x2000  }
0xd8: {  	s22 =	rddreg [dreg:$0x4]  }
0xd9: {  	[sflag:s7] =	ssyncset.done $0x0;
	s25 =	sadd.s32 s25, s22  }
0xda: {  	[sflag:s7] =	ssyncadd.s32 $0xFFFFE000;
	s28 =	sadd.s32 $0x50000, s25  }
0xdb: {  	[hbm4b:s28+s3] =	stream.linear.scatter [tilespmem:s30], [sflag:$0xB], $0x2000, $0x38;
	[tilespmem:$0x15C00] =	vst v63  }
0xdc: {  	_ =	swait.ge [sflag:s18], $0x2000  }
0xdd: {  	[sflag:s18] =	ssyncset.done $0x0  }
0xde: {  	s28 =	sadd.s32 $0x200, s23;
	[sflag:s18] =	ssyncadd.s32 $0xFFFFE000  }
0xdf: {  	[tilespmem:s4], [sflag:$0x9] =	stream.indirect.gather [hbm4b:s2+s17], $0x80, s28, s17, $0xb8;
	[tilespmem:$0x15C00] =	vst v63  }
0xe0: {  	_ =	swait.ge [sflag:s8], $0x2000  }
0xe1: {  	p0 =	sne.s32 s21, $0x280000;
	[sflag:s8] =	ssyncset.done $0x0  }
0xe2: {  	s21 =	sadd.s32 $0x50000, s21;
	s4 =	sadd.s32 $0x50400, s25;
	[sflag:s8] =	ssyncadd.s32 $0xFFFFE000  }
0xe3: {  	[hbm4b:s4+s3] =	stream.linear.scatter [tilespmem:s1], [sflag:$0xC], $0x2000, $0x38;
	[tilespmem:$0x15C00] =	vst v63  }
0xe4: {  	s20 =	simm.s32 $0x5C00;
	s24 =	simm.s32 $0x7C00;
	_ =	swait.ge [sflag:s19], $0x2000  }
0xe5: {  	s26 =	simm.s32 $0x9C00;
	s29 =	simm.s32 $0xBC00;
	[sflag:s19] =	ssyncset.done $0x0  }
.Ltmp0:
0xe6: {  	s28 =	sadd.s32 $0x240, s23;
	[sflag:s19] =	ssyncadd.s32 $0xFFFFE000;
	(pc) =	sbr.rel @p0 .LBB2_2-.Ltmp0, $4  }
0xe7: {  	[tilespmem:s6], [sflag:$0xA] =	stream.indirect.gather [hbm4b:s2+s17], $0x80, s28, s17, $0xb8;
	[tilespmem:$0x15C00] =	vst v63  }
0xe8: {  	s31 =	simm.s32 $0xDC00;
	s0 =	simm.s32 $0xFC00;
	_ =	swait.ge [sflag:s9], $0x2000  }
0xe9: {  	s22 =	simm.s32 $0x11C00;
	s25 =	sadd.s32 $0x60000, s25;
	[sflag:s9] =	ssyncset.done $0x0  }
0xea: {  	s23 =	sadd.s32 $0x280, s23;
	s4 =	simm.s32 $0x13C00;
	[sflag:s9] =	ssyncadd.s32 $0xFFFFE000  }
0xeb: {  	[hbm4b:s25+s3] =	stream.linear.scatter [tilespmem:s20], [sflag:$0xD], $0x2000, $0x38;
	[tilespmem:$0x15C00] =	vst v63  }
0xec: {  	s1 =	simm.s32 $0xB  }
0xed: {  	_ =	swait.ge [sflag:s1], $0x2000  }
0xee: {  	[sflag:s1] =	ssyncset.done $0x0  }
0xef: {  	s23 =	simm.s32 $0x4;
	[sflag:s1] =	ssyncadd.s32 $0xFFFFE000  }
0xf0: {  	_ =	swait.ge [sflag:s23], $0x2000  }
0xf1: {  	[sflag:s23] =	ssyncset.done $0x0  }
0xf2: {  	s25 =	simm.s32 $0xC;
	s21 =	rddreg [dreg:$0x10];
	[sflag:s23] =	ssyncadd.s32 $0xFFFFE000  }
0xf3: {  	[hbm4b:s21+s3] =	stream.linear.scatter [tilespmem:s24], [sflag:$0xE], $0x2000, $0x38;
	[tilespmem:$0x15C00] =	vst v63  }
0xf4: {  	_ =	swait.ge [sflag:s25], $0x2000  }
0xf5: {  	[sflag:s25] =	ssyncset.done $0x0  }
0xf6: {  	s28 =	simm.s32 $0x5;
	[sflag:s25] =	ssyncadd.s32 $0xFFFFE000  }
0xf7: {  	_ =	swait.ge [sflag:s28], $0x2000  }
0xf8: {  	[sflag:s28] =	ssyncset.done $0x0  }
0xf9: {  	s7 =	simm.s32 $0xD;
	s6 =	rddreg [dreg:$0x11];
	[sflag:s28] =	ssyncadd.s32 $0xFFFFE000  }
0xfa: {  	[hbm4b:s6+s3] =	stream.linear.scatter [tilespmem:s26], [sflag:$0xF], $0x2000, $0x38;
	[tilespmem:$0x15C00] =	vst v63  }
0xfb: {  	_ =	swait.ge [sflag:s7], $0x2000  }
0xfc: {  	[sflag:s7] =	ssyncset.done $0x0  }
0xfd: {  	s8 =	simm.s32 $0x6;
	[sflag:s7] =	ssyncadd.s32 $0xFFFFE000  }
0xfe: {  	_ =	swait.ge [sflag:s8], $0x2000  }
0xff: {  	[sflag:s8] =	ssyncset.done $0x0  }
0x100: {  	s23 =	simm.s32 $0xE;
	s20 =	rddreg [dreg:$0x12];
	[sflag:s8] =	ssyncadd.s32 $0xFFFFE000  }
0x101: {  	[hbm4b:s20+s3] =	stream.linear.scatter [tilespmem:s29], [sflag:$0x10], $0x2000, $0x38;
	[tilespmem:$0x15C00] =	vst v63  }
0x102: {  	_ =	swait.ge [sflag:s23], $0x2000  }
0x103: {  	[sflag:s23] =	ssyncset.done $0x0  }
0x104: {  	[sflag:s23] =	ssyncadd.s32 $0xFFFFE000  }
0x105: {  	_ =	swait.ge [sflag:s10], $0x2000  }
0x106: {  	[sflag:s10] =	ssyncset.done $0x0  }
0x107: {  	s24 =	rddreg [dreg:$0x13];
	[sflag:s10] =	ssyncadd.s32 $0xFFFFE000  }
0x108: {  	[hbm4b:s24+s3] =	stream.linear.scatter [tilespmem:s31], [sflag:$0x11], $0x2000, $0x38;
	[tilespmem:$0x15C00] =	vst v63  }
0x109: {  	_ =	swait.ge [sflag:s11], $0x2000  }
0x10a: {  	[sflag:s11] =	ssyncset.done $0x0  }
0x10b: {  	[sflag:s11] =	ssyncadd.s32 $0xFFFFE000  }
0x10c: {  	_ =	swait.ge [sflag:s12], $0x2000  }
0x10d: {  	[sflag:s12] =	ssyncset.done $0x0  }
0x10e: {  	s25 =	rddreg [dreg:$0x14];
	[sflag:s12] =	ssyncadd.s32 $0xFFFFE000  }
0x10f: {  	[hbm4b:s25+s3] =	stream.linear.scatter [tilespmem:s0], [sflag:$0x12], $0x2000, $0x38;
	[tilespmem:$0x15C00] =	vst v63  }
0x110: {  	_ =	swait.ge [sflag:s13], $0x2000  }
0x111: {  	[sflag:s13] =	ssyncset.done $0x0  }
0x112: {  	[sflag:s13] =	ssyncadd.s32 $0xFFFFE000  }
0x113: {  	_ =	swait.ge [sflag:s14], $0x2000  }
0x114: {  	[sflag:s14] =	ssyncset.done $0x0  }
0x115: {  	s26 =	rddreg [dreg:$0x15];
	[sflag:s14] =	ssyncadd.s32 $0xFFFFE000  }
0x116: {  	[hbm4b:s26+s3] =	stream.linear.scatter [tilespmem:s22], [sflag:$0x13], $0x2000, $0x38;
	[tilespmem:$0x15C00] =	vst v63  }
0x117: {  	_ =	swait.ge [sflag:s15], $0x2000  }
0x118: {  	[sflag:s15] =	ssyncset.done $0x0  }
0x119: {  	[sflag:s15] =	ssyncadd.s32 $0xFFFFE000  }
0x11a: {  	_ =	swait.ge [sflag:s5], $0x2000  }
0x11b: {  	[sflag:s5] =	ssyncset.done $0x0  }
0x11c: {  	s28 =	rddreg [dreg:$0x16];
	[sflag:s5] =	ssyncadd.s32 $0xFFFFE000  }
0x11d: {  	[hbm4b:s28+s3] =	stream.linear.scatter [tilespmem:s4], [sflag:$0x14], $0x2000, $0x38;
	[tilespmem:$0x15C00] =	vst v63  }
0x11e: {  	_ =	swait.ge [sflag:s16], $0x2000  }
0x11f: {  	[sflag:s16] =	ssyncset.done $0x0  }
0x120: {  	[sflag:s16] =	ssyncadd.s32 $0xFFFFE000  }
0x121: {  	_ =	swait.ge [sflag:s18], $0x2000  }
0x122: {  	[sflag:s18] =	ssyncset.done $0x0  }
0x123: {  	[sflag:s18] =	ssyncadd.s32 $0xFFFFE000  }
0x124: {  	_ =	swait.ge [sflag:s19], $0x2000  }
0x125: {  	s29 =	rddreg [dreg:$0x18]  }
0x126: {  	s31 =	rddreg [dreg:$0x17];
	s0 =	sadd.s32 $0x1, s29  }
0x127: {  	p0 =	sne.s32 s0, s31  }
.Ltmp1:
0x128: {  	_ = 	snop;
	(pc) =	sbr.rel @p0 .LBB2_1-.Ltmp1, $4  }
0x129: {  	_ = 	snop  }
0x12a: {  	s1 =	simm.s32 $0x3C00  }
0x12b: {  	s6 =	simm.s32 $0x1;
	s7 =	simm.s32 $0x2;
	[sflag:s19] =	ssyncset.done $0x0  }
0x12c: {  	s8 =	simm.s32 $0x3;
	s25 =	simm.s32 $0x1C00;
	[sflag:s19] =	ssyncadd.s32 $0xFFFFE000  }
0x12d: {  	_ =	sfence.sel $0x180000  }
0x12e: {  	[bflag:$0x0] =	sbarrier.arrive $0xFFFF  }
0x12f: {  	_ =	strace $0x90000047  }
0x130: {  	s0 =	stileid.u32;
	[bflag:$0x2] =	sbarrier.arrive $0xFFFF  }
0x131: {  	p0 =	sne.s32 s0, $0x0;
	s0 =	rddreg [dreg:$0x3]  }
0x132: {  	s0 =	sadd.s32 @!p0 $0x100000, s0  }
0x133: {  	[sflag:s0] =	ssyncadd.tile.s32 @!p0 $0x1;
	_ =	shalt  }
.Lfunc_end2:
_tile_overlayer_lowered:
.L_overlay_start_2:
0x134: {  	(tag) =	ssettag $0x2  }
0x135: {  	s0 =	rddreg [dreg:$0x0];
	s2 =	stileid.u32  }
0x136: {  	s1 =	rddreg [dreg:$0x1];
	p0 =	sne.s32 s2, $0x0  }
0x137: {  	s3 =	rddreg [dreg:$0x2];
	[bflag:$0x3] =	sbarrier.arrive $0xFFFF;
	s2 =	simm.s32 @!p0 $0x1C15  }
0x138: {  	[timem:s3], [sflag:s2] =	dma.local @!p0 [hbm:s0], s1  }
0x139: {  	s0 =	simm.s32 @!p0 $0x15  }
0x13a: {  	_ =	swait.ge @!p0 [sflag:s0], s1  }
0x13b: {  	s1 =	ssub.s32 @!p0 $0x0, s1;
	[sflag:s0] =	ssyncset.done @!p0 $0x0  }
0x13c: {  	[sflag:s0] =	ssyncadd.s32 @!p0 s1  }
0x13d: {  	[bflag:$0x3] =	sbarrier.arrive $0xFFFF  }
0x13e: {  	_ =	shalt  }

</sc_bundles>
